<compile_context>
chip_gen: v7x
topology: tpu7x:2x2x1
jax: 0.10.2.dev20260603
libtpu: 0.0.44.dev20260713+nightly
codegen_flags: <defaults>
</compile_context>

<pallas_src>
import functools

import jax
import jax.numpy as jnp
from jax import lax
from jax.experimental import pallas as pl
from jax.experimental.pallas import tpu as pltpu
from jax.experimental.pallas import tpu_sc as plsc

N = 10000
E = 320000
D = 128
L = 16
NC = 2
NS = 16
NW = NC * NS
N_PAD = 10240
CH = 128
E_TOT = E + N
NBLK = 3
SB = 28
NCHUNK = NBLK * SB
E_PAD = NW * NCHUNK * CH
ROWS_PER_TILE = N_PAD // NS


def _matmul(xp, w):
    blk = 1280

    def body(x_ref, w_ref, xw_ref):
        xw_ref[...] = jnp.dot(x_ref[...], w_ref[...],
                              preferred_element_type=jnp.float32)

    return pl.pallas_call(
        body,
        grid=(N_PAD // blk,),
        in_specs=[pl.BlockSpec((blk, D), lambda i: (i, 0)),
                  pl.BlockSpec((D, D), lambda i: (0, 0))],
        out_specs=pl.BlockSpec((blk, D), lambda i: (i, 0)),
        out_shape=jax.ShapeDtypeStruct((N_PAD, D), jnp.float32),
    )(xp, w)


def _dis_tc(degp3):
    blk = 1280

    def body(d_ref, dis_ref):
        d = d_ref[:, 0, :] + d_ref[:, 1, :]
        dis_ref[...] = jnp.expand_dims(
            jnp.where(d > 0.0, lax.rsqrt(jnp.maximum(d, 1e-12)), 0.0), 1)

    return pl.pallas_call(
        body,
        grid=(N_PAD // blk,),
        in_specs=[pl.BlockSpec((1, NC, blk), lambda i: (i, 0, 0))],
        out_specs=pl.BlockSpec((1, 1, blk), lambda i: (i, 0, 0)),
        out_shape=jax.ShapeDtypeStruct((N_PAD // blk, 1, blk), jnp.float32),
    )(degp3)


def _sc_deg(col2, ew2):
    mesh = plsc.VectorSubcoreMesh(core_axis_name="c", subcore_axis_name="s")

    @functools.partial(
        pl.kernel,
        out_type=jax.ShapeDtypeStruct((NC * N_PAD,), jnp.float32),
        mesh=mesh,
        scratch_types=[
            pltpu.VMEM((SB, CH), jnp.int32),
            pltpu.VMEM((SB, CH), jnp.float32),
            pltpu.VMEM((ROWS_PER_TILE,), jnp.float32),
            pltpu.VMEM_SHARED((N_PAD,), jnp.float32),
            pltpu.SemaphoreType.DMA,
        ],
    )
    def k(col_hbm, ew_hbm, deg_hbm, colv, ewv, zv, degsh, dsem):
        c = lax.axis_index("c")
        s = lax.axis_index("s")
        wid = s * NC + c

        def zbody(i, _):
            zv[pl.ds(i * L, L)] = jnp.zeros((L,), jnp.float32)
            return 0

        lax.fori_loop(0, ROWS_PER_TILE // L, zbody, 0)
        pltpu.sync_copy(zv, degsh.at[pl.ds(s * ROWS_PER_TILE, ROWS_PER_TILE)])
        plsc.subcore_barrier()

        def blk(bi, _):
            pltpu.sync_copy(col_hbm.at[wid * NBLK + bi], colv)
            pltpu.sync_copy(ew_hbm.at[wid * NBLK + bi], ewv)

            def body(j, _):
                pltpu.async_copy(ewv.at[j], degsh.at[colv.at[j]], dsem,
                                 add=True)
                return 0

            lax.fori_loop(0, SB, body, 0)

            def drain(j, _):
                pltpu.make_async_copy(
                    ewv.at[0], degsh.at[colv.at[0]], dsem).wait()
                return 0

            lax.fori_loop(0, SB, drain, 0)
            return 0

        lax.fori_loop(0, NBLK, blk, 0)
        plsc.subcore_barrier()
        off = (s // 2) * (NC * 1280) + c * 1280 + (s % 2) * ROWS_PER_TILE
        pltpu.sync_copy(
            degsh.at[pl.ds(s * ROWS_PER_TILE, ROWS_PER_TILE)],
            deg_hbm.at[pl.ds(off, ROWS_PER_TILE)])

    return k(col2, ew2)


def _sc_msgs(xw, dis2, row2, col2, ew2):
    mesh = plsc.VectorSubcoreMesh(core_axis_name="c", subcore_axis_name="s")

    @functools.partial(
        pl.kernel,
        out_type=jax.ShapeDtypeStruct((NC * N_PAD, D), jnp.float32),
        mesh=mesh,
        scratch_types=[
            pltpu.VMEM((SB, CH), jnp.int32),
            pltpu.VMEM((SB, CH), jnp.int32),
            pltpu.VMEM((SB, CH), jnp.float32),
            pltpu.VMEM((CH + L,), jnp.float32),
            pltpu.VMEM((CH + L,), jnp.float32),
            pltpu.VMEM((CH + L,), jnp.float32),
            pltpu.VMEM((ROWS_PER_TILE + L,), jnp.float32),
            pltpu.VMEM((CH, D), jnp.float32),
            pltpu.VMEM((CH, D), jnp.float32),
            pltpu.VMEM_SHARED((N_PAD, D), jnp.float32),
            pltpu.SemaphoreType.DMA,
            pltpu.SemaphoreType.DMA,
            pltpu.SemaphoreType.DMA,
            pltpu.SemaphoreType.DMA,
            pltpu.SemaphoreType.DMA,
            pltpu.SemaphoreType.DMA,
        ],
    )
    def k(xw_hbm, dis_hbm, row_hbm, col_hbm, ew_hbm, out_hbm,
          rowv, colv, ewv, fbuf, drow0, drow1, dcol, rbuf0, rbuf1, outsh,
          gsem0, gsem1, dsem0, dsem1, ssem0, ssem1):
        c = lax.axis_index("c")
        s = lax.axis_index("s")
        wid = s * NC + c

        def z1(e, _):
            for g in range(D // L):
                rbuf0[e, pl.ds(g * L, L)] = jnp.zeros((L,), jnp.float32)
            return 0

        lax.fori_loop(0, CH, z1, 0)
        for t in range(ROWS_PER_TILE // CH):
            pltpu.sync_copy(
                rbuf0, outsh.at[pl.ds(s * ROWS_PER_TILE + t * CH, CH)])

        plsc.subcore_barrier()

        def gather(j, rb, gs, dr, dsm):
            pltpu.async_copy(xw_hbm.at[rowv.at[j]], rb, gs)
            pltpu.async_copy(dis_hbm.at[rowv.at[j]], dr.at[pl.ds(0, CH)], dsm)

        def wait_scatter(rb, ssm):
            pltpu.make_async_copy(rb, outsh.at[colv.at[0]], ssm).wait()

        def process(j, rb, gs, dr, dsm, ssm):
            pltpu.make_async_copy(
                dis_hbm.at[rowv.at[j]], dr.at[pl.ds(0, CH)], dsm).wait()
            for g in range(CH // L):
                fbuf[pl.ds(g * L, L)] = (
                    ewv[j, pl.ds(g * L, L)] * dr[pl.ds(g * L, L)])
            pltpu.make_async_copy(xw_hbm.at[rowv.at[j]], rb, gs).wait()

            def sbody(e, _):
                fs = fbuf[pl.ds(e, L)][0]
                for g in range(D // L):
                    rb[e, pl.ds(g * L, L)] = rb[e, pl.ds(g * L, L)] * fs
                return 0

            lax.fori_loop(0, CH, sbody, 0)
            pltpu.async_copy(rb, outsh.at[colv.at[j]], ssm, add=True)

        def blk(bi, _):
            pltpu.sync_copy(row_hbm.at[wid * NBLK + bi], rowv)
            pltpu.sync_copy(col_hbm.at[wid * NBLK + bi], colv)
            pltpu.sync_copy(ew_hbm.at[wid * NBLK + bi], ewv)
            gather(0, rbuf0, gsem0, drow0, dsem0)

            def pair(pp, _):
                a = 2 * pp

                @pl.when(pp > 0)
                def _():
                    wait_scatter(rbuf1, ssem1)

                gather(a + 1, rbuf1, gsem1, drow1, dsem1)
                process(a, rbuf0, gsem0, drow0, dsem0, ssem0)
                process(a + 1, rbuf1, gsem1, drow1, dsem1, ssem1)

                @pl.when(pp + 1 < SB // 2)
                def _():
                    wait_scatter(rbuf0, ssem0)
                    gather(a + 2, rbuf0, gsem0, drow0, dsem0)

                return 0

            lax.fori_loop(0, SB // 2, pair, 0)
            wait_scatter(rbuf0, ssem0)
            wait_scatter(rbuf1, ssem1)
            return 0

        lax.fori_loop(0, NBLK, blk, 0)
        plsc.subcore_barrier()

        nt = ROWS_PER_TILE // CH
        pltpu.sync_copy(dis_hbm.at[pl.ds(s * ROWS_PER_TILE, ROWS_PER_TILE)],
                        dcol.at[pl.ds(0, ROWS_PER_TILE)])

        def rd(t, buf, sem):
            return (outsh.at[pl.ds(s * ROWS_PER_TILE + t * CH, CH)], buf, sem)

        def wr(t, buf, sem):
            return (buf,
                    out_hbm.at[pl.ds(c * N_PAD + s * ROWS_PER_TILE + t * CH,
                                     CH)], sem)

        pltpu.async_copy(*rd(0, rbuf0, gsem0))
        for t in range(nt):
            buf, rs, ws = ((rbuf0, gsem0, ssem0) if t % 2 == 0
                           else (rbuf1, gsem1, ssem1))
            pltpu.make_async_copy(*rd(t, buf, rs)).wait()
            if t + 1 < nt:
                nbuf, nrs, nws = ((rbuf1, gsem1, ssem1) if t % 2 == 0
                                  else (rbuf0, gsem0, ssem0))
                if t >= 1:
                    pltpu.make_async_copy(*wr(t - 1, nbuf, nws)).wait()
                pltpu.async_copy(*rd(t + 1, nbuf, nrs))

            def scl(r, _, t=t, buf=buf):
                dsc = dcol[pl.ds(t * CH + r, L)][0]
                for g in range(D // L):
                    buf[r, pl.ds(g * L, L)] = buf[r, pl.ds(g * L, L)] * dsc
                return 0

            lax.fori_loop(0, CH, scl, 0)
            pltpu.async_copy(*wr(t, buf, ws))
        pltpu.make_async_copy(*wr(nt - 2, rbuf1, ssem1)).wait()
        pltpu.make_async_copy(*wr(nt - 1, rbuf0, ssem0)).wait()

    return k(xw, dis2, row2, col2, ew2)


def _finish(partials, b):
    blk = 1000
    b2 = b.reshape(1, D)

    def body(p_ref, b_ref, o_ref):
        o_ref[...] = jnp.maximum(p_ref[0] + p_ref[1] + b_ref[...], 0.0)

    return pl.pallas_call(
        body,
        grid=(N // blk,),
        in_specs=[pl.BlockSpec((NC, blk, D), lambda i: (0, i, 0)),
                  pl.BlockSpec((1, D), lambda i: (0, 0))],
        out_specs=pl.BlockSpec((blk, D), lambda i: (i, 0)),
        out_shape=jax.ShapeDtypeStruct((N, D), jnp.float32),
    )(partials, b2)


def kernel(node_features, edge_index_, edge_weight_, W, b):
    row = edge_index_[0].astype(jnp.int32)
    col = edge_index_[1].astype(jnp.int32)
    ew = edge_weight_.astype(jnp.float32)

    loop = jnp.arange(N, dtype=jnp.int32)
    n_fill = E_PAD - E_TOT
    pidx = N + (jnp.arange(n_fill, dtype=jnp.int32) % (N_PAD - N))
    row_all = jnp.concatenate([row, loop, pidx]).reshape(NW * NBLK, SB, CH)
    col_all = jnp.concatenate([col, loop, pidx]).reshape(NW * NBLK, SB, CH)
    ew_all = jnp.concatenate(
        [ew, jnp.ones((N,), jnp.float32), jnp.zeros((n_fill,), jnp.float32)]
    ).reshape(NW * NBLK, SB, CH)

    xp = jnp.pad(node_features, ((0, N_PAD - N), (0, 0)))
    xw = _matmul(xp, W)
    degp = _sc_deg(col_all, ew_all).reshape(8, NC, 1280)
    dis2 = _dis_tc(degp)
    partials = _sc_msgs(xw, dis2.reshape(N_PAD), row_all, col_all, ew_all)
    return _finish(partials.reshape(NC, N_PAD, D), b)

# --- scband reference (transcript-rebuilt; emitter-appended) ---
"""Pipeline reference for scband-network-21062519620339 (READ-ONLY COPY).

The authoritative reference and input builder live on the scoring server;
editing this copy changes nothing except your own understanding.
"""

import jax, jax.numpy as jnp
import numpy as np

N_NODES = 10000
N_EDGES = 320000
D_IN = 128
D_OUT = 128

def setup_inputs(seed: int = 0) -> dict:
    key = jax.random.key(seed)
    k1, k2, k3, k4, k5 = jax.random.split(key, 5)
    node_features = jax.random.normal(k1, (N_NODES, D_IN), dtype=jnp.float32)
    edge_index_ = jax.random.randint(k2, (2, N_EDGES), 0, N_NODES, dtype=jnp.int64)
    edge_weight_ = jax.random.uniform(k3, (N_EDGES,), dtype=jnp.float32)
    # GCNConv learned parameters (glorot-style init)
    W = jax.random.normal(k4, (D_IN, D_OUT), dtype=jnp.float32) * (1.0 / np.sqrt(D_IN))
    b = jnp.zeros((D_OUT,), dtype=jnp.float32)
    return {"node_features": node_features, "edge_index_": edge_index_, "edge_weight_": edge_weight_, "W": W, "b": b}

def _gcn_conv(x, edge_index, edge_weight, W, b):
    N = x.shape[0]
    row = edge_index[0]
    col = edge_index[1]
    # add self-loops with weight 1.0 (PyG GCNConv default)
    loop = jnp.arange(N, dtype=edge_index.dtype)
    row = jnp.concatenate([row, loop])
    col = jnp.concatenate([col, loop])
    ew = jnp.concatenate([edge_weight, jnp.ones((N,), dtype=x.dtype)])
    # symmetric normalization D^{-1/2} A D^{-1/2}
    deg = jnp.zeros((N,), dtype=x.dtype).at[col].add(ew)
    deg_inv_sqrt = jnp.where(deg > 0, jax.lax.rsqrt(jnp.maximum(deg, 1e-12)), 0.0)
    norm = deg_inv_sqrt[row] * ew * deg_inv_sqrt[col]
    # linear transform then gather-multiply-scatter
    xw = x @ W
    msgs = xw[row] * norm[:, None]
    out = jnp.zeros((N, W.shape[1]), dtype=x.dtype).at[col].add(msgs)
    return out + b

def reference(node_features, edge_index_, edge_weight_, W, b):
    x = _gcn_conv(node_features, edge_index_, edge_weight_, W, b)
    x = jax.nn.relu(x)
    # dropout p=0.001 is identity in eval mode
    return x

if False:  # reference __main__ guard neutralized (emitter)
    inp = setup_inputs()
    out = reference(**inp)
    print(out.shape, out.dtype)

if __name__ == "__main__":
    import jax
    _d = setup_inputs()
    print(jax.jit(kernel)(*tuple(_d.values())))

</pallas_src>

<mosaic_0001>
#map = affine_map<(d0, d1) -> (0, 0, 0)>
#map1 = affine_map<(d0, d1) -> (0)>
module attributes {stable_mosaic.version = 14 : i64} {
  func.func @k(%arg0: i32, %arg1: i32, %arg2: memref<96x28x128xi32, #tpu.memory_space<hbm>>, %arg3: memref<96x28x128xf32, #tpu.memory_space<hbm>>, %arg4: memref<20480xf32, #tpu.memory_space<hbm>>, %arg5: memref<28x128xi32, #tpu.memory_space<vmem>>, %arg6: memref<28x128xf32, #tpu.memory_space<vmem>>, %arg7: memref<640xf32, #tpu.memory_space<vmem>>, %arg8: memref<10240xf32, #tpu.memory_space<vmem_shared>>, %arg9: memref<!tpu.dma_semaphore, #tpu.memory_space<semaphore_mem>>) attributes {dimension_semantics = [#tpu.dimension_semantics<core_parallel>, #tpu.dimension_semantics<subcore_parallel>], iteration_bounds = array<i64: 2, 16>, scalar_prefetch = 0 : i64, scratch_operands = 5 : i64, tpu.core_type = #tpu.core_type<sc_vector_subcore>, window_params = [{transform_indices = #map}, {transform_indices = #map}, {transform_indices = #map1}]} {
    %mul3A = arith.constant 2 : i32
    %mul3A_0 = arith.muli %arg1, %mul3A : i32
    %add3A = arith.addi %mul3A_0, %arg0 : i32
    %scan3A = arith.constant 0 : i32
    %scan3A_1 = arith.constant 0 : i32
    %scan3A_2 = arith.constant 40 : i32
    %scan3A_3 = arith.addi %scan3A_1, %scan3A_2 : i32
    %scan3A_4 = arith.constant 1 : i32
    %scan3A_5 = scf.for %scan3A_57 = %scan3A_1 to %scan3A_3 step %scan3A_4 iter_args(%scan3A_58 = %scan3A) -> (i32)  : i32 {
      %broadcast_in_dim3A = arith.constant 0.000000e+00 : f32
      %broadcast_in_dim3A_59 = vector.broadcast %broadcast_in_dim3A : f32 to vector<16xf32>
      %mul3A_60 = arith.constant 16 : i32
      %mul3A_61 = arith.muli %scan3A_57, %mul3A_60 : i32
      %swap3A = arith.index_cast %mul3A_61 : i32 to index
      %swap3A_62 = tpu.vector_load %arg7[%swap3A] {strides = array<i32>} : memref<640xf32, #tpu.memory_space<vmem>>, vector<16xf32>,
      %swap3A_63 = vector.shape_cast %swap3A_62 : vector<16xf32> to vector<16xf32>
      %swap3A_64 = vector.shape_cast %broadcast_in_dim3A_59 : vector<16xf32> to vector<16xf32>
      tpu.vector_store %arg7[%swap3A], %swap3A_64 {strides = array<i32>} : memref<640xf32, #tpu.memory_space<vmem>>, vector<16xf32>,
      %scan3A_65 = arith.constant 0 : i32
      scf.yield %scan3A_65 : i32
    }
    %scan3A_6 = arith.constant 40 : i32
    %mul3A_7 = arith.constant 640 : i32
    %mul3A_8 = arith.muli %arg1, %mul3A_7 : i32
    "tpu.region"() ({
      %run_scoped3A = tpu.sem_alloc : memref<!tpu.dma_semaphore, #tpu.memory_space<semaphore_mem>>
      %dma_start3A = tpu.memref_slice %arg8[%mul3A_8] : memref<10240xf32, #tpu.memory_space<vmem_shared>> -> memref<640xf32, #tpu.memory_space<vmem_shared>>
      %dma_start3A_57 = tpu.memref_slice %arg8[%mul3A_8] : memref<10240xf32, #tpu.memory_space<vmem_shared>> -> memref<640xf32, #tpu.memory_space<vmem_shared>>
      tpu.enqueue_dma source(%arg7 : memref<640xf32, #tpu.memory_space<vmem>>) target(%dma_start3A_57 : memref<640xf32, #tpu.memory_space<vmem_shared>>) target_semaphore(%run_scoped3A : memref<!tpu.dma_semaphore, #tpu.memory_space<semaphore_mem>>)
      %dma_wait3A = tpu.memref_slice %arg8[%mul3A_8] : memref<10240xf32, #tpu.memory_space<vmem_shared>> -> memref<640xf32, #tpu.memory_space<vmem_shared>>
      %dma_wait3A_58 = tpu.memref_slice %arg8[%mul3A_8] : memref<10240xf32, #tpu.memory_space<vmem_shared>> -> memref<640xf32, #tpu.memory_space<vmem_shared>>
      tpu.wait_dma2 semaphore(%run_scoped3A : memref<!tpu.dma_semaphore, #tpu.memory_space<semaphore_mem>>) src(%arg7 : memref<640xf32, #tpu.memory_space<vmem>>) dst(%dma_wait3A_58 : memref<640xf32, #tpu.memory_space<vmem_shared>>)
      tpu.yield
    }) : () -> ()
    %barrier3A = arith.constant 0 : index
    tpu.barrier barrier_id(%barrier3A)
    %scan3A_9 = arith.constant 0 : i32
    %scan3A_10 = arith.constant 0 : i32
    %scan3A_11 = arith.constant 3 : i32
    %scan3A_12 = arith.addi %scan3A_10, %scan3A_11 : i32
    %scan3A_13 = arith.constant 1 : i32
    %scan3A_14 = scf.for %scan3A_57 = %scan3A_10 to %scan3A_12 step %scan3A_13 iter_args(%scan3A_58 = %scan3A_9) -> (i32)  : i32 {
      %mul3A_59 = arith.constant 3 : i32
      %mul3A_60 = arith.muli %add3A, %mul3A_59 : i32
      %add3A_61 = arith.addi %mul3A_60, %scan3A_57 : i32
      "tpu.region"() ({
        %run_scoped3A = tpu.sem_alloc : memref<!tpu.dma_semaphore, #tpu.memory_space<semaphore_mem>>
        %dma_start3A = arith.constant 0 : i32
        %dma_start3A_80 = arith.constant 0 : i32
        %dma_start3A_81 = tpu.memref_slice %arg2[%add3A_61, %dma_start3A, %dma_start3A_80] : memref<96x28x128xi32, #tpu.memory_space<hbm>> -> memref<1x28x128xi32, #tpu.memory_space<hbm>>
        %dma_start3A_82 = tpu.memref_squeeze %dma_start3A_81 : memref<1x28x128xi32, #tpu.memory_space<hbm>> -> memref<28x128xi32, #tpu.memory_space<hbm>>
        %dma_start3A_83 = arith.constant 0 : i32
        %dma_start3A_84 = arith.constant 0 : i32
        %dma_start3A_85 = tpu.memref_slice %arg2[%add3A_61, %dma_start3A_83, %dma_start3A_84] : memref<96x28x128xi32, #tpu.memory_space<hbm>> -> memref<1x28x128xi32, #tpu.memory_space<hbm>>
        %dma_start3A_86 = tpu.memref_squeeze %dma_start3A_85 : memref<1x28x128xi32, #tpu.memory_space<hbm>> -> memref<28x128xi32, #tpu.memory_space<hbm>>
        tpu.enqueue_dma source(%dma_start3A_86 : memref<28x128xi32, #tpu.memory_space<hbm>>) target(%arg5 : memref<28x128xi32, #tpu.memory_space<vmem>>) target_semaphore(%run_scoped3A : memref<!tpu.dma_semaphore, #tpu.memory_space<semaphore_mem>>)
        %dma_wait3A = arith.constant 0 : i32
        %dma_wait3A_87 = arith.constant 0 : i32
        %dma_wait3A_88 = tpu.memref_slice %arg2[%add3A_61, %dma_wait3A, %dma_wait3A_87] : memref<96x28x128xi32, #tpu.memory_space<hbm>> -> memref<1x28x128xi32, #tpu.memory_space<hbm>>
        %dma_wait3A_89 = tpu.memref_squeeze %dma_wait3A_88 : memref<1x28x128xi32, #tpu.memory_space<hbm>> -> memref<28x128xi32, #tpu.memory_space<hbm>>
        %dma_wait3A_90 = arith.constant 0 : i32
        %dma_wait3A_91 = arith.constant 0 : i32
        %dma_wait3A_92 = tpu.memref_slice %arg2[%add3A_61, %dma_wait3A_90, %dma_wait3A_91] : memref<96x28x128xi32, #tpu.memory_space<hbm>> -> memref<1x28x128xi32, #tpu.memory_space<hbm>>
        %dma_wait3A_93 = tpu.memref_squeeze %dma_wait3A_92 : memref<1x28x128xi32, #tpu.memory_space<hbm>> -> memref<28x128xi32, #tpu.memory_space<hbm>>
        tpu.wait_dma2 semaphore(%run_scoped3A : memref<!tpu.dma_semaphore, #tpu.memory_space<semaphore_mem>>) src(%dma_wait3A_93 : memref<28x128xi32, #tpu.memory_space<hbm>>) dst(%arg5 : memref<28x128xi32, #tpu.memory_space<vmem>>)
        tpu.yield
      }) : () -> ()
      %mul3A_62 = arith.constant 3 : i32
      %mul3A_63 = arith.muli %add3A, %mul3A_62 : i32
      %add3A_64 = arith.addi %mul3A_63, %scan3A_57 : i32
      "tpu.region"() ({
        %run_scoped3A = tpu.sem_alloc : memref<!tpu.dma_semaphore, #tpu.memory_space<semaphore_mem>>
        %dma_start3A = arith.constant 0 : i32
        %dma_start3A_80 = arith.constant 0 : i32
        %dma_start3A_81 = tpu.memref_slice %arg3[%add3A_64, %dma_start3A, %dma_start3A_80] : memref<96x28x128xf32, #tpu.memory_space<hbm>> -> memref<1x28x128xf32, #tpu.memory_space<hbm>>
        %dma_start3A_82 = tpu.memref_squeeze %dma_start3A_81 : memref<1x28x128xf32, #tpu.memory_space<hbm>> -> memref<28x128xf32, #tpu.memory_space<hbm>>
        %dma_start3A_83 = arith.constant 0 : i32
        %dma_start3A_84 = arith.constant 0 : i32
        %dma_start3A_85 = tpu.memref_slice %arg3[%add3A_64, %dma_start3A_83, %dma_start3A_84] : memref<96x28x128xf32, #tpu.memory_space<hbm>> -> memref<1x28x128xf32, #tpu.memory_space<hbm>>
        %dma_start3A_86 = tpu.memref_squeeze %dma_start3A_85 : memref<1x28x128xf32, #tpu.memory_space<hbm>> -> memref<28x128xf32, #tpu.memory_space<hbm>>
        tpu.enqueue_dma source(%dma_start3A_86 : memref<28x128xf32, #tpu.memory_space<hbm>>) target(%arg6 : memref<28x128xf32, #tpu.memory_space<vmem>>) target_semaphore(%run_scoped3A : memref<!tpu.dma_semaphore, #tpu.memory_space<semaphore_mem>>)
        %dma_wait3A = arith.constant 0 : i32
        %dma_wait3A_87 = arith.constant 0 : i32
        %dma_wait3A_88 = tpu.memref_slice %arg3[%add3A_64, %dma_wait3A, %dma_wait3A_87] : memref<96x28x128xf32, #tpu.memory_space<hbm>> -> memref<1x28x128xf32, #tpu.memory_space<hbm>>
        %dma_wait3A_89 = tpu.memref_squeeze %dma_wait3A_88 : memref<1x28x128xf32, #tpu.memory_space<hbm>> -> memref<28x128xf32, #tpu.memory_space<hbm>>
        %dma_wait3A_90 = arith.constant 0 : i32
        %dma_wait3A_91 = arith.constant 0 : i32
        %dma_wait3A_92 = tpu.memref_slice %arg3[%add3A_64, %dma_wait3A_90, %dma_wait3A_91] : memref<96x28x128xf32, #tpu.memory_space<hbm>> -> memref<1x28x128xf32, #tpu.memory_space<hbm>>
        %dma_wait3A_93 = tpu.memref_squeeze %dma_wait3A_92 : memref<1x28x128xf32, #tpu.memory_space<hbm>> -> memref<28x128xf32, #tpu.memory_space<hbm>>
        tpu.wait_dma2 semaphore(%run_scoped3A : memref<!tpu.dma_semaphore, #tpu.memory_space<semaphore_mem>>) src(%dma_wait3A_93 : memref<28x128xf32, #tpu.memory_space<hbm>>) dst(%arg6 : memref<28x128xf32, #tpu.memory_space<vmem>>)
        tpu.yield
      }) : () -> ()
      %scan3A_65 = arith.constant 0 : i32
      %scan3A_66 = arith.constant 0 : i32
      %scan3A_67 = arith.constant 28 : i32
      %scan3A_68 = arith.addi %scan3A_66, %scan3A_67 : i32
      %scan3A_69 = arith.constant 1 : i32
      %scan3A_70 = scf.for %scan3A_80 = %scan3A_66 to %scan3A_68 step %scan3A_69 iter_args(%scan3A_81 = %scan3A_65) -> (i32)  : i32 {
        %dma_start3A = arith.constant 0 : i32
        %dma_start3A_82 = tpu.memref_slice %arg6[%scan3A_80, %dma_start3A] : memref<28x128xf32, #tpu.memory_space<vmem>> -> memref<1x128xf32, #tpu.memory_space<vmem>>
        %dma_start3A_83 = tpu.memref_squeeze %dma_start3A_82 : memref<1x128xf32, #tpu.memory_space<vmem>> -> memref<128xf32, #tpu.memory_space<vmem>>
        %dma_start3A_84 = arith.constant 0 : i32
        %dma_start3A_85 = tpu.memref_slice %arg5[%scan3A_80, %dma_start3A_84] : memref<28x128xi32, #tpu.memory_space<vmem>> -> memref<1x128xi32, #tpu.memory_space<vmem>>
        %dma_start3A_86 = tpu.memref_squeeze %dma_start3A_85 : memref<1x128xi32, #tpu.memory_space<vmem>> -> memref<128xi32, #tpu.memory_space<vmem>>
        %dma_start3A_87 = arith.constant 0 : i32
        %dma_start3A_88 = tpu.memref_slice %arg8[%dma_start3A_87] : memref<10240xf32, #tpu.memory_space<vmem_shared>> -> memref<10240xf32, #tpu.memory_space<vmem_shared>>
        tpu.enqueue_indirect_dma source(%dma_start3A_83 : memref<128xf32, #tpu.memory_space<vmem>>) target(%dma_start3A_88 : memref<10240xf32, #tpu.memory_space<vmem_shared>>) offsets(%dma_start3A_86 : memref<128xi32, #tpu.memory_space<vmem>>) semaphore(%arg9 : memref<!tpu.dma_semaphore, #tpu.memory_space<semaphore_mem>>) {add = true}
        %scan3A_89 = arith.constant 0 : i32
        scf.yield %scan3A_89 : i32
      }
      %scan3A_71 = arith.constant 28 : i32
      %scan3A_72 = arith.constant 0 : i32
      %scan3A_73 = arith.constant 0 : i32
      %scan3A_74 = arith.constant 28 : i32
      %scan3A_75 = arith.addi %scan3A_73, %scan3A_74 : i32
      %scan3A_76 = arith.constant 1 : i32
      %scan3A_77 = scf.for %scan3A_80 = %scan3A_73 to %scan3A_75 step %scan3A_76 iter_args(%scan3A_81 = %scan3A_72) -> (i32)  : i32 {
        %dma_wait3A = arith.constant 0 : i32
        %dma_wait3A_82 = arith.constant 0 : i32
        %dma_wait3A_83 = arith.constant 0 : i32
        %dma_wait3A_84 = tpu.memref_slice %arg6[%dma_wait3A, %dma_wait3A_83] : memref<28x128xf32, #tpu.memory_space<vmem>> -> memref<1x128xf32, #tpu.memory_space<vmem>>
        %dma_wait3A_85 = tpu.memref_squeeze %dma_wait3A_84 : memref<1x128xf32, #tpu.memory_space<vmem>> -> memref<128xf32, #tpu.memory_space<vmem>>
        %dma_wait3A_86 = arith.constant 0 : i32
        %dma_wait3A_87 = tpu.memref_slice %arg5[%dma_wait3A_82, %dma_wait3A_86] : memref<28x128xi32, #tpu.memory_space<vmem>> -> memref<1x128xi32, #tpu.memory_space<vmem>>
        %dma_wait3A_88 = tpu.memref_squeeze %dma_wait3A_87 : memref<1x128xi32, #tpu.memory_space<vmem>> -> memref<128xi32, #tpu.memory_space<vmem>>
        %dma_wait3A_89 = arith.constant 0 : i32
        %dma_wait3A_90 = tpu.memref_slice %arg8[%dma_wait3A_89] : memref<10240xf32, #tpu.memory_space<vmem_shared>> -> memref<10240xf32, #tpu.memory_space<vmem_shared>>
        tpu.wait_indirect_dma semaphore(%arg9 : memref<!tpu.dma_semaphore, #tpu.memory_space<semaphore_mem>>) src(%dma_wait3A_85 : memref<128xf32, #tpu.memory_space<vmem>>) dst(%dma_wait3A_90 : memref<10240xf32, #tpu.memory_space<vmem_shared>>)
        %scan3A_91 = arith.constant 0 : i32
        scf.yield %scan3A_91 : i32
      }
      %scan3A_78 = arith.constant 28 : i32
      %scan3A_79 = arith.constant 0 : i32
      scf.yield %scan3A_79 : i32
    }
    %scan3A_15 = arith.constant 3 : i32
    %barrier3A_16 = arith.constant 0 : index
    tpu.barrier barrier_id(%barrier3A_16)
    %jit3A = arith.constant 2 : i32
    %div3A = arith.divsi %arg1, %jit3A : i32
    %sign3A = arith.constant 0 : i32
    %sign3A_17 = arith.cmpi sgt, %arg1, %sign3A : i32
    %sign3A_18 = arith.extui %sign3A_17 : i1 to i32
    %sign3A_19 = arith.constant 0 : i32
    %sign3A_20 = arith.cmpi slt, %arg1, %sign3A_19 : i32
    %sign3A_21 = arith.extui %sign3A_20 : i1 to i32
    %sign3A_22 = arith.subi %sign3A_18, %sign3A_21 : i32
    %sign3A_23 = arith.constant 0 : i32
    %sign3A_24 = arith.cmpi sgt, %jit3A, %sign3A_23 : i32
    %sign3A_25 = arith.extui %sign3A_24 : i1 to i32
    %sign3A_26 = arith.constant 0 : i32
    %sign3A_27 = arith.cmpi slt, %jit3A, %sign3A_26 : i32
    %sign3A_28 = arith.extui %sign3A_27 : i1 to i32
    %sign3A_29 = arith.subi %sign3A_25, %sign3A_28 : i32
    %ne3A = arith.cmpi ne, %sign3A_22, %sign3A_29 : i32
    %rem3A = arith.remsi %arg1, %jit3A : i32
    %ne3A_30 = arith.constant 0 : i32
    %ne3A_31 = arith.cmpi ne, %rem3A, %ne3A_30 : i32
    %and3A = arith.andi %ne3A, %ne3A_31 : i1
    %sub3A = arith.constant 1 : i32
    %sub3A_32 = arith.subi %div3A, %sub3A : i32
    %select_n3A = arith.select %and3A, %sub3A_32, %div3A : i32
    %mul3A_33 = arith.constant 2560 : i32
    %mul3A_34 = arith.muli %select_n3A, %mul3A_33 : i32
    %mul3A_35 = arith.constant 1280 : i32
    %mul3A_36 = arith.muli %arg0, %mul3A_35 : i32
    %add3A_37 = arith.addi %mul3A_34, %mul3A_36 : i32
    %jit3A_38 = arith.constant 2 : i32
    %eq3A = arith.constant 0 : i32
    %eq3A_39 = arith.cmpi eq, %jit3A_38, %eq3A : i32
    %jit3A_40 = arith.constant 1 : i32
    %select_n3A_41 = arith.select %eq3A_39, %jit3A_40, %jit3A_38 : i32
    %rem3A_42 = arith.remsi %arg1, %select_n3A_41 : i32
    %ne3A_43 = arith.constant 0 : i32
    %ne3A_44 = arith.cmpi ne, %rem3A_42, %ne3A_43 : i32
    %lt3A = arith.constant 0 : i32
    %lt3A_45 = arith.cmpi slt, %rem3A_42, %lt3A : i32
    %lt3A_46 = arith.constant 0 : i32
    %lt3A_47 = arith.cmpi slt, %select_n3A_41, %lt3A_46 : i32
    %ne3A_48 = arith.xori %lt3A_45, %lt3A_47 : i1
    %and3A_49 = arith.andi %ne3A_48, %ne3A_44 : i1
    %add3A_50 = arith.addi %rem3A_42, %select_n3A_41 : i32
    %select_n3A_51 = arith.select %and3A_49, %add3A_50, %rem3A_42 : i32
    %mul3A_52 = arith.constant 640 : i32
    %mul3A_53 = arith.muli %select_n3A_51, %mul3A_52 : i32
    %add3A_54 = arith.addi %add3A_37, %mul3A_53 : i32
    %mul3A_55 = arith.constant 640 : i32
    %mul3A_56 = arith.muli %arg1, %mul3A_55 : i32
    "tpu.region"() ({
      %run_scoped3A = tpu.sem_alloc : memref<!tpu.dma_semaphore, #tpu.memory_space<semaphore_mem>>
      %dma_start3A = tpu.memref_slice %arg4[%add3A_54] : memref<20480xf32, #tpu.memory_space<hbm>> -> memref<640xf32, #tpu.memory_space<hbm>>
      %dma_start3A_57 = tpu.memref_slice %arg8[%mul3A_56] : memref<10240xf32, #tpu.memory_space<vmem_shared>> -> memref<640xf32, #tpu.memory_space<vmem_shared>>
      tpu.enqueue_dma source(%dma_start3A_57 : memref<640xf32, #tpu.memory_space<vmem_shared>>) target(%dma_start3A : memref<640xf32, #tpu.memory_space<hbm>>) target_semaphore(%run_scoped3A : memref<!tpu.dma_semaphore, #tpu.memory_space<semaphore_mem>>)
      %dma_wait3A = tpu.memref_slice %arg4[%add3A_54] : memref<20480xf32, #tpu.memory_space<hbm>> -> memref<640xf32, #tpu.memory_space<hbm>>
      %dma_wait3A_58 = tpu.memref_slice %arg8[%mul3A_56] : memref<10240xf32, #tpu.memory_space<vmem_shared>> -> memref<640xf32, #tpu.memory_space<vmem_shared>>
      tpu.wait_dma2 semaphore(%run_scoped3A : memref<!tpu.dma_semaphore, #tpu.memory_space<semaphore_mem>>) src(%dma_wait3A_58 : memref<640xf32, #tpu.memory_space<vmem_shared>>) dst(%dma_wait3A : memref<640xf32, #tpu.memory_space<hbm>>)
      tpu.yield
    }) : () -> ()
    return
  }
}

#map = affine_map<(d0, d1) -> (0, 0)>
#map1 = affine_map<(d0, d1) -> (0)>
#map2 = affine_map<(d0, d1) -> (0, 0, 0)>
module attributes {stable_mosaic.version = 14 : i64} {
  func.func @k(%arg0: i32, %arg1: i32, %arg2: memref<10240x128xf32, #tpu.memory_space<hbm>>, %arg3: memref<10240xf32, #tpu.memory_space<hbm>>, %arg4: memref<96x28x128xi32, #tpu.memory_space<hbm>>, %arg5: memref<96x28x128xi32, #tpu.memory_space<hbm>>, %arg6: memref<96x28x128xf32, #tpu.memory_space<hbm>>, %arg7: memref<20480x128xf32, #tpu.memory_space<hbm>>, %arg8: memref<28x128xi32, #tpu.memory_space<vmem>>, %arg9: memref<28x128xi32, #tpu.memory_space<vmem>>, %arg10: memref<28x128xf32, #tpu.memory_space<vmem>>, %arg11: memref<144xf32, #tpu.memory_space<vmem>>, %arg12: memref<144xf32, #tpu.memory_space<vmem>>, %arg13: memref<144xf32, #tpu.memory_space<vmem>>, %arg14: memref<656xf32, #tpu.memory_space<vmem>>, %arg15: memref<128x128xf32, #tpu.memory_space<vmem>>, %arg16: memref<128x128xf32, #tpu.memory_space<vmem>>, %arg17: memref<10240x128xf32, #tpu.memory_space<vmem_shared>>, %arg18: memref<!tpu.dma_semaphore, #tpu.memory_space<semaphore_mem>>, %arg19: memref<!tpu.dma_semaphore, #tpu.memory_space<semaphore_mem>>, %arg20: memref<!tpu.dma_semaphore, #tpu.memory_space<semaphore_mem>>, %arg21: memref<!tpu.dma_semaphore, #tpu.memory_space<semaphore_mem>>, %arg22: memref<!tpu.dma_semaphore, #tpu.memory_space<semaphore_mem>>, %arg23: memref<!tpu.dma_semaphore, #tpu.memory_space<semaphore_mem>>) attributes {dimension_semantics = [#tpu.dimension_semantics<core_parallel>, #tpu.dimension_semantics<subcore_parallel>], iteration_bounds = array<i64: 2, 16>, scalar_prefetch = 0 : i64, scratch_operands = 16 : i64, tpu.core_type = #tpu.core_type<sc_vector_subcore>, window_params = [{transform_indices = #map}, {transform_indices = #map1}, {transform_indices = #map2}, {transform_indices = #map2}, {transform_indices = #map2}, {transform_indices = #map}]} {
    %mul3A = arith.constant 2 : i32
    %mul3A_0 = arith.muli %arg1, %mul3A : i32
    %add3A = arith.addi %mul3A_0, %arg0 : i32
    %scan3A = arith.constant 0 : i32
    %scan3A_1 = arith.constant 0 : i32
    %scan3A_2 = arith.constant 128 : i32
    %scan3A_3 = arith.addi %scan3A_1, %scan3A_2 : i32
    %scan3A_4 = arith.constant 1 : i32
    %scan3A_5 = scf.for %scan3A_260 = %scan3A_1 to %scan3A_3 step %scan3A_4 iter_args(%scan3A_261 = %scan3A) -> (i32)  : i32 {
      %broadcast_in_dim3A = arith.constant 0.000000e+00 : f32
      %broadcast_in_dim3A_262 = vector.broadcast %broadcast_in_dim3A : f32 to vector<16xf32>
      %swap3A = arith.index_cast %scan3A_260 : i32 to index
      %swap3A_263 = arith.constant 0 : index
      %swap3A_264 = tpu.vector_load %arg15[%swap3A, %swap3A_263] {strides = array<i32>} : memref<128x128xf32, #tpu.memory_space<vmem>>, vector<1x16xf32>,
      %swap3A_265 = vector.shape_cast %swap3A_264 : vector<1x16xf32> to vector<16xf32>
      %swap3A_266 = vector.shape_cast %broadcast_in_dim3A_262 : vector<16xf32> to vector<1x16xf32>
      tpu.vector_store %arg15[%swap3A, %swap3A_263], %swap3A_266 {strides = array<i32>} : memref<128x128xf32, #tpu.memory_space<vmem>>, vector<1x16xf32>,
      %broadcast_in_dim3A_267 = arith.constant 0.000000e+00 : f32
      %broadcast_in_dim3A_268 = vector.broadcast %broadcast_in_dim3A_267 : f32 to vector<16xf32>
      %swap3A_269 = arith.index_cast %scan3A_260 : i32 to index
      %swap3A_270 = arith.constant 16 : index
      %swap3A_271 = tpu.vector_load %arg15[%swap3A_269, %swap3A_270] {strides = array<i32>} : memref<128x128xf32, #tpu.memory_space<vmem>>, vector<1x16xf32>,
      %swap3A_272 = vector.shape_cast %swap3A_271 : vector<1x16xf32> to vector<16xf32>
      %swap3A_273 = vector.shape_cast %broadcast_in_dim3A_268 : vector<16xf32> to vector<1x16xf32>
      tpu.vector_store %arg15[%swap3A_269, %swap3A_270], %swap3A_273 {strides = array<i32>} : memref<128x128xf32, #tpu.memory_space<vmem>>, vector<1x16xf32>,
      %broadcast_in_dim3A_274 = arith.constant 0.000000e+00 : f32
      %broadcast_in_dim3A_275 = vector.broadcast %broadcast_in_dim3A_274 : f32 to vector<16xf32>
      %swap3A_276 = arith.index_cast %scan3A_260 : i32 to index
      %swap3A_277 = arith.constant 32 : index
      %swap3A_278 = tpu.vector_load %arg15[%swap3A_276, %swap3A_277] {strides = array<i32>} : memref<128x128xf32, #tpu.memory_space<vmem>>, vector<1x16xf32>,
      %swap3A_279 = vector.shape_cast %swap3A_278 : vector<1x16xf32> to vector<16xf32>
      %swap3A_280 = vector.shape_cast %broadcast_in_dim3A_275 : vector<16xf32> to vector<1x16xf32>
      tpu.vector_store %arg15[%swap3A_276, %swap3A_277], %swap3A_280 {strides = array<i32>} : memref<128x128xf32, #tpu.memory_space<vmem>>, vector<1x16xf32>,
      %broadcast_in_dim3A_281 = arith.constant 0.000000e+00 : f32
      %broadcast_in_dim3A_282 = vector.broadcast %broadcast_in_dim3A_281 : f32 to vector<16xf32>
      %swap3A_283 = arith.index_cast %scan3A_260 : i32 to index
      %swap3A_284 = arith.constant 48 : index
      %swap3A_285 = tpu.vector_load %arg15[%swap3A_283, %swap3A_284] {strides = array<i32>} : memref<128x128xf32, #tpu.memory_space<vmem>>, vector<1x16xf32>,
      %swap3A_286 = vector.shape_cast %swap3A_285 : vector<1x16xf32> to vector<16xf32>
      %swap3A_287 = vector.shape_cast %broadcast_in_dim3A_282 : vector<16xf32> to vector<1x16xf32>
      tpu.vector_store %arg15[%swap3A_283, %swap3A_284], %swap3A_287 {strides = array<i32>} : memref<128x128xf32, #tpu.memory_space<vmem>>, vector<1x16xf32>,
      %broadcast_in_dim3A_288 = arith.constant 0.000000e+00 : f32
      %broadcast_in_dim3A_289 = vector.broadcast %broadcast_in_dim3A_288 : f32 to vector<16xf32>
      %swap3A_290 = arith.index_cast %scan3A_260 : i32 to index
      %swap3A_291 = arith.constant 64 : index
      %swap3A_292 = tpu.vector_load %arg15[%swap3A_290, %swap3A_291] {strides = array<i32>} : memref<128x128xf32, #tpu.memory_space<vmem>>, vector<1x16xf32>,
      %swap3A_293 = vector.shape_cast %swap3A_292 : vector<1x16xf32> to vector<16xf32>
      %swap3A_294 = vector.shape_cast %broadcast_in_dim3A_289 : vector<16xf32> to vector<1x16xf32>
      tpu.vector_store %arg15[%swap3A_290, %swap3A_291], %swap3A_294 {strides = array<i32>} : memref<128x128xf32, #tpu.memory_space<vmem>>, vector<1x16xf32>,
      %broadcast_in_dim3A_295 = arith.constant 0.000000e+00 : f32
      %broadcast_in_dim3A_296 = vector.broadcast %broadcast_in_dim3A_295 : f32 to vector<16xf32>
      %swap3A_297 = arith.index_cast %scan3A_260 : i32 to index
      %swap3A_298 = arith.constant 80 : index
      %swap3A_299 = tpu.vector_load %arg15[%swap3A_297, %swap3A_298] {strides = array<i32>} : memref<128x128xf32, #tpu.memory_space<vmem>>, vector<1x16xf32>,
      %swap3A_300 = vector.shape_cast %swap3A_299 : vector<1x16xf32> to vector<16xf32>
      %swap3A_301 = vector.shape_cast %broadcast_in_dim3A_296 : vector<16xf32> to vector<1x16xf32>
      tpu.vector_store %arg15[%swap3A_297, %swap3A_298], %swap3A_301 {strides = array<i32>} : memref<128x128xf32, #tpu.memory_space<vmem>>, vector<1x16xf32>,
      %broadcast_in_dim3A_302 = arith.constant 0.000000e+00 : f32
      %broadcast_in_dim3A_303 = vector.broadcast %broadcast_in_dim3A_302 : f32 to vector<16xf32>
      %swap3A_304 = arith.index_cast %scan3A_260 : i32 to index
      %swap3A_305 = arith.constant 96 : index
      %swap3A_306 = tpu.vector_load %arg15[%swap3A_304, %swap3A_305] {strides = array<i32>} : memref<128x128xf32, #tpu.memory_space<vmem>>, vector<1x16xf32>,
      %swap3A_307 = vector.shape_cast %swap3A_306 : vector<1x16xf32> to vector<16xf32>
      %swap3A_308 = vector.shape_cast %broadcast_in_dim3A_303 : vector<16xf32> to vector<1x16xf32>
      tpu.vector_store %arg15[%swap3A_304, %swap3A_305], %swap3A_308 {strides = array<i32>} : memref<128x128xf32, #tpu.memory_space<vmem>>, vector<1x16xf32>,
      %broadcast_in_dim3A_309 = arith.constant 0.000000e+00 : f32
      %broadcast_in_dim3A_310 = vector.broadcast %broadcast_in_dim3A_309 : f32 to vector<16xf32>
      %swap3A_311 = arith.index_cast %scan3A_260 : i32 to index
      %swap3A_312 = arith.constant 112 : index
      %swap3A_313 = tpu.vector_load %arg15[%swap3A_311, %swap3A_312] {strides = array<i32>} : memref<128x128xf32, #tpu.memory_space<vmem>>, vector<1x16xf32>,
      %swap3A_314 = vector.shape_cast %swap3A_313 : vector<1x16xf32> to vector<16xf32>
      %swap3A_315 = vector.shape_cast %broadcast_in_dim3A_310 : vector<16xf32> to vector<1x16xf32>
      tpu.vector_store %arg15[%swap3A_311, %swap3A_312], %swap3A_315 {strides = array<i32>} : memref<128x128xf32, #tpu.memory_space<vmem>>, vector<1x16xf32>,
      %scan3A_316 = arith.constant 0 : i32
      scf.yield %scan3A_316 : i32
    }
    %scan3A_6 = arith.constant 128 : i32
    %mul3A_7 = arith.constant 640 : i32
    %mul3A_8 = arith.muli %arg1, %mul3A_7 : i32
    %add3A_9 = arith.constant 0 : i32
    %add3A_10 = arith.addi %mul3A_8, %add3A_9 : i32
    "tpu.region"() ({
      %run_scoped3A = tpu.sem_alloc : memref<!tpu.dma_semaphore, #tpu.memory_space<semaphore_mem>>
      %dma_start3A_260 = arith.constant 0 : i32
      %dma_start3A_261 = tpu.memref_slice %arg17[%add3A_10, %dma_start3A_260] : memref<10240x128xf32, #tpu.memory_space<vmem_shared>> -> memref<128x128xf32, #tpu.memory_space<vmem_shared>>
      %dma_start3A_262 = arith.constant 0 : i32
      %dma_start3A_263 = tpu.memref_slice %arg17[%add3A_10, %dma_start3A_262] : memref<10240x128xf32, #tpu.memory_space<vmem_shared>> -> memref<128x128xf32, #tpu.memory_space<vmem_shared>>
      tpu.enqueue_dma source(%arg15 : memref<128x128xf32, #tpu.memory_space<vmem>>) target(%dma_start3A_263 : memref<128x128xf32, #tpu.memory_space<vmem_shared>>) target_semaphore(%run_scoped3A : memref<!tpu.dma_semaphore, #tpu.memory_space<semaphore_mem>>)
      %dma_wait3A_264 = arith.constant 0 : i32
      %dma_wait3A_265 = tpu.memref_slice %arg17[%add3A_10, %dma_wait3A_264] : memref<10240x128xf32, #tpu.memory_space<vmem_shared>> -> memref<128x128xf32, #tpu.memory_space<vmem_shared>>
      %dma_wait3A_266 = arith.constant 0 : i32
      %dma_wait3A_267 = tpu.memref_slice %arg17[%add3A_10, %dma_wait3A_266] : memref<10240x128xf32, #tpu.memory_space<vmem_shared>> -> memref<128x128xf32, #tpu.memory_space<vmem_shared>>
      tpu.wait_dma2 semaphore(%run_scoped3A : memref<!tpu.dma_semaphore, #tpu.memory_space<semaphore_mem>>) src(%arg15 : memref<128x128xf32, #tpu.memory_space<vmem>>) dst(%dma_wait3A_267 : memref<128x128xf32, #tpu.memory_space<vmem_shared>>)
      tpu.yield
    }) : () -> ()
    %mul3A_11 = arith.constant 640 : i32
    %mul3A_12 = arith.muli %arg1, %mul3A_11 : i32
    %add3A_13 = arith.constant 128 : i32
    %add3A_14 = arith.addi %mul3A_12, %add3A_13 : i32
    "tpu.region"() ({
      %run_scoped3A = tpu.sem_alloc : memref<!tpu.dma_semaphore, #tpu.memory_space<semaphore_mem>>
      %dma_start3A_260 = arith.constant 0 : i32
      %dma_start3A_261 = tpu.memref_slice %arg17[%add3A_14, %dma_start3A_260] : memref<10240x128xf32, #tpu.memory_space<vmem_shared>> -> memref<128x128xf32, #tpu.memory_space<vmem_shared>>
      %dma_start3A_262 = arith.constant 0 : i32
      %dma_start3A_263 = tpu.memref_slice %arg17[%add3A_14, %dma_start3A_262] : memref<10240x128xf32, #tpu.memory_space<vmem_shared>> -> memref<128x128xf32, #tpu.memory_space<vmem_shared>>
      tpu.enqueue_dma source(%arg15 : memref<128x128xf32, #tpu.memory_space<vmem>>) target(%dma_start3A_263 : memref<128x128xf32, #tpu.memory_space<vmem_shared>>) target_semaphore(%run_scoped3A : memref<!tpu.dma_semaphore, #tpu.memory_space<semaphore_mem>>)
      %dma_wait3A_264 = arith.constant 0 : i32
      %dma_wait3A_265 = tpu.memref_slice %arg17[%add3A_14, %dma_wait3A_264] : memref<10240x128xf32, #tpu.memory_space<vmem_shared>> -> memref<128x128xf32, #tpu.memory_space<vmem_shared>>
      %dma_wait3A_266 = arith.constant 0 : i32
      %dma_wait3A_267 = tpu.memref_slice %arg17[%add3A_14, %dma_wait3A_266] : memref<10240x128xf32, #tpu.memory_space<vmem_shared>> -> memref<128x128xf32, #tpu.memory_space<vmem_shared>>
      tpu.wait_dma2 semaphore(%run_scoped3A : memref<!tpu.dma_semaphore, #tpu.memory_space<semaphore_mem>>) src(%arg15 : memref<128x128xf32, #tpu.memory_space<vmem>>) dst(%dma_wait3A_267 : memref<128x128xf32, #tpu.memory_space<vmem_shared>>)
      tpu.yield
    }) : () -> ()
    %mul3A_15 = arith.constant 640 : i32
    %mul3A_16 = arith.muli %arg1, %mul3A_15 : i32
    %add3A_17 = arith.constant 256 : i32
    %add3A_18 = arith.addi %mul3A_16, %add3A_17 : i32
    "tpu.region"() ({
      %run_scoped3A = tpu.sem_alloc : memref<!tpu.dma_semaphore, #tpu.memory_space<semaphore_mem>>
      %dma_start3A_260 = arith.constant 0 : i32
      %dma_start3A_261 = tpu.memref_slice %arg17[%add3A_18, %dma_start3A_260] : memref<10240x128xf32, #tpu.memory_space<vmem_shared>> -> memref<128x128xf32, #tpu.memory_space<vmem_shared>>
      %dma_start3A_262 = arith.constant 0 : i32
      %dma_start3A_263 = tpu.memref_slice %arg17[%add3A_18, %dma_start3A_262] : memref<10240x128xf32, #tpu.memory_space<vmem_shared>> -> memref<128x128xf32, #tpu.memory_space<vmem_shared>>
      tpu.enqueue_dma source(%arg15 : memref<128x128xf32, #tpu.memory_space<vmem>>) target(%dma_start3A_263 : memref<128x128xf32, #tpu.memory_space<vmem_shared>>) target_semaphore(%run_scoped3A : memref<!tpu.dma_semaphore, #tpu.memory_space<semaphore_mem>>)
      %dma_wait3A_264 = arith.constant 0 : i32
      %dma_wait3A_265 = tpu.memref_slice %arg17[%add3A_18, %dma_wait3A_264] : memref<10240x128xf32, #tpu.memory_space<vmem_shared>> -> memref<128x128xf32, #tpu.memory_space<vmem_shared>>
      %dma_wait3A_266 = arith.constant 0 : i32
      %dma_wait3A_267 = tpu.memref_slice %arg17[%add3A_18, %dma_wait3A_266] : memref<10240x128xf32, #tpu.memory_space<vmem_shared>> -> memref<128x128xf32, #tpu.memory_space<vmem_shared>>
      tpu.wait_dma2 semaphore(%run_scoped3A : memref<!tpu.dma_semaphore, #tpu.memory_space<semaphore_mem>>) src(%arg15 : memref<128x128xf32, #tpu.memory_space<vmem>>) dst(%dma_wait3A_267 : memref<128x128xf32, #tpu.memory_space<vmem_shared>>)
      tpu.yield
    }) : () -> ()
    %mul3A_19 = arith.constant 640 : i32
    %mul3A_20 = arith.muli %arg1, %mul3A_19 : i32
    %add3A_21 = arith.constant 384 : i32
    %add3A_22 = arith.addi %mul3A_20, %add3A_21 : i32
    "tpu.region"() ({
      %run_scoped3A = tpu.sem_alloc : memref<!tpu.dma_semaphore, #tpu.memory_space<semaphore_mem>>
      %dma_start3A_260 = arith.constant 0 : i32
      %dma_start3A_261 = tpu.memref_slice %arg17[%add3A_22, %dma_start3A_260] : memref<10240x128xf32, #tpu.memory_space<vmem_shared>> -> memref<128x128xf32, #tpu.memory_space<vmem_shared>>
      %dma_start3A_262 = arith.constant 0 : i32
      %dma_start3A_263 = tpu.memref_slice %arg17[%add3A_22, %dma_start3A_262] : memref<10240x128xf32, #tpu.memory_space<vmem_shared>> -> memref<128x128xf32, #tpu.memory_space<vmem_shared>>
      tpu.enqueue_dma source(%arg15 : memref<128x128xf32, #tpu.memory_space<vmem>>) target(%dma_start3A_263 : memref<128x128xf32, #tpu.memory_space<vmem_shared>>) target_semaphore(%run_scoped3A : memref<!tpu.dma_semaphore, #tpu.memory_space<semaphore_mem>>)
      %dma_wait3A_264 = arith.constant 0 : i32
      %dma_wait3A_265 = tpu.memref_slice %arg17[%add3A_22, %dma_wait3A_264] : memref<10240x128xf32, #tpu.memory_space<vmem_shared>> -> memref<128x128xf32, #tpu.memory_space<vmem_shared>>
      %dma_wait3A_266 = arith.constant 0 : i32
      %dma_wait3A_267 = tpu.memref_slice %arg17[%add3A_22, %dma_wait3A_266] : memref<10240x128xf32, #tpu.memory_space<vmem_shared>> -> memref<128x128xf32, #tpu.memory_space<vmem_shared>>
      tpu.wait_dma2 semaphore(%run_scoped3A : memref<!tpu.dma_semaphore, #tpu.memory_space<semaphore_mem>>) src(%arg15 : memref<128x128xf32, #tpu.memory_space<vmem>>) dst(%dma_wait3A_267 : memref<128x128xf32, #tpu.memory_space<vmem_shared>>)
      tpu.yield
    }) : () -> ()
    %mul3A_23 = arith.constant 640 : i32
    %mul3A_24 = arith.muli %arg1, %mul3A_23 : i32
    %add3A_25 = arith.constant 512 : i32
    %add3A_26 = arith.addi %mul3A_24, %add3A_25 : i32
    "tpu.region"() ({
      %run_scoped3A = tpu.sem_alloc : memref<!tpu.dma_semaphore, #tpu.memory_space<semaphore_mem>>
      %dma_start3A_260 = arith.constant 0 : i32
      %dma_start3A_261 = tpu.memref_slice %arg17[%add3A_26, %dma_start3A_260] : memref<10240x128xf32, #tpu.memory_space<vmem_shared>> -> memref<128x128xf32, #tpu.memory_space<vmem_shared>>
      %dma_start3A_262 = arith.constant 0 : i32
      %dma_start3A_263 = tpu.memref_slice %arg17[%add3A_26, %dma_start3A_262] : memref<10240x128xf32, #tpu.memory_space<vmem_shared>> -> memref<128x128xf32, #tpu.memory_space<vmem_shared>>
      tpu.enqueue_dma source(%arg15 : memref<128x128xf32, #tpu.memory_space<vmem>>) target(%dma_start3A_263 : memref<128x128xf32, #tpu.memory_space<vmem_shared>>) target_semaphore(%run_scoped3A : memref<!tpu.dma_semaphore, #tpu.memory_space<semaphore_mem>>)
      %dma_wait3A_264 = arith.constant 0 : i32
      %dma_wait3A_265 = tpu.memref_slice %arg17[%add3A_26, %dma_wait3A_264] : memref<10240x128xf32, #tpu.memory_space<vmem_shared>> -> memref<128x128xf32, #tpu.memory_space<vmem_shared>>
      %dma_wait3A_266 = arith.constant 0 : i32
      %dma_wait3A_267 = tpu.memref_slice %arg17[%add3A_26, %dma_wait3A_266] : memref<10240x128xf32, #tpu.memory_space<vmem_shared>> -> memref<128x128xf32, #tpu.memory_space<vmem_shared>>
      tpu.wait_dma2 semaphore(%run_scoped3A : memref<!tpu.dma_semaphore, #tpu.memory_space<semaphore_mem>>) src(%arg15 : memref<128x128xf32, #tpu.memory_space<vmem>>) dst(%dma_wait3A_267 : memref<128x128xf32, #tpu.memory_space<vmem_shared>>)
      tpu.yield
    }) : () -> ()
    %barrier3A = arith.constant 0 : index
    tpu.barrier barrier_id(%barrier3A)
    %scan3A_27 = arith.constant 0 : i32
    %scan3A_28 = arith.constant 0 : i32
    %scan3A_29 = arith.constant 3 : i32
    %scan3A_30 = arith.addi %scan3A_28, %scan3A_29 : i32
    %scan3A_31 = arith.constant 1 : i32
    %scan3A_32 = scf.for %scan3A_260 = %scan3A_28 to %scan3A_30 step %scan3A_31 iter_args(%scan3A_261 = %scan3A_27) -> (i32)  : i32 {
      %mul3A_262 = arith.constant 3 : i32
      %mul3A_263 = arith.muli %add3A, %mul3A_262 : i32
      %add3A_264 = arith.addi %mul3A_263, %scan3A_260 : i32
      "tpu.region"() ({
        %run_scoped3A = tpu.sem_alloc : memref<!tpu.dma_semaphore, #tpu.memory_space<semaphore_mem>>
        %dma_start3A_308 = arith.constant 0 : i32
        %dma_start3A_309 = arith.constant 0 : i32
        %dma_start3A_310 = tpu.memref_slice %arg4[%add3A_264, %dma_start3A_308, %dma_start3A_309] : memref<96x28x128xi32, #tpu.memory_space<hbm>> -> memref<1x28x128xi32, #tpu.memory_space<hbm>>
        %dma_start3A_311 = tpu.memref_squeeze %dma_start3A_310 : memref<1x28x128xi32, #tpu.memory_space<hbm>> -> memref<28x128xi32, #tpu.memory_space<hbm>>
        %dma_start3A_312 = arith.constant 0 : i32
        %dma_start3A_313 = arith.constant 0 : i32
        %dma_start3A_314 = tpu.memref_slice %arg4[%add3A_264, %dma_start3A_312, %dma_start3A_313] : memref<96x28x128xi32, #tpu.memory_space<hbm>> -> memref<1x28x128xi32, #tpu.memory_space<hbm>>
        %dma_start3A_315 = tpu.memref_squeeze %dma_start3A_314 : memref<1x28x128xi32, #tpu.memory_space<hbm>> -> memref<28x128xi32, #tpu.memory_space<hbm>>
        tpu.enqueue_dma source(%dma_start3A_315 : memref<28x128xi32, #tpu.memory_space<hbm>>) target(%arg8 : memref<28x128xi32, #tpu.memory_space<vmem>>) target_semaphore(%run_scoped3A : memref<!tpu.dma_semaphore, #tpu.memory_space<semaphore_mem>>)
        %dma_wait3A_316 = arith.constant 0 : i32
        %dma_wait3A_317 = arith.constant 0 : i32
        %dma_wait3A_318 = tpu.memref_slice %arg4[%add3A_264, %dma_wait3A_316, %dma_wait3A_317] : memref<96x28x128xi32, #tpu.memory_space<hbm>> -> memref<1x28x128xi32, #tpu.memory_space<hbm>>
        %dma_wait3A_319 = tpu.memref_squeeze %dma_wait3A_318 : memref<1x28x128xi32, #tpu.memory_space<hbm>> -> memref<28x128xi32, #tpu.memory_space<hbm>>
        %dma_wait3A_320 = arith.constant 0 : i32
        %dma_wait3A_321 = arith.constant 0 : i32
        %dma_wait3A_322 = tpu.memref_slice %arg4[%add3A_264, %dma_wait3A_320, %dma_wait3A_321] : memref<96x28x128xi32, #tpu.memory_space<hbm>> -> memref<1x28x128xi32, #tpu.memory_space<hbm>>
        %dma_wait3A_323 = tpu.memref_squeeze %dma_wait3A_322 : memref<1x28x128xi32, #tpu.memory_space<hbm>> -> memref<28x128xi32, #tpu.memory_space<hbm>>
        tpu.wait_dma2 semaphore(%run_scoped3A : memref<!tpu.dma_semaphore, #tpu.memory_space<semaphore_mem>>) src(%dma_wait3A_323 : memref<28x128xi32, #tpu.memory_space<hbm>>) dst(%arg8 : memref<28x128xi32, #tpu.memory_space<vmem>>)
        tpu.yield
      }) : () -> ()
      %mul3A_265 = arith.constant 3 : i32
      %mul3A_266 = arith.muli %add3A, %mul3A_265 : i32
      %add3A_267 = arith.addi %mul3A_266, %scan3A_260 : i32
      "tpu.region"() ({
        %run_scoped3A = tpu.sem_alloc : memref<!tpu.dma_semaphore, #tpu.memory_space<semaphore_mem>>
        %dma_start3A_308 = arith.constant 0 : i32
        %dma_start3A_309 = arith.constant 0 : i32
        %dma_start3A_310 = tpu.memref_slice %arg5[%add3A_267, %dma_start3A_308, %dma_start3A_309] : memref<96x28x128xi32, #tpu.memory_space<hbm>> -> memref<1x28x128xi32, #tpu.memory_space<hbm>>
        %dma_start3A_311 = tpu.memref_squeeze %dma_start3A_310 : memref<1x28x128xi32, #tpu.memory_space<hbm>> -> memref<28x128xi32, #tpu.memory_space<hbm>>
        %dma_start3A_312 = arith.constant 0 : i32
        %dma_start3A_313 = arith.constant 0 : i32
        %dma_start3A_314 = tpu.memref_slice %arg5[%add3A_267, %dma_start3A_312, %dma_start3A_313] : memref<96x28x128xi32, #tpu.memory_space<hbm>> -> memref<1x28x128xi32, #tpu.memory_space<hbm>>
        %dma_start3A_315 = tpu.memref_squeeze %dma_start3A_314 : memref<1x28x128xi32, #tpu.memory_space<hbm>> -> memref<28x128xi32, #tpu.memory_space<hbm>>
        tpu.enqueue_dma source(%dma_start3A_315 : memref<28x128xi32, #tpu.memory_space<hbm>>) target(%arg9 : memref<28x128xi32, #tpu.memory_space<vmem>>) target_semaphore(%run_scoped3A : memref<!tpu.dma_semaphore, #tpu.memory_space<semaphore_mem>>)
        %dma_wait3A_316 = arith.constant 0 : i32
        %dma_wait3A_317 = arith.constant 0 : i32
        %dma_wait3A_318 = tpu.memref_slice %arg5[%add3A_267, %dma_wait3A_316, %dma_wait3A_317] : memref<96x28x128xi32, #tpu.memory_space<hbm>> -> memref<1x28x128xi32, #tpu.memory_space<hbm>>
        %dma_wait3A_319 = tpu.memref_squeeze %dma_wait3A_318 : memref<1x28x128xi32, #tpu.memory_space<hbm>> -> memref<28x128xi32, #tpu.memory_space<hbm>>
        %dma_wait3A_320 = arith.constant 0 : i32
        %dma_wait3A_321 = arith.constant 0 : i32
        %dma_wait3A_322 = tpu.memref_slice %arg5[%add3A_267, %dma_wait3A_320, %dma_wait3A_321] : memref<96x28x128xi32, #tpu.memory_space<hbm>> -> memref<1x28x128xi32, #tpu.memory_space<hbm>>
        %dma_wait3A_323 = tpu.memref_squeeze %dma_wait3A_322 : memref<1x28x128xi32, #tpu.memory_space<hbm>> -> memref<28x128xi32, #tpu.memory_space<hbm>>
        tpu.wait_dma2 semaphore(%run_scoped3A : memref<!tpu.dma_semaphore, #tpu.memory_space<semaphore_mem>>) src(%dma_wait3A_323 : memref<28x128xi32, #tpu.memory_space<hbm>>) dst(%arg9 : memref<28x128xi32, #tpu.memory_space<vmem>>)
        tpu.yield
      }) : () -> ()
      %mul3A_268 = arith.constant 3 : i32
      %mul3A_269 = arith.muli %add3A, %mul3A_268 : i32
      %add3A_270 = arith.addi %mul3A_269, %scan3A_260 : i32
      "tpu.region"() ({
        %run_scoped3A = tpu.sem_alloc : memref<!tpu.dma_semaphore, #tpu.memory_space<semaphore_mem>>
        %dma_start3A_308 = arith.constant 0 : i32
        %dma_start3A_309 = arith.constant 0 : i32
        %dma_start3A_310 = tpu.memref_slice %arg6[%add3A_270, %dma_start3A_308, %dma_start3A_309] : memref<96x28x128xf32, #tpu.memory_space<hbm>> -> memref<1x28x128xf32, #tpu.memory_space<hbm>>
        %dma_start3A_311 = tpu.memref_squeeze %dma_start3A_310 : memref<1x28x128xf32, #tpu.memory_space<hbm>> -> memref<28x128xf32, #tpu.memory_space<hbm>>
        %dma_start3A_312 = arith.constant 0 : i32
        %dma_start3A_313 = arith.constant 0 : i32
        %dma_start3A_314 = tpu.memref_slice %arg6[%add3A_270, %dma_start3A_312, %dma_start3A_313] : memref<96x28x128xf32, #tpu.memory_space<hbm>> -> memref<1x28x128xf32, #tpu.memory_space<hbm>>
        %dma_start3A_315 = tpu.memref_squeeze %dma_start3A_314 : memref<1x28x128xf32, #tpu.memory_space<hbm>> -> memref<28x128xf32, #tpu.memory_space<hbm>>
        tpu.enqueue_dma source(%dma_start3A_315 : memref<28x128xf32, #tpu.memory_space<hbm>>) target(%arg10 : memref<28x128xf32, #tpu.memory_space<vmem>>) target_semaphore(%run_scoped3A : memref<!tpu.dma_semaphore, #tpu.memory_space<semaphore_mem>>)
        %dma_wait3A_316 = arith.constant 0 : i32
        %dma_wait3A_317 = arith.constant 0 : i32
        %dma_wait3A_318 = tpu.memref_slice %arg6[%add3A_270, %dma_wait3A_316, %dma_wait3A_317] : memref<96x28x128xf32, #tpu.memory_space<hbm>> -> memref<1x28x128xf32, #tpu.memory_space<hbm>>
        %dma_wait3A_319 = tpu.memref_squeeze %dma_wait3A_318 : memref<1x28x128xf32, #tpu.memory_space<hbm>> -> memref<28x128xf32, #tpu.memory_space<hbm>>
        %dma_wait3A_320 = arith.constant 0 : i32
        %dma_wait3A_321 = arith.constant 0 : i32
        %dma_wait3A_322 = tpu.memref_slice %arg6[%add3A_270, %dma_wait3A_320, %dma_wait3A_321] : memref<96x28x128xf32, #tpu.memory_space<hbm>> -> memref<1x28x128xf32, #tpu.memory_space<hbm>>
        %dma_wait3A_323 = tpu.memref_squeeze %dma_wait3A_322 : memref<1x28x128xf32, #tpu.memory_space<hbm>> -> memref<28x128xf32, #tpu.memory_space<hbm>>
        tpu.wait_dma2 semaphore(%run_scoped3A : memref<!tpu.dma_semaphore, #tpu.memory_space<semaphore_mem>>) src(%dma_wait3A_323 : memref<28x128xf32, #tpu.memory_space<hbm>>) dst(%arg10 : memref<28x128xf32, #tpu.memory_space<vmem>>)
        tpu.yield
      }) : () -> ()
      %dma_start3A_271 = arith.constant 0 : i32
      %dma_start3A_272 = arith.constant 0 : i32
      %dma_start3A_273 = tpu.memref_slice %arg8[%dma_start3A_271, %dma_start3A_272] : memref<28x128xi32, #tpu.memory_space<vmem>> -> memref<1x128xi32, #tpu.memory_space<vmem>>
      %dma_start3A_274 = tpu.memref_squeeze %dma_start3A_273 : memref<1x128xi32, #tpu.memory_space<vmem>> -> memref<128xi32, #tpu.memory_space<vmem>>
      %dma_start3A_275 = arith.constant 0 : i32
      %dma_start3A_276 = arith.constant 0 : i32
      %dma_start3A_277 = tpu.memref_slice %arg2[%dma_start3A_275, %dma_start3A_276] : memref<10240x128xf32, #tpu.memory_space<hbm>> -> memref<10240x128xf32, #tpu.memory_space<hbm>>
      tpu.enqueue_indirect_dma source(%dma_start3A_277 : memref<10240x128xf32, #tpu.memory_space<hbm>>) target(%arg15 : memref<128x128xf32, #tpu.memory_space<vmem>>) offsets(%dma_start3A_274 : memref<128xi32, #tpu.memory_space<vmem>>) semaphore(%arg18 : memref<!tpu.dma_semaphore, #tpu.memory_space<semaphore_mem>>)
      %dma_start3A_278 = arith.constant 0 : i32
      %dma_start3A_279 = arith.constant 0 : i32
      %dma_start3A_280 = tpu.memref_slice %arg12[%dma_start3A_279] : memref<144xf32, #tpu.memory_space<vmem>> -> memref<128xf32, #tpu.memory_space<vmem>>
      %dma_start3A_281 = arith.constant 0 : i32
      %dma_start3A_282 = tpu.memref_slice %arg8[%dma_start3A_278, %dma_start3A_281] : memref<28x128xi32, #tpu.memory_space<vmem>> -> memref<1x128xi32, #tpu.memory_space<vmem>>
      %dma_start3A_283 = tpu.memref_squeeze %dma_start3A_282 : memref<1x128xi32, #tpu.memory_space<vmem>> -> memref<128xi32, #tpu.memory_space<vmem>>
      %dma_start3A_284 = arith.constant 0 : i32
      %dma_start3A_285 = tpu.memref_slice %arg3[%dma_start3A_284] : memref<10240xf32, #tpu.memory_space<hbm>> -> memref<10240xf32, #tpu.memory_space<hbm>>
      tpu.enqueue_indirect_dma source(%dma_start3A_285 : memref<10240xf32, #tpu.memory_space<hbm>>) target(%dma_start3A_280 : memref<128xf32, #tpu.memory_space<vmem>>) offsets(%dma_start3A_283 : memref<128xi32, #tpu.memory_space<vmem>>) semaphore(%arg20 : memref<!tpu.dma_semaphore, #tpu.memory_space<semaphore_mem>>)
      %scan3A_286 = arith.constant 0 : i32
      %scan3A_287 = arith.constant 0 : i32
      %scan3A_288 = arith.constant 14 : i32
      %scan3A_289 = arith.addi %scan3A_287, %scan3A_288 : i32
      %scan3A_290 = arith.constant 1 : i32
      %scan3A_291 = scf.for %scan3A_308 = %scan3A_287 to %scan3A_289 step %scan3A_290 iter_args(%scan3A_309 = %scan3A_286) -> (i32)  : i32 {
        %mul3A_310 = arith.constant 2 : i32
        %mul3A_311 = arith.muli %mul3A_310, %scan3A_308 : i32
        %gt3A = arith.constant 0 : i32
        %gt3A_312 = arith.cmpi sgt, %scan3A_308, %gt3A : i32
        %convert_element_type3A = arith.extui %gt3A_312 : i1 to i32
        %cond3A = arith.constant 0 : i32
        %cond3A_313 = arith.cmpi ne, %convert_element_type3A, %cond3A : i32
        scf.if %cond3A_313 {
          %dma_wait3A_580 = arith.constant 0 : i32
          %dma_wait3A_581 = arith.constant 0 : i32
          %dma_wait3A_582 = tpu.memref_slice %arg9[%dma_wait3A_580, %dma_wait3A_581] : memref<28x128xi32, #tpu.memory_space<vmem>> -> memref<1x128xi32, #tpu.memory_space<vmem>>
          %dma_wait3A_583 = tpu.memref_squeeze %dma_wait3A_582 : memref<1x128xi32, #tpu.memory_space<vmem>> -> memref<128xi32, #tpu.memory_space<vmem>>
          %dma_wait3A_584 = arith.constant 0 : i32
          %dma_wait3A_585 = arith.constant 0 : i32
          %dma_wait3A_586 = tpu.memref_slice %arg17[%dma_wait3A_584, %dma_wait3A_585] : memref<10240x128xf32, #tpu.memory_space<vmem_shared>> -> memref<10240x128xf32, #tpu.memory_space<vmem_shared>>
          tpu.wait_indirect_dma semaphore(%arg23 : memref<!tpu.dma_semaphore, #tpu.memory_space<semaphore_mem>>) src(%arg16 : memref<128x128xf32, #tpu.memory_space<vmem>>) dst(%dma_wait3A_586 : memref<10240x128xf32, #tpu.memory_space<vmem_shared>>)
        } else {
        }
        %add3A_314 = arith.constant 1 : i32
        %add3A_315 = arith.addi %mul3A_311, %add3A_314 : i32
        %dma_start3A_316 = arith.constant 0 : i32
        %dma_start3A_317 = tpu.memref_slice %arg8[%add3A_315, %dma_start3A_316] : memref<28x128xi32, #tpu.memory_space<vmem>> -> memref<1x128xi32, #tpu.memory_space<vmem>>
        %dma_start3A_318 = tpu.memref_squeeze %dma_start3A_317 : memref<1x128xi32, #tpu.memory_space<vmem>> -> memref<128xi32, #tpu.memory_space<vmem>>
        %dma_start3A_319 = arith.constant 0 : i32
        %dma_start3A_320 = arith.constant 0 : i32
        %dma_start3A_321 = tpu.memref_slice %arg2[%dma_start3A_319, %dma_start3A_320] : memref<10240x128xf32, #tpu.memory_space<hbm>> -> memref<10240x128xf32, #tpu.memory_space<hbm>>
        tpu.enqueue_indirect_dma source(%dma_start3A_321 : memref<10240x128xf32, #tpu.memory_space<hbm>>) target(%arg16 : memref<128x128xf32, #tpu.memory_space<vmem>>) offsets(%dma_start3A_318 : memref<128xi32, #tpu.memory_space<vmem>>) semaphore(%arg19 : memref<!tpu.dma_semaphore, #tpu.memory_space<semaphore_mem>>)
        %dma_start3A_322 = arith.constant 0 : i32
        %dma_start3A_323 = tpu.memref_slice %arg13[%dma_start3A_322] : memref<144xf32, #tpu.memory_space<vmem>> -> memref<128xf32, #tpu.memory_space<vmem>>
        %dma_start3A_324 = arith.constant 0 : i32
        %dma_start3A_325 = tpu.memref_slice %arg8[%add3A_315, %dma_start3A_324] : memref<28x128xi32, #tpu.memory_space<vmem>> -> memref<1x128xi32, #tpu.memory_space<vmem>>
        %dma_start3A_326 = tpu.memref_squeeze %dma_start3A_325 : memref<1x128xi32, #tpu.memory_space<vmem>> -> memref<128xi32, #tpu.memory_space<vmem>>
        %dma_start3A_327 = arith.constant 0 : i32
        %dma_start3A_328 = tpu.memref_slice %arg3[%dma_start3A_327] : memref<10240xf32, #tpu.memory_space<hbm>> -> memref<10240xf32, #tpu.memory_space<hbm>>
        tpu.enqueue_indirect_dma source(%dma_start3A_328 : memref<10240xf32, #tpu.memory_space<hbm>>) target(%dma_start3A_323 : memref<128xf32, #tpu.memory_space<vmem>>) offsets(%dma_start3A_326 : memref<128xi32, #tpu.memory_space<vmem>>) semaphore(%arg21 : memref<!tpu.dma_semaphore, #tpu.memory_space<semaphore_mem>>)
        %dma_wait3A_329 = arith.constant 0 : i32
        %dma_wait3A_330 = tpu.memref_slice %arg12[%dma_wait3A_329] : memref<144xf32, #tpu.memory_space<vmem>> -> memref<128xf32, #tpu.memory_space<vmem>>
        %dma_wait3A_331 = arith.constant 0 : i32
        %dma_wait3A_332 = tpu.memref_slice %arg8[%mul3A_311, %dma_wait3A_331] : memref<28x128xi32, #tpu.memory_space<vmem>> -> memref<1x128xi32, #tpu.memory_space<vmem>>
        %dma_wait3A_333 = tpu.memref_squeeze %dma_wait3A_332 : memref<1x128xi32, #tpu.memory_space<vmem>> -> memref<128xi32, #tpu.memory_space<vmem>>
        %dma_wait3A_334 = arith.constant 0 : i32
        %dma_wait3A_335 = tpu.memref_slice %arg3[%dma_wait3A_334] : memref<10240xf32, #tpu.memory_space<hbm>> -> memref<10240xf32, #tpu.memory_space<hbm>>
        tpu.wait_indirect_dma semaphore(%arg20 : memref<!tpu.dma_semaphore, #tpu.memory_space<semaphore_mem>>) src(%dma_wait3A_335 : memref<10240xf32, #tpu.memory_space<hbm>>) dst(%dma_wait3A_330 : memref<128xf32, #tpu.memory_space<vmem>>)
        %get3A = arith.index_cast %mul3A_311 : i32 to index
        %get3A_336 = arith.constant 0 : index
        %get3A_337 = tpu.vector_load %arg10[%get3A, %get3A_336] {strides = array<i32>} : memref<28x128xf32, #tpu.memory_space<vmem>>, vector<1x16xf32>,
        %get3A_338 = vector.shape_cast %get3A_337 : vector<1x16xf32> to vector<16xf32>
        %get3A_339 = arith.constant 0 : index
        %get3A_340 = tpu.vector_load %arg12[%get3A_339] {strides = array<i32>} : memref<144xf32, #tpu.memory_space<vmem>>, vector<16xf32>,
        %get3A_341 = vector.shape_cast %get3A_340 : vector<16xf32> to vector<16xf32>
        %mul3A_342 = arith.mulf %get3A_338, %get3A_341 : vector<16xf32>
        %swap3A = arith.constant 0 : index
        %swap3A_343 = tpu.vector_load %arg11[%swap3A] {strides = array<i32>} : memref<144xf32, #tpu.memory_space<vmem>>, vector<16xf32>,
        %swap3A_344 = vector.shape_cast %swap3A_343 : vector<16xf32> to vector<16xf32>
        %swap3A_345 = vector.shape_cast %mul3A_342 : vector<16xf32> to vector<16xf32>
        tpu.vector_store %arg11[%swap3A], %swap3A_345 {strides = array<i32>} : memref<144xf32, #tpu.memory_space<vmem>>, vector<16xf32>,
        %get3A_346 = arith.index_cast %mul3A_311 : i32 to index
        %get3A_347 = arith.constant 16 : index
        %get3A_348 = tpu.vector_load %arg10[%get3A_346, %get3A_347] {strides = array<i32>} : memref<28x128xf32, #tpu.memory_space<vmem>>, vector<1x16xf32>,
        %get3A_349 = vector.shape_cast %get3A_348 : vector<1x16xf32> to vector<16xf32>
        %get3A_350 = arith.constant 16 : index
        %get3A_351 = tpu.vector_load %arg12[%get3A_350] {strides = array<i32>} : memref<144xf32, #tpu.memory_space<vmem>>, vector<16xf32>,
        %get3A_352 = vector.shape_cast %get3A_351 : vector<16xf32> to vector<16xf32>
        %mul3A_353 = arith.mulf %get3A_349, %get3A_352 : vector<16xf32>
        %swap3A_354 = arith.constant 16 : index
        %swap3A_355 = tpu.vector_load %arg11[%swap3A_354] {strides = array<i32>} : memref<144xf32, #tpu.memory_space<vmem>>, vector<16xf32>,
        %swap3A_356 = vector.shape_cast %swap3A_355 : vector<16xf32> to vector<16xf32>
        %swap3A_357 = vector.shape_cast %mul3A_353 : vector<16xf32> to vector<16xf32>
        tpu.vector_store %arg11[%swap3A_354], %swap3A_357 {strides = array<i32>} : memref<144xf32, #tpu.memory_space<vmem>>, vector<16xf32>,
        %get3A_358 = arith.index_cast %mul3A_311 : i32 to index
        %get3A_359 = arith.constant 32 : index
        %get3A_360 = tpu.vector_load %arg10[%get3A_358, %get3A_359] {strides = array<i32>} : memref<28x128xf32, #tpu.memory_space<vmem>>, vector<1x16xf32>,
        %get3A_361 = vector.shape_cast %get3A_360 : vector<1x16xf32> to vector<16xf32>
        %get3A_362 = arith.constant 32 : index
        %get3A_363 = tpu.vector_load %arg12[%get3A_362] {strides = array<i32>} : memref<144xf32, #tpu.memory_space<vmem>>, vector<16xf32>,
        %get3A_364 = vector.shape_cast %get3A_363 : vector<16xf32> to vector<16xf32>
        %mul3A_365 = arith.mulf %get3A_361, %get3A_364 : vector<16xf32>
        %swap3A_366 = arith.constant 32 : index
        %swap3A_367 = tpu.vector_load %arg11[%swap3A_366] {strides = array<i32>} : memref<144xf32, #tpu.memory_space<vmem>>, vector<16xf32>,
        %swap3A_368 = vector.shape_cast %swap3A_367 : vector<16xf32> to vector<16xf32>
        %swap3A_369 = vector.shape_cast %mul3A_365 : vector<16xf32> to vector<16xf32>
        tpu.vector_store %arg11[%swap3A_366], %swap3A_369 {strides = array<i32>} : memref<144xf32, #tpu.memory_space<vmem>>, vector<16xf32>,
        %get3A_370 = arith.index_cast %mul3A_311 : i32 to index
        %get3A_371 = arith.constant 48 : index
        %get3A_372 = tpu.vector_load %arg10[%get3A_370, %get3A_371] {strides = array<i32>} : memref<28x128xf32, #tpu.memory_space<vmem>>, vector<1x16xf32>,
        %get3A_373 = vector.shape_cast %get3A_372 : vector<1x16xf32> to vector<16xf32>
        %get3A_374 = arith.constant 48 : index
        %get3A_375 = tpu.vector_load %arg12[%get3A_374] {strides = array<i32>} : memref<144xf32, #tpu.memory_space<vmem>>, vector<16xf32>,
        %get3A_376 = vector.shape_cast %get3A_375 : vector<16xf32> to vector<16xf32>
        %mul3A_377 = arith.mulf %get3A_373, %get3A_376 : vector<16xf32>
        %swap3A_378 = arith.constant 48 : index
        %swap3A_379 = tpu.vector_load %arg11[%swap3A_378] {strides = array<i32>} : memref<144xf32, #tpu.memory_space<vmem>>, vector<16xf32>,
        %swap3A_380 = vector.shape_cast %swap3A_379 : vector<16xf32> to vector<16xf32>
        %swap3A_381 = vector.shape_cast %mul3A_377 : vector<16xf32> to vector<16xf32>
        tpu.vector_store %arg11[%swap3A_378], %swap3A_381 {strides = array<i32>} : memref<144xf32, #tpu.memory_space<vmem>>, vector<16xf32>,
        %get3A_382 = arith.index_cast %mul3A_311 : i32 to index
        %get3A_383 = arith.constant 64 : index
        %get3A_384 = tpu.vector_load %arg10[%get3A_382, %get3A_383] {strides = array<i32>} : memref<28x128xf32, #tpu.memory_space<vmem>>, vector<1x16xf32>,
        %get3A_385 = vector.shape_cast %get3A_384 : vector<1x16xf32> to vector<16xf32>
        %get3A_386 = arith.constant 64 : index
        %get3A_387 = tpu.vector_load %arg12[%get3A_386] {strides = array<i32>} : memref<144xf32, #tpu.memory_space<vmem>>, vector<16xf32>,
        %get3A_388 = vector.shape_cast %get3A_387 : vector<16xf32> to vector<16xf32>
        %mul3A_389 = arith.mulf %get3A_385, %get3A_388 : vector<16xf32>
        %swap3A_390 = arith.constant 64 : index
        %swap3A_391 = tpu.vector_load %arg11[%swap3A_390] {strides = array<i32>} : memref<144xf32, #tpu.memory_space<vmem>>, vector<16xf32>,
        %swap3A_392 = vector.shape_cast %swap3A_391 : vector<16xf32> to vector<16xf32>
        %swap3A_393 = vector.shape_cast %mul3A_389 : vector<16xf32> to vector<16xf32>
        tpu.vector_store %arg11[%swap3A_390], %swap3A_393 {strides = array<i32>} : memref<144xf32, #tpu.memory_space<vmem>>, vector<16xf32>,
        %get3A_394 = arith.index_cast %mul3A_311 : i32 to index
        %get3A_395 = arith.constant 80 : index
        %get3A_396 = tpu.vector_load %arg10[%get3A_394, %get3A_395] {strides = array<i32>} : memref<28x128xf32, #tpu.memory_space<vmem>>, vector<1x16xf32>,
        %get3A_397 = vector.shape_cast %get3A_396 : vector<1x16xf32> to vector<16xf32>
        %get3A_398 = arith.constant 80 : index
        %get3A_399 = tpu.vector_load %arg12[%get3A_398] {strides = array<i32>} : memref<144xf32, #tpu.memory_space<vmem>>, vector<16xf32>,
        %get3A_400 = vector.shape_cast %get3A_399 : vector<16xf32> to vector<16xf32>
        %mul3A_401 = arith.mulf %get3A_397, %get3A_400 : vector<16xf32>
        %swap3A_402 = arith.constant 80 : index
        %swap3A_403 = tpu.vector_load %arg11[%swap3A_402] {strides = array<i32>} : memref<144xf32, #tpu.memory_space<vmem>>, vector<16xf32>,
        %swap3A_404 = vector.shape_cast %swap3A_403 : vector<16xf32> to vector<16xf32>
        %swap3A_405 = vector.shape_cast %mul3A_401 : vector<16xf32> to vector<16xf32>
        tpu.vector_store %arg11[%swap3A_402], %swap3A_405 {strides = array<i32>} : memref<144xf32, #tpu.memory_space<vmem>>, vector<16xf32>,
        %get3A_406 = arith.index_cast %mul3A_311 : i32 to index
        %get3A_407 = arith.constant 96 : index
        %get3A_408 = tpu.vector_load %arg10[%get3A_406, %get3A_407] {strides = array<i32>} : memref<28x128xf32, #tpu.memory_space<vmem>>, vector<1x16xf32>,
        %get3A_409 = vector.shape_cast %get3A_408 : vector<1x16xf32> to vector<16xf32>
        %get3A_410 = arith.constant 96 : index
        %get3A_411 = tpu.vector_load %arg12[%get3A_410] {strides = array<i32>} : memref<144xf32, #tpu.memory_space<vmem>>, vector<16xf32>,
        %get3A_412 = vector.shape_cast %get3A_411 : vector<16xf32> to vector<16xf32>
        %mul3A_413 = arith.mulf %get3A_409, %get3A_412 : vector<16xf32>
        %swap3A_414 = arith.constant 96 : index
        %swap3A_415 = tpu.vector_load %arg11[%swap3A_414] {strides = array<i32>} : memref<144xf32, #tpu.memory_space<vmem>>, vector<16xf32>,
        %swap3A_416 = vector.shape_cast %swap3A_415 : vector<16xf32> to vector<16xf32>
        %swap3A_417 = vector.shape_cast %mul3A_413 : vector<16xf32> to vector<16xf32>
        tpu.vector_store %arg11[%swap3A_414], %swap3A_417 {strides = array<i32>} : memref<144xf32, #tpu.memory_space<vmem>>, vector<16xf32>,
        %get3A_418 = arith.index_cast %mul3A_311 : i32 to index
        %get3A_419 = arith.constant 112 : index
        %get3A_420 = tpu.vector_load %arg10[%get3A_418, %get3A_419] {strides = array<i32>} : memref<28x128xf32, #tpu.memory_space<vmem>>, vector<1x16xf32>,
        %get3A_421 = vector.shape_cast %get3A_420 : vector<1x16xf32> to vector<16xf32>
        %get3A_422 = arith.constant 112 : index
        %get3A_423 = tpu.vector_load %arg12[%get3A_422] {strides = array<i32>} : memref<144xf32, #tpu.memory_space<vmem>>, vector<16xf32>,
        %get3A_424 = vector.shape_cast %get3A_423 : vector<16xf32> to vector<16xf32>
        %mul3A_425 = arith.mulf %get3A_421, %get3A_424 : vector<16xf32>
        %swap3A_426 = arith.constant 112 : index
        %swap3A_427 = tpu.vector_load %arg11[%swap3A_426] {strides = array<i32>} : memref<144xf32, #tpu.memory_space<vmem>>, vector<16xf32>,
        %swap3A_428 = vector.shape_cast %swap3A_427 : vector<16xf32> to vector<16xf32>
        %swap3A_429 = vector.shape_cast %mul3A_425 : vector<16xf32> to vector<16xf32>
        tpu.vector_store %arg11[%swap3A_426], %swap3A_429 {strides = array<i32>} : memref<144xf32, #tpu.memory_space<vmem>>, vector<16xf32>,
        %dma_wait3A_430 = arith.constant 0 : i32
        %dma_wait3A_431 = tpu.memref_slice %arg8[%mul3A_311, %dma_wait3A_430] : memref<28x128xi32, #tpu.memory_space<vmem>> -> memref<1x128xi32, #tpu.memory_space<vmem>>
        %dma_wait3A_432 = tpu.memref_squeeze %dma_wait3A_431 : memref<1x128xi32, #tpu.memory_space<vmem>> -> memref<128xi32, #tpu.memory_space<vmem>>
        %dma_wait3A_433 = arith.constant 0 : i32
        %dma_wait3A_434 = arith.constant 0 : i32
        %dma_wait3A_435 = tpu.memref_slice %arg2[%dma_wait3A_433, %dma_wait3A_434] : memref<10240x128xf32, #tpu.memory_space<hbm>> -> memref<10240x128xf32, #tpu.memory_space<hbm>>
        tpu.wait_indirect_dma semaphore(%arg18 : memref<!tpu.dma_semaphore, #tpu.memory_space<semaphore_mem>>) src(%dma_wait3A_435 : memref<10240x128xf32, #tpu.memory_space<hbm>>) dst(%arg15 : memref<128x128xf32, #tpu.memory_space<vmem>>)
        %scan3A_436 = arith.constant 0 : i32
        %scan3A_437 = arith.constant 0 : i32
        %scan3A_438 = arith.constant 128 : i32
        %scan3A_439 = arith.addi %scan3A_437, %scan3A_438 : i32
        %scan3A_440 = arith.constant 1 : i32
        %scan3A_441 = scf.for %scan3A_580 = %scan3A_437 to %scan3A_439 step %scan3A_440 iter_args(%scan3A_581 = %scan3A_436) -> (i32)  : i32 {
          %get3A_582 = arith.index_cast %scan3A_580 : i32 to index
          %get3A_583 = tpu.vector_load %arg11[%get3A_582] {strides = array<i32>} : memref<144xf32, #tpu.memory_space<vmem>>, vector<16xf32>,
          %get3A_584 = vector.shape_cast %get3A_583 : vector<16xf32> to vector<16xf32>
          %slice3A = vector.extract_strided_slice %get3A_584 {offsets = [0], sizes = [1], strides = [1]} : vector<16xf32> to vector<1xf32>
          %squeeze3A = vector.extract %slice3A[0] : f32 from vector<1xf32>
          %get3A_585 = arith.index_cast %scan3A_580 : i32 to index
          %get3A_586 = arith.constant 0 : index
          %get3A_587 = tpu.vector_load %arg15[%get3A_585, %get3A_586] {strides = array<i32>} : memref<128x128xf32, #tpu.memory_space<vmem>>, vector<1x16xf32>,
          %get3A_588 = vector.shape_cast %get3A_587 : vector<1x16xf32> to vector<16xf32>
          %mul3A_589 = vector.broadcast %squeeze3A : f32 to vector<16xf32>
          %mul3A_590 = arith.mulf %get3A_588, %mul3A_589 : vector<16xf32>
          %swap3A_591 = arith.index_cast %scan3A_580 : i32 to index
          %swap3A_592 = arith.constant 0 : index
          %swap3A_593 = tpu.vector_load %arg15[%swap3A_591, %swap3A_592] {strides = array<i32>} : memref<128x128xf32, #tpu.memory_space<vmem>>, vector<1x16xf32>,
          %swap3A_594 = vector.shape_cast %swap3A_593 : vector<1x16xf32> to vector<16xf32>
          %swap3A_595 = vector.shape_cast %mul3A_590 : vector<16xf32> to vector<1x16xf32>
          tpu.vector_store %arg15[%swap3A_591, %swap3A_592], %swap3A_595 {strides = array<i32>} : memref<128x128xf32, #tpu.memory_space<vmem>>, vector<1x16xf32>,
          %get3A_596 = arith.index_cast %scan3A_580 : i32 to index
          %get3A_597 = arith.constant 16 : index
          %get3A_598 = tpu.vector_load %arg15[%get3A_596, %get3A_597] {strides = array<i32>} : memref<128x128xf32, #tpu.memory_space<vmem>>, vector<1x16xf32>,
          %get3A_599 = vector.shape_cast %get3A_598 : vector<1x16xf32> to vector<16xf32>
          %mul3A_600 = vector.broadcast %squeeze3A : f32 to vector<16xf32>
          %mul3A_601 = arith.mulf %get3A_599, %mul3A_600 : vector<16xf32>
          %swap3A_602 = arith.index_cast %scan3A_580 : i32 to index
          %swap3A_603 = arith.constant 16 : index
          %swap3A_604 = tpu.vector_load %arg15[%swap3A_602, %swap3A_603] {strides = array<i32>} : memref<128x128xf32, #tpu.memory_space<vmem>>, vector<1x16xf32>,
          %swap3A_605 = vector.shape_cast %swap3A_604 : vector<1x16xf32> to vector<16xf32>
          %swap3A_606 = vector.shape_cast %mul3A_601 : vector<16xf32> to vector<1x16xf32>
          tpu.vector_store %arg15[%swap3A_602, %swap3A_603], %swap3A_606 {strides = array<i32>} : memref<128x128xf32, #tpu.memory_space<vmem>>, vector<1x16xf32>,
          %get3A_607 = arith.index_cast %scan3A_580 : i32 to index
          %get3A_608 = arith.constant 32 : index
          %get3A_609 = tpu.vector_load %arg15[%get3A_607, %get3A_608] {strides = array<i32>} : memref<128x128xf32, #tpu.memory_space<vmem>>, vector<1x16xf32>,
          %get3A_610 = vector.shape_cast %get3A_609 : vector<1x16xf32> to vector<16xf32>
          %mul3A_611 = vector.broadcast %squeeze3A : f32 to vector<16xf32>
          %mul3A_612 = arith.mulf %get3A_610, %mul3A_611 : vector<16xf32>
          %swap3A_613 = arith.index_cast %scan3A_580 : i32 to index
          %swap3A_614 = arith.constant 32 : index
          %swap3A_615 = tpu.vector_load %arg15[%swap3A_613, %swap3A_614] {strides = array<i32>} : memref<128x128xf32, #tpu.memory_space<vmem>>, vector<1x16xf32>,
          %swap3A_616 = vector.shape_cast %swap3A_615 : vector<1x16xf32> to vector<16xf32>
          %swap3A_617 = vector.shape_cast %mul3A_612 : vector<16xf32> to vector<1x16xf32>
          tpu.vector_store %arg15[%swap3A_613, %swap3A_614], %swap3A_617 {strides = array<i32>} : memref<128x128xf32, #tpu.memory_space<vmem>>, vector<1x16xf32>,
          %get3A_618 = arith.index_cast %scan3A_580 : i32 to index
          %get3A_619 = arith.constant 48 : index
          %get3A_620 = tpu.vector_load %arg15[%get3A_618, %get3A_619] {strides = array<i32>} : memref<128x128xf32, #tpu.memory_space<vmem>>, vector<1x16xf32>,
          %get3A_621 = vector.shape_cast %get3A_620 : vector<1x16xf32> to vector<16xf32>
          %mul3A_622 = vector.broadcast %squeeze3A : f32 to vector<16xf32>
          %mul3A_623 = arith.mulf %get3A_621, %mul3A_622 : vector<16xf32>
          %swap3A_624 = arith.index_cast %scan3A_580 : i32 to index
          %swap3A_625 = arith.constant 48 : index
          %swap3A_626 = tpu.vector_load %arg15[%swap3A_624, %swap3A_625] {strides = array<i32>} : memref<128x128xf32, #tpu.memory_space<vmem>>, vector<1x16xf32>,
          %swap3A_627 = vector.shape_cast %swap3A_626 : vector<1x16xf32> to vector<16xf32>
          %swap3A_628 = vector.shape_cast %mul3A_623 : vector<16xf32> to vector<1x16xf32>
          tpu.vector_store %arg15[%swap3A_624, %swap3A_625], %swap3A_628 {strides = array<i32>} : memref<128x128xf32, #tpu.memory_space<vmem>>, vector<1x16xf32>,
          %get3A_629 = arith.index_cast %scan3A_580 : i32 to index
          %get3A_630 = arith.constant 64 : index
          %get3A_631 = tpu.vector_load %arg15[%get3A_629, %get3A_630] {strides = array<i32>} : memref<128x128xf32, #tpu.memory_space<vmem>>, vector<1x16xf32>,
          %get3A_632 = vector.shape_cast %get3A_631 : vector<1x16xf32> to vector<16xf32>
          %mul3A_633 = vector.broadcast %squeeze3A : f32 to vector<16xf32>
          %mul3A_634 = arith.mulf %get3A_632, %mul3A_633 : vector<16xf32>
          %swap3A_635 = arith.index_cast %scan3A_580 : i32 to index
          %swap3A_636 = arith.constant 64 : index
          %swap3A_637 = tpu.vector_load %arg15[%swap3A_635, %swap3A_636] {strides = array<i32>} : memref<128x128xf32, #tpu.memory_space<vmem>>, vector<1x16xf32>,
          %swap3A_638 = vector.shape_cast %swap3A_637 : vector<1x16xf32> to vector<16xf32>
          %swap3A_639 = vector.shape_cast %mul3A_634 : vector<16xf32> to vector<1x16xf32>
          tpu.vector_store %arg15[%swap3A_635, %swap3A_636], %swap3A_639 {strides = array<i32>} : memref<128x128xf32, #tpu.memory_space<vmem>>, vector<1x16xf32>,
          %get3A_640 = arith.index_cast %scan3A_580 : i32 to index
          %get3A_641 = arith.constant 80 : index
          %get3A_642 = tpu.vector_load %arg15[%get3A_640, %get3A_641] {strides = array<i32>} : memref<128x128xf32, #tpu.memory_space<vmem>>, vector<1x16xf32>,
          %get3A_643 = vector.shape_cast %get3A_642 : vector<1x16xf32> to vector<16xf32>
          %mul3A_644 = vector.broadcast %squeeze3A : f32 to vector<16xf32>
          %mul3A_645 = arith.mulf %get3A_643, %mul3A_644 : vector<16xf32>
          %swap3A_646 = arith.index_cast %scan3A_580 : i32 to index
          %swap3A_647 = arith.constant 80 : index
          %swap3A_648 = tpu.vector_load %arg15[%swap3A_646, %swap3A_647] {strides = array<i32>} : memref<128x128xf32, #tpu.memory_space<vmem>>, vector<1x16xf32>,
          %swap3A_649 = vector.shape_cast %swap3A_648 : vector<1x16xf32> to vector<16xf32>
          %swap3A_650 = vector.shape_cast %mul3A_645 : vector<16xf32> to vector<1x16xf32>
          tpu.vector_store %arg15[%swap3A_646, %swap3A_647], %swap3A_650 {strides = array<i32>} : memref<128x128xf32, #tpu.memory_space<vmem>>, vector<1x16xf32>,
          %get3A_651 = arith.index_cast %scan3A_580 : i32 to index
          %get3A_652 = arith.constant 96 : index
          %get3A_653 = tpu.vector_load %arg15[%get3A_651, %get3A_652] {strides = array<i32>} : memref<128x128xf32, #tpu.memory_space<vmem>>, vector<1x16xf32>,
          %get3A_654 = vector.shape_cast %get3A_653 : vector<1x16xf32> to vector<16xf32>
          %mul3A_655 = vector.broadcast %squeeze3A : f32 to vector<16xf32>
          %mul3A_656 = arith.mulf %get3A_654, %mul3A_655 : vector<16xf32>
          %swap3A_657 = arith.index_cast %scan3A_580 : i32 to index
          %swap3A_658 = arith.constant 96 : index
          %swap3A_659 = tpu.vector_load %arg15[%swap3A_657, %swap3A_658] {strides = array<i32>} : memref<128x128xf32, #tpu.memory_space<vmem>>, vector<1x16xf32>,
          %swap3A_660 = vector.shape_cast %swap3A_659 : vector<1x16xf32> to vector<16xf32>
          %swap3A_661 = vector.shape_cast %mul3A_656 : vector<16xf32> to vector<1x16xf32>
          tpu.vector_store %arg15[%swap3A_657, %swap3A_658], %swap3A_661 {strides = array<i32>} : memref<128x128xf32, #tpu.memory_space<vmem>>, vector<1x16xf32>,
          %get3A_662 = arith.index_cast %scan3A_580 : i32 to index
          %get3A_663 = arith.constant 112 : index
          %get3A_664 = tpu.vector_load %arg15[%get3A_662, %get3A_663] {strides = array<i32>} : memref<128x128xf32, #tpu.memory_space<vmem>>, vector<1x16xf32>,
          %get3A_665 = vector.shape_cast %get3A_664 : vector<1x16xf32> to vector<16xf32>
          %mul3A_666 = vector.broadcast %squeeze3A : f32 to vector<16xf32>
          %mul3A_667 = arith.mulf %get3A_665, %mul3A_666 : vector<16xf32>
          %swap3A_668 = arith.index_cast %scan3A_580 : i32 to index
          %swap3A_669 = arith.constant 112 : index
          %swap3A_670 = tpu.vector_load %arg15[%swap3A_668, %swap3A_669] {strides = array<i32>} : memref<128x128xf32, #tpu.memory_space<vmem>>, vector<1x16xf32>,
          %swap3A_671 = vector.shape_cast %swap3A_670 : vector<1x16xf32> to vector<16xf32>
          %swap3A_672 = vector.shape_cast %mul3A_667 : vector<16xf32> to vector<1x16xf32>
          tpu.vector_store %arg15[%swap3A_668, %swap3A_669], %swap3A_672 {strides = array<i32>} : memref<128x128xf32, #tpu.memory_space<vmem>>, vector<1x16xf32>,
          %scan3A_673 = arith.constant 0 : i32
          scf.yield %scan3A_673 : i32
        }
        %scan3A_442 = arith.constant 128 : i32
        %dma_start3A_443 = arith.constant 0 : i32
        %dma_start3A_444 = tpu.memref_slice %arg9[%mul3A_311, %dma_start3A_443] : memref<28x128xi32, #tpu.memory_space<vmem>> -> memref<1x128xi32, #tpu.memory_space<vmem>>
        %dma_start3A_445 = tpu.memref_squeeze %dma_start3A_444 : memref<1x128xi32, #tpu.memory_space<vmem>> -> memref<128xi32, #tpu.memory_space<vmem>>
        %dma_start3A_446 = arith.constant 0 : i32
        %dma_start3A_447 = arith.constant 0 : i32
        %dma_start3A_448 = tpu.memref_slice %arg17[%dma_start3A_446, %dma_start3A_447] : memref<10240x128xf32, #tpu.memory_space<vmem_shared>> -> memref<10240x128xf32, #tpu.memory_space<vmem_shared>>
        tpu.enqueue_indirect_dma source(%arg15 : memref<128x128xf32, #tpu.memory_space<vmem>>) target(%dma_start3A_448 : memref<10240x128xf32, #tpu.memory_space<vmem_shared>>) offsets(%dma_start3A_445 : memref<128xi32, #tpu.memory_space<vmem>>) semaphore(%arg22 : memref<!tpu.dma_semaphore, #tpu.memory_space<semaphore_mem>>) {add = true}
        %add3A_449 = arith.constant 1 : i32
        %add3A_450 = arith.addi %mul3A_311, %add3A_449 : i32
        %dma_wait3A_451 = arith.constant 0 : i32
        %dma_wait3A_452 = tpu.memref_slice %arg13[%dma_wait3A_451] : memref<144xf32, #tpu.memory_space<vmem>> -> memref<128xf32, #tpu.memory_space<vmem>>
        %dma_wait3A_453 = arith.constant 0 : i32
        %dma_wait3A_454 = tpu.memref_slice %arg8[%add3A_450, %dma_wait3A_453] : memref<28x128xi32, #tpu.memory_space<vmem>> -> memref<1x128xi32, #tpu.memory_space<vmem>>
        %dma_wait3A_455 = tpu.memref_squeeze %dma_wait3A_454 : memref<1x128xi32, #tpu.memory_space<vmem>> -> memref<128xi32, #tpu.memory_space<vmem>>
        %dma_wait3A_456 = arith.constant 0 : i32
        %dma_wait3A_457 = tpu.memref_slice %arg3[%dma_wait3A_456] : memref<10240xf32, #tpu.memory_space<hbm>> -> memref<10240xf32, #tpu.memory_space<hbm>>
        tpu.wait_indirect_dma semaphore(%arg21 : memref<!tpu.dma_semaphore, #tpu.memory_space<semaphore_mem>>) src(%dma_wait3A_457 : memref<10240xf32, #tpu.memory_space<hbm>>) dst(%dma_wait3A_452 : memref<128xf32, #tpu.memory_space<vmem>>)
        %get3A_458 = arith.index_cast %add3A_450 : i32 to index
        %get3A_459 = arith.constant 0 : index
        %get3A_460 = tpu.vector_load %arg10[%get3A_458, %get3A_459] {strides = array<i32>} : memref<28x128xf32, #tpu.memory_space<vmem>>, vector<1x16xf32>,
        %get3A_461 = vector.shape_cast %get3A_460 : vector<1x16xf32> to vector<16xf32>
        %get3A_462 = arith.constant 0 : index
        %get3A_463 = tpu.vector_load %arg13[%get3A_462] {strides = array<i32>} : memref<144xf32, #tpu.memory_space<vmem>>, vector<16xf32>,
        %get3A_464 = vector.shape_cast %get3A_463 : vector<16xf32> to vector<16xf32>
        %mul3A_465 = arith.mulf %get3A_461, %get3A_464 : vector<16xf32>
        %swap3A_466 = arith.constant 0 : index
        %swap3A_467 = tpu.vector_load %arg11[%swap3A_466] {strides = array<i32>} : memref<144xf32, #tpu.memory_space<vmem>>, vector<16xf32>,
        %swap3A_468 = vector.shape_cast %swap3A_467 : vector<16xf32> to vector<16xf32>
        %swap3A_469 = vector.shape_cast %mul3A_465 : vector<16xf32> to vector<16xf32>
        tpu.vector_store %arg11[%swap3A_466], %swap3A_469 {strides = array<i32>} : memref<144xf32, #tpu.memory_space<vmem>>, vector<16xf32>,
        %get3A_470 = arith.index_cast %add3A_450 : i32 to index
        %get3A_471 = arith.constant 16 : index
        %get3A_472 = tpu.vector_load %arg10[%get3A_470, %get3A_471] {strides = array<i32>} : memref<28x128xf32, #tpu.memory_space<vmem>>, vector<1x16xf32>,
        %get3A_473 = vector.shape_cast %get3A_472 : vector<1x16xf32> to vector<16xf32>
        %get3A_474 = arith.constant 16 : index
        %get3A_475 = tpu.vector_load %arg13[%get3A_474] {strides = array<i32>} : memref<144xf32, #tpu.memory_space<vmem>>, vector<16xf32>,
        %get3A_476 = vector.shape_cast %get3A_475 : vector<16xf32> to vector<16xf32>
        %mul3A_477 = arith.mulf %get3A_473, %get3A_476 : vector<16xf32>
        %swap3A_478 = arith.constant 16 : index
        %swap3A_479 = tpu.vector_load %arg11[%swap3A_478] {strides = array<i32>} : memref<144xf32, #tpu.memory_space<vmem>>, vector<16xf32>,
        %swap3A_480 = vector.shape_cast %swap3A_479 : vector<16xf32> to vector<16xf32>
        %swap3A_481 = vector.shape_cast %mul3A_477 : vector<16xf32> to vector<16xf32>
        tpu.vector_store %arg11[%swap3A_478], %swap3A_481 {strides = array<i32>} : memref<144xf32, #tpu.memory_space<vmem>>, vector<16xf32>,
        %get3A_482 = arith.index_cast %add3A_450 : i32 to index
        %get3A_483 = arith.constant 32 : index
        %get3A_484 = tpu.vector_load %arg10[%get3A_482, %get3A_483] {strides = array<i32>} : memref<28x128xf32, #tpu.memory_space<vmem>>, vector<1x16xf32>,
        %get3A_485 = vector.shape_cast %get3A_484 : vector<1x16xf32> to vector<16xf32>
        %get3A_486 = arith.constant 32 : index
        %get3A_487 = tpu.vector_load %arg13[%get3A_486] {strides = array<i32>} : memref<144xf32, #tpu.memory_space<vmem>>, vector<16xf32>,
        %get3A_488 = vector.shape_cast %get3A_487 : vector<16xf32> to vector<16xf32>
        %mul3A_489 = arith.mulf %get3A_485, %get3A_488 : vector<16xf32>
        %swap3A_490 = arith.constant 32 : index
        %swap3A_491 = tpu.vector_load %arg11[%swap3A_490] {strides = array<i32>} : memref<144xf32, #tpu.memory_space<vmem>>, vector<16xf32>,
        %swap3A_492 = vector.shape_cast %swap3A_491 : vector<16xf32> to vector<16xf32>
        %swap3A_493 = vector.shape_cast %mul3A_489 : vector<16xf32> to vector<16xf32>
        tpu.vector_store %arg11[%swap3A_490], %swap3A_493 {strides = array<i32>} : memref<144xf32, #tpu.memory_space<vmem>>, vector<16xf32>,
        %get3A_494 = arith.index_cast %add3A_450 : i32 to index
        %get3A_495 = arith.constant 48 : index
        %get3A_496 = tpu.vector_load %arg10[%get3A_494, %get3A_495] {strides = array<i32>} : memref<28x128xf32, #tpu.memory_space<vmem>>, vector<1x16xf32>,
        %get3A_497 = vector.shape_cast %get3A_496 : vector<1x16xf32> to vector<16xf32>
        %get3A_498 = arith.constant 48 : index
        %get3A_499 = tpu.vector_load %arg13[%get3A_498] {strides = array<i32>} : memref<144xf32, #tpu.memory_space<vmem>>, vector<16xf32>,
        %get3A_500 = vector.shape_cast %get3A_499 : vector<16xf32> to vector<16xf32>
        %mul3A_501 = arith.mulf %get3A_497, %get3A_500 : vector<16xf32>
        %swap3A_502 = arith.constant 48 : index
        %swap3A_503 = tpu.vector_load %arg11[%swap3A_502] {strides = array<i32>} : memref<144xf32, #tpu.memory_space<vmem>>, vector<16xf32>,
        %swap3A_504 = vector.shape_cast %swap3A_503 : vector<16xf32> to vector<16xf32>
        %swap3A_505 = vector.shape_cast %mul3A_501 : vector<16xf32> to vector<16xf32>
        tpu.vector_store %arg11[%swap3A_502], %swap3A_505 {strides = array<i32>} : memref<144xf32, #tpu.memory_space<vmem>>, vector<16xf32>,
        %get3A_506 = arith.index_cast %add3A_450 : i32 to index
        %get3A_507 = arith.constant 64 : index
        %get3A_508 = tpu.vector_load %arg10[%get3A_506, %get3A_507] {strides = array<i32>} : memref<28x128xf32, #tpu.memory_space<vmem>>, vector<1x16xf32>,
        %get3A_509 = vector.shape_cast %get3A_508 : vector<1x16xf32> to vector<16xf32>
        %get3A_510 = arith.constant 64 : index
        %get3A_511 = tpu.vector_load %arg13[%get3A_510] {strides = array<i32>} : memref<144xf32, #tpu.memory_space<vmem>>, vector<16xf32>,
        %get3A_512 = vector.shape_cast %get3A_511 : vector<16xf32> to vector<16xf32>
        %mul3A_513 = arith.mulf %get3A_509, %get3A_512 : vector<16xf32>
        %swap3A_514 = arith.constant 64 : index
        %swap3A_515 = tpu.vector_load %arg11[%swap3A_514] {strides = array<i32>} : memref<144xf32, #tpu.memory_space<vmem>>, vector<16xf32>,
        %swap3A_516 = vector.shape_cast %swap3A_515 : vector<16xf32> to vector<16xf32>
        %swap3A_517 = vector.shape_cast %mul3A_513 : vector<16xf32> to vector<16xf32>
        tpu.vector_store %arg11[%swap3A_514], %swap3A_517 {strides = array<i32>} : memref<144xf32, #tpu.memory_space<vmem>>, vector<16xf32>,
        %get3A_518 = arith.index_cast %add3A_450 : i32 to index
        %get3A_519 = arith.constant 80 : index
        %get3A_520 = tpu.vector_load %arg10[%get3A_518, %get3A_519] {strides = array<i32>} : memref<28x128xf32, #tpu.memory_space<vmem>>, vector<1x16xf32>,
        %get3A_521 = vector.shape_cast %get3A_520 : vector<1x16xf32> to vector<16xf32>
        %get3A_522 = arith.constant 80 : index
        %get3A_523 = tpu.vector_load %arg13[%get3A_522] {strides = array<i32>} : memref<144xf32, #tpu.memory_space<vmem>>, vector<16xf32>,
        %get3A_524 = vector.shape_cast %get3A_523 : vector<16xf32> to vector<16xf32>
        %mul3A_525 = arith.mulf %get3A_521, %get3A_524 : vector<16xf32>
        %swap3A_526 = arith.constant 80 : index
        %swap3A_527 = tpu.vector_load %arg11[%swap3A_526] {strides = array<i32>} : memref<144xf32, #tpu.memory_space<vmem>>, vector<16xf32>,
        %swap3A_528 = vector.shape_cast %swap3A_527 : vector<16xf32> to vector<16xf32>
        %swap3A_529 = vector.shape_cast %mul3A_525 : vector<16xf32> to vector<16xf32>
        tpu.vector_store %arg11[%swap3A_526], %swap3A_529 {strides = array<i32>} : memref<144xf32, #tpu.memory_space<vmem>>, vector<16xf32>,
        %get3A_530 = arith.index_cast %add3A_450 : i32 to index
        %get3A_531 = arith.constant 96 : index
        %get3A_532 = tpu.vector_load %arg10[%get3A_530, %get3A_531] {strides = array<i32>} : memref<28x128xf32, #tpu.memory_space<vmem>>, vector<1x16xf32>,
        %get3A_533 = vector.shape_cast %get3A_532 : vector<1x16xf32> to vector<16xf32>
        %get3A_534 = arith.constant 96 : index
        %get3A_535 = tpu.vector_load %arg13[%get3A_534] {strides = array<i32>} : memref<144xf32, #tpu.memory_space<vmem>>, vector<16xf32>,
        %get3A_536 = vector.shape_cast %get3A_535 : vector<16xf32> to vector<16xf32>
        %mul3A_537 = arith.mulf %get3A_533, %get3A_536 : vector<16xf32>
        %swap3A_538 = arith.constant 96 : index
        %swap3A_539 = tpu.vector_load %arg11[%swap3A_538] {strides = array<i32>} : memref<144xf32, #tpu.memory_space<vmem>>, vector<16xf32>,
        %swap3A_540 = vector.shape_cast %swap3A_539 : vector<16xf32> to vector<16xf32>
        %swap3A_541 = vector.shape_cast %mul3A_537 : vector<16xf32> to vector<16xf32>
        tpu.vector_store %arg11[%swap3A_538], %swap3A_541 {strides = array<i32>} : memref<144xf32, #tpu.memory_space<vmem>>, vector<16xf32>,
        %get3A_542 = arith.index_cast %add3A_450 : i32 to index
        %get3A_543 = arith.constant 112 : index
        %get3A_544 = tpu.vector_load %arg10[%get3A_542, %get3A_543] {strides = array<i32>} : memref<28x128xf32, #tpu.memory_space<vmem>>, vector<1x16xf32>,
        %get3A_545 = vector.shape_cast %get3A_544 : vector<1x16xf32> to vector<16xf32>
        %get3A_546 = arith.constant 112 : index
        %get3A_547 = tpu.vector_load %arg13[%get3A_546] {strides = array<i32>} : memref<144xf32, #tpu.memory_space<vmem>>, vector<16xf32>,
        %get3A_548 = vector.shape_cast %get3A_547 : vector<16xf32> to vector<16xf32>
        %mul3A_549 = arith.mulf %get3A_545, %get3A_548 : vector<16xf32>
        %swap3A_550 = arith.constant 112 : index
        %swap3A_551 = tpu.vector_load %arg11[%swap3A_550] {strides = array<i32>} : memref<144xf32, #tpu.memory_space<vmem>>, vector<16xf32>,
        %swap3A_552 = vector.shape_cast %swap3A_551 : vector<16xf32> to vector<16xf32>
        %swap3A_553 = vector.shape_cast %mul3A_549 : vector<16xf32> to vector<16xf32>
        tpu.vector_store %arg11[%swap3A_550], %swap3A_553 {strides = array<i32>} : memref<144xf32, #tpu.memory_space<vmem>>, vector<16xf32>,
        %dma_wait3A_554 = arith.constant 0 : i32
        %dma_wait3A_555 = tpu.memref_slice %arg8[%add3A_450, %dma_wait3A_554] : memref<28x128xi32, #tpu.memory_space<vmem>> -> memref<1x128xi32, #tpu.memory_space<vmem>>
        %dma_wait3A_556 = tpu.memref_squeeze %dma_wait3A_555 : memref<1x128xi32, #tpu.memory_space<vmem>> -> memref<128xi32, #tpu.memory_space<vmem>>
        %dma_wait3A_557 = arith.constant 0 : i32
        %dma_wait3A_558 = arith.constant 0 : i32
        %dma_wait3A_559 = tpu.memref_slice %arg2[%dma_wait3A_557, %dma_wait3A_558] : memref<10240x128xf32, #tpu.memory_space<hbm>> -> memref<10240x128xf32, #tpu.memory_space<hbm>>
        tpu.wait_indirect_dma semaphore(%arg19 : memref<!tpu.dma_semaphore, #tpu.memory_space<semaphore_mem>>) src(%dma_wait3A_559 : memref<10240x128xf32, #tpu.memory_space<hbm>>) dst(%arg16 : memref<128x128xf32, #tpu.memory_space<vmem>>)
        %scan3A_560 = arith.constant 0 : i32
        %scan3A_561 = arith.constant 0 : i32
        %scan3A_562 = arith.constant 128 : i32
        %scan3A_563 = arith.addi %scan3A_561, %scan3A_562 : i32
        %scan3A_564 = arith.constant 1 : i32
        %scan3A_565 = scf.for %scan3A_580 = %scan3A_561 to %scan3A_563 step %scan3A_564 iter_args(%scan3A_581 = %scan3A_560) -> (i32)  : i32 {
          %get3A_582 = arith.index_cast %scan3A_580 : i32 to index
          %get3A_583 = tpu.vector_load %arg11[%get3A_582] {strides = array<i32>} : memref<144xf32, #tpu.memory_space<vmem>>, vector<16xf32>,
          %get3A_584 = vector.shape_cast %get3A_583 : vector<16xf32> to vector<16xf32>
          %slice3A = vector.extract_strided_slice %get3A_584 {offsets = [0], sizes = [1], strides = [1]} : vector<16xf32> to vector<1xf32>
          %squeeze3A = vector.extract %slice3A[0] : f32 from vector<1xf32>
          %get3A_585 = arith.index_cast %scan3A_580 : i32 to index
          %get3A_586 = arith.constant 0 : index
          %get3A_587 = tpu.vector_load %arg16[%get3A_585, %get3A_586] {strides = array<i32>} : memref<128x128xf32, #tpu.memory_space<vmem>>, vector<1x16xf32>,
          %get3A_588 = vector.shape_cast %get3A_587 : vector<1x16xf32> to vector<16xf32>
          %mul3A_589 = vector.broadcast %squeeze3A : f32 to vector<16xf32>
          %mul3A_590 = arith.mulf %get3A_588, %mul3A_589 : vector<16xf32>
          %swap3A_591 = arith.index_cast %scan3A_580 : i32 to index
          %swap3A_592 = arith.constant 0 : index
          %swap3A_593 = tpu.vector_load %arg16[%swap3A_591, %swap3A_592] {strides = array<i32>} : memref<128x128xf32, #tpu.memory_space<vmem>>, vector<1x16xf32>,
          %swap3A_594 = vector.shape_cast %swap3A_593 : vector<1x16xf32> to vector<16xf32>
          %swap3A_595 = vector.shape_cast %mul3A_590 : vector<16xf32> to vector<1x16xf32>
          tpu.vector_store %arg16[%swap3A_591, %swap3A_592], %swap3A_595 {strides = array<i32>} : memref<128x128xf32, #tpu.memory_space<vmem>>, vector<1x16xf32>,
          %get3A_596 = arith.index_cast %scan3A_580 : i32 to index
          %get3A_597 = arith.constant 16 : index
          %get3A_598 = tpu.vector_load %arg16[%get3A_596, %get3A_597] {strides = array<i32>} : memref<128x128xf32, #tpu.memory_space<vmem>>, vector<1x16xf32>,
          %get3A_599 = vector.shape_cast %get3A_598 : vector<1x16xf32> to vector<16xf32>
          %mul3A_600 = vector.broadcast %squeeze3A : f32 to vector<16xf32>
          %mul3A_601 = arith.mulf %get3A_599, %mul3A_600 : vector<16xf32>
          %swap3A_602 = arith.index_cast %scan3A_580 : i32 to index
          %swap3A_603 = arith.constant 16 : index
          %swap3A_604 = tpu.vector_load %arg16[%swap3A_602, %swap3A_603] {strides = array<i32>} : memref<128x128xf32, #tpu.memory_space<vmem>>, vector<1x16xf32>,
          %swap3A_605 = vector.shape_cast %swap3A_604 : vector<1x16xf32> to vector<16xf32>
          %swap3A_606 = vector.shape_cast %mul3A_601 : vector<16xf32> to vector<1x16xf32>
          tpu.vector_store %arg16[%swap3A_602, %swap3A_603], %swap3A_606 {strides = array<i32>} : memref<128x128xf32, #tpu.memory_space<vmem>>, vector<1x16xf32>,
          %get3A_607 = arith.index_cast %scan3A_580 : i32 to index
          %get3A_608 = arith.constant 32 : index
          %get3A_609 = tpu.vector_load %arg16[%get3A_607, %get3A_608] {strides = array<i32>} : memref<128x128xf32, #tpu.memory_space<vmem>>, vector<1x16xf32>,
          %get3A_610 = vector.shape_cast %get3A_609 : vector<1x16xf32> to vector<16xf32>
          %mul3A_611 = vector.broadcast %squeeze3A : f32 to vector<16xf32>
          %mul3A_612 = arith.mulf %get3A_610, %mul3A_611 : vector<16xf32>
          %swap3A_613 = arith.index_cast %scan3A_580 : i32 to index
          %swap3A_614 = arith.constant 32 : index
          %swap3A_615 = tpu.vector_load %arg16[%swap3A_613, %swap3A_614] {strides = array<i32>} : memref<128x128xf32, #tpu.memory_space<vmem>>, vector<1x16xf32>,
          %swap3A_616 = vector.shape_cast %swap3A_615 : vector<1x16xf32> to vector<16xf32>
          %swap3A_617 = vector.shape_cast %mul3A_612 : vector<16xf32> to vector<1x16xf32>
          tpu.vector_store %arg16[%swap3A_613, %swap3A_614], %swap3A_617 {strides = array<i32>} : memref<128x128xf32, #tpu.memory_space<vmem>>, vector<1x16xf32>,
          %get3A_618 = arith.index_cast %scan3A_580 : i32 to index
          %get3A_619 = arith.constant 48 : index
          %get3A_620 = tpu.vector_load %arg16[%get3A_618, %get3A_619] {strides = array<i32>} : memref<128x128xf32, #tpu.memory_space<vmem>>, vector<1x16xf32>,
          %get3A_621 = vector.shape_cast %get3A_620 : vector<1x16xf32> to vector<16xf32>
          %mul3A_622 = vector.broadcast %squeeze3A : f32 to vector<16xf32>
          %mul3A_623 = arith.mulf %get3A_621, %mul3A_622 : vector<16xf32>
          %swap3A_624 = arith.index_cast %scan3A_580 : i32 to index
          %swap3A_625 = arith.constant 48 : index
          %swap3A_626 = tpu.vector_load %arg16[%swap3A_624, %swap3A_625] {strides = array<i32>} : memref<128x128xf32, #tpu.memory_space<vmem>>, vector<1x16xf32>,
          %swap3A_627 = vector.shape_cast %swap3A_626 : vector<1x16xf32> to vector<16xf32>
          %swap3A_628 = vector.shape_cast %mul3A_623 : vector<16xf32> to vector<1x16xf32>
          tpu.vector_store %arg16[%swap3A_624, %swap3A_625], %swap3A_628 {strides = array<i32>} : memref<128x128xf32, #tpu.memory_space<vmem>>, vector<1x16xf32>,
          %get3A_629 = arith.index_cast %scan3A_580 : i32 to index
          %get3A_630 = arith.constant 64 : index
          %get3A_631 = tpu.vector_load %arg16[%get3A_629, %get3A_630] {strides = array<i32>} : memref<128x128xf32, #tpu.memory_space<vmem>>, vector<1x16xf32>,
          %get3A_632 = vector.shape_cast %get3A_631 : vector<1x16xf32> to vector<16xf32>
          %mul3A_633 = vector.broadcast %squeeze3A : f32 to vector<16xf32>
          %mul3A_634 = arith.mulf %get3A_632, %mul3A_633 : vector<16xf32>
          %swap3A_635 = arith.index_cast %scan3A_580 : i32 to index
          %swap3A_636 = arith.constant 64 : index
          %swap3A_637 = tpu.vector_load %arg16[%swap3A_635, %swap3A_636] {strides = array<i32>} : memref<128x128xf32, #tpu.memory_space<vmem>>, vector<1x16xf32>,
          %swap3A_638 = vector.shape_cast %swap3A_637 : vector<1x16xf32> to vector<16xf32>
          %swap3A_639 = vector.shape_cast %mul3A_634 : vector<16xf32> to vector<1x16xf32>
          tpu.vector_store %arg16[%swap3A_635, %swap3A_636], %swap3A_639 {strides = array<i32>} : memref<128x128xf32, #tpu.memory_space<vmem>>, vector<1x16xf32>,
          %get3A_640 = arith.index_cast %scan3A_580 : i32 to index
          %get3A_641 = arith.constant 80 : index
          %get3A_642 = tpu.vector_load %arg16[%get3A_640, %get3A_641] {strides = array<i32>} : memref<128x128xf32, #tpu.memory_space<vmem>>, vector<1x16xf32>,
          %get3A_643 = vector.shape_cast %get3A_642 : vector<1x16xf32> to vector<16xf32>
          %mul3A_644 = vector.broadcast %squeeze3A : f32 to vector<16xf32>
          %mul3A_645 = arith.mulf %get3A_643, %mul3A_644 : vector<16xf32>
          %swap3A_646 = arith.index_cast %scan3A_580 : i32 to index
          %swap3A_647 = arith.constant 80 : index
          %swap3A_648 = tpu.vector_load %arg16[%swap3A_646, %swap3A_647] {strides = array<i32>} : memref<128x128xf32, #tpu.memory_space<vmem>>, vector<1x16xf32>,
          %swap3A_649 = vector.shape_cast %swap3A_648 : vector<1x16xf32> to vector<16xf32>
          %swap3A_650 = vector.shape_cast %mul3A_645 : vector<16xf32> to vector<1x16xf32>
          tpu.vector_store %arg16[%swap3A_646, %swap3A_647], %swap3A_650 {strides = array<i32>} : memref<128x128xf32, #tpu.memory_space<vmem>>, vector<1x16xf32>,
          %get3A_651 = arith.index_cast %scan3A_580 : i32 to index
          %get3A_652 = arith.constant 96 : index
          %get3A_653 = tpu.vector_load %arg16[%get3A_651, %get3A_652] {strides = array<i32>} : memref<128x128xf32, #tpu.memory_space<vmem>>, vector<1x16xf32>,
          %get3A_654 = vector.shape_cast %get3A_653 : vector<1x16xf32> to vector<16xf32>
          %mul3A_655 = vector.broadcast %squeeze3A : f32 to vector<16xf32>
          %mul3A_656 = arith.mulf %get3A_654, %mul3A_655 : vector<16xf32>
          %swap3A_657 = arith.index_cast %scan3A_580 : i32 to index
          %swap3A_658 = arith.constant 96 : index
          %swap3A_659 = tpu.vector_load %arg16[%swap3A_657, %swap3A_658] {strides = array<i32>} : memref<128x128xf32, #tpu.memory_space<vmem>>, vector<1x16xf32>,
          %swap3A_660 = vector.shape_cast %swap3A_659 : vector<1x16xf32> to vector<16xf32>
          %swap3A_661 = vector.shape_cast %mul3A_656 : vector<16xf32> to vector<1x16xf32>
          tpu.vector_store %arg16[%swap3A_657, %swap3A_658], %swap3A_661 {strides = array<i32>} : memref<128x128xf32, #tpu.memory_space<vmem>>, vector<1x16xf32>,
          %get3A_662 = arith.index_cast %scan3A_580 : i32 to index
          %get3A_663 = arith.constant 112 : index
          %get3A_664 = tpu.vector_load %arg16[%get3A_662, %get3A_663] {strides = array<i32>} : memref<128x128xf32, #tpu.memory_space<vmem>>, vector<1x16xf32>,
          %get3A_665 = vector.shape_cast %get3A_664 : vector<1x16xf32> to vector<16xf32>
          %mul3A_666 = vector.broadcast %squeeze3A : f32 to vector<16xf32>
          %mul3A_667 = arith.mulf %get3A_665, %mul3A_666 : vector<16xf32>
          %swap3A_668 = arith.index_cast %scan3A_580 : i32 to index
          %swap3A_669 = arith.constant 112 : index
          %swap3A_670 = tpu.vector_load %arg16[%swap3A_668, %swap3A_669] {strides = array<i32>} : memref<128x128xf32, #tpu.memory_space<vmem>>, vector<1x16xf32>,
          %swap3A_671 = vector.shape_cast %swap3A_670 : vector<1x16xf32> to vector<16xf32>
          %swap3A_672 = vector.shape_cast %mul3A_667 : vector<16xf32> to vector<1x16xf32>
          tpu.vector_store %arg16[%swap3A_668, %swap3A_669], %swap3A_672 {strides = array<i32>} : memref<128x128xf32, #tpu.memory_space<vmem>>, vector<1x16xf32>,
          %scan3A_673 = arith.constant 0 : i32
          scf.yield %scan3A_673 : i32
        }
        %scan3A_566 = arith.constant 128 : i32
        %dma_start3A_567 = arith.constant 0 : i32
        %dma_start3A_568 = tpu.memref_slice %arg9[%add3A_450, %dma_start3A_567] : memref<28x128xi32, #tpu.memory_space<vmem>> -> memref<1x128xi32, #tpu.memory_space<vmem>>
        %dma_start3A_569 = tpu.memref_squeeze %dma_start3A_568 : memref<1x128xi32, #tpu.memory_space<vmem>> -> memref<128xi32, #tpu.memory_space<vmem>>
        %dma_start3A_570 = arith.constant 0 : i32
        %dma_start3A_571 = arith.constant 0 : i32
        %dma_start3A_572 = tpu.memref_slice %arg17[%dma_start3A_570, %dma_start3A_571] : memref<10240x128xf32, #tpu.memory_space<vmem_shared>> -> memref<10240x128xf32, #tpu.memory_space<vmem_shared>>
        tpu.enqueue_indirect_dma source(%arg16 : memref<128x128xf32, #tpu.memory_space<vmem>>) target(%dma_start3A_572 : memref<10240x128xf32, #tpu.memory_space<vmem_shared>>) offsets(%dma_start3A_569 : memref<128xi32, #tpu.memory_space<vmem>>) semaphore(%arg23 : memref<!tpu.dma_semaphore, #tpu.memory_space<semaphore_mem>>) {add = true}
        %add3A_573 = arith.constant 1 : i32
        %add3A_574 = arith.addi %scan3A_308, %add3A_573 : i32
        %lt3A = arith.constant 14 : i32
        %lt3A_575 = arith.cmpi slt, %add3A_574, %lt3A : i32
        %convert_element_type3A_576 = arith.extui %lt3A_575 : i1 to i32
        %cond3A_577 = arith.constant 0 : i32
        %cond3A_578 = arith.cmpi ne, %convert_element_type3A_576, %cond3A_577 : i32
        scf.if %cond3A_578 {
          %dma_wait3A_580 = arith.constant 0 : i32
          %dma_wait3A_581 = arith.constant 0 : i32
          %dma_wait3A_582 = tpu.memref_slice %arg9[%dma_wait3A_580, %dma_wait3A_581] : memref<28x128xi32, #tpu.memory_space<vmem>> -> memref<1x128xi32, #tpu.memory_space<vmem>>
          %dma_wait3A_583 = tpu.memref_squeeze %dma_wait3A_582 : memref<1x128xi32, #tpu.memory_space<vmem>> -> memref<128xi32, #tpu.memory_space<vmem>>
          %dma_wait3A_584 = arith.constant 0 : i32
          %dma_wait3A_585 = arith.constant 0 : i32
          %dma_wait3A_586 = tpu.memref_slice %arg17[%dma_wait3A_584, %dma_wait3A_585] : memref<10240x128xf32, #tpu.memory_space<vmem_shared>> -> memref<10240x128xf32, #tpu.memory_space<vmem_shared>>
          tpu.wait_indirect_dma semaphore(%arg22 : memref<!tpu.dma_semaphore, #tpu.memory_space<semaphore_mem>>) src(%arg15 : memref<128x128xf32, #tpu.memory_space<vmem>>) dst(%dma_wait3A_586 : memref<10240x128xf32, #tpu.memory_space<vmem_shared>>)
          %add3A_587 = arith.constant 2 : i32
          %add3A_588 = arith.addi %mul3A_311, %add3A_587 : i32
          %dma_start3A_589 = arith.constant 0 : i32
          %dma_start3A_590 = tpu.memref_slice %arg8[%add3A_588, %dma_start3A_589] : memref<28x128xi32, #tpu.memory_space<vmem>> -> memref<1x128xi32, #tpu.memory_space<vmem>>
          %dma_start3A_591 = tpu.memref_squeeze %dma_start3A_590 : memref<1x128xi32, #tpu.memory_space<vmem>> -> memref<128xi32, #tpu.memory_space<vmem>>
          %dma_start3A_592 = arith.constant 0 : i32
          %dma_start3A_593 = arith.constant 0 : i32
          %dma_start3A_594 = tpu.memref_slice %arg2[%dma_start3A_592, %dma_start3A_593] : memref<10240x128xf32, #tpu.memory_space<hbm>> -> memref<10240x128xf32, #tpu.memory_space<hbm>>
          tpu.enqueue_indirect_dma source(%dma_start3A_594 : memref<10240x128xf32, #tpu.memory_space<hbm>>) target(%arg15 : memref<128x128xf32, #tpu.memory_space<vmem>>) offsets(%dma_start3A_591 : memref<128xi32, #tpu.memory_space<vmem>>) semaphore(%arg18 : memref<!tpu.dma_semaphore, #tpu.memory_space<semaphore_mem>>)
          %dma_start3A_595 = arith.constant 0 : i32
          %dma_start3A_596 = tpu.memref_slice %arg12[%dma_start3A_595] : memref<144xf32, #tpu.memory_space<vmem>> -> memref<128xf32, #tpu.memory_space<vmem>>
          %dma_start3A_597 = arith.constant 0 : i32
          %dma_start3A_598 = tpu.memref_slice %arg8[%add3A_588, %dma_start3A_597] : memref<28x128xi32, #tpu.memory_space<vmem>> -> memref<1x128xi32, #tpu.memory_space<vmem>>
          %dma_start3A_599 = tpu.memref_squeeze %dma_start3A_598 : memref<1x128xi32, #tpu.memory_space<vmem>> -> memref<128xi32, #tpu.memory_space<vmem>>
          %dma_start3A_600 = arith.constant 0 : i32
          %dma_start3A_601 = tpu.memref_slice %arg3[%dma_start3A_600] : memref<10240xf32, #tpu.memory_space<hbm>> -> memref<10240xf32, #tpu.memory_space<hbm>>
          tpu.enqueue_indirect_dma source(%dma_start3A_601 : memref<10240xf32, #tpu.memory_space<hbm>>) target(%dma_start3A_596 : memref<128xf32, #tpu.memory_space<vmem>>) offsets(%dma_start3A_599 : memref<128xi32, #tpu.memory_space<vmem>>) semaphore(%arg20 : memref<!tpu.dma_semaphore, #tpu.memory_space<semaphore_mem>>)
        } else {
        }
        %scan3A_579 = arith.constant 0 : i32
        scf.yield %scan3A_579 : i32
      }
      %scan3A_292 = arith.constant 14 : i32
      %dma_wait3A_293 = arith.constant 0 : i32
      %dma_wait3A_294 = arith.constant 0 : i32
      %dma_wait3A_295 = tpu.memref_slice %arg9[%dma_wait3A_293, %dma_wait3A_294] : memref<28x128xi32, #tpu.memory_space<vmem>> -> memref<1x128xi32, #tpu.memory_space<vmem>>
      %dma_wait3A_296 = tpu.memref_squeeze %dma_wait3A_295 : memref<1x128xi32, #tpu.memory_space<vmem>> -> memref<128xi32, #tpu.memory_space<vmem>>
      %dma_wait3A_297 = arith.constant 0 : i32
      %dma_wait3A_298 = arith.constant 0 : i32
      %dma_wait3A_299 = tpu.memref_slice %arg17[%dma_wait3A_297, %dma_wait3A_298] : memref<10240x128xf32, #tpu.memory_space<vmem_shared>> -> memref<10240x128xf32, #tpu.memory_space<vmem_shared>>
      tpu.wait_indirect_dma semaphore(%arg22 : memref<!tpu.dma_semaphore, #tpu.memory_space<semaphore_mem>>) src(%arg15 : memref<128x128xf32, #tpu.memory_space<vmem>>) dst(%dma_wait3A_299 : memref<10240x128xf32, #tpu.memory_space<vmem_shared>>)
      %dma_wait3A_300 = arith.constant 0 : i32
      %dma_wait3A_301 = arith.constant 0 : i32
      %dma_wait3A_302 = tpu.memref_slice %arg9[%dma_wait3A_300, %dma_wait3A_301] : memref<28x128xi32, #tpu.memory_space<vmem>> -> memref<1x128xi32, #tpu.memory_space<vmem>>
      %dma_wait3A_303 = tpu.memref_squeeze %dma_wait3A_302 : memref<1x128xi32, #tpu.memory_space<vmem>> -> memref<128xi32, #tpu.memory_space<vmem>>
      %dma_wait3A_304 = arith.constant 0 : i32
      %dma_wait3A_305 = arith.constant 0 : i32
      %dma_wait3A_306 = tpu.memref_slice %arg17[%dma_wait3A_304, %dma_wait3A_305] : memref<10240x128xf32, #tpu.memory_space<vmem_shared>> -> memref<10240x128xf32, #tpu.memory_space<vmem_shared>>
      tpu.wait_indirect_dma semaphore(%arg23 : memref<!tpu.dma_semaphore, #tpu.memory_space<semaphore_mem>>) src(%arg16 : memref<128x128xf32, #tpu.memory_space<vmem>>) dst(%dma_wait3A_306 : memref<10240x128xf32, #tpu.memory_space<vmem_shared>>)
      %scan3A_307 = arith.constant 0 : i32
      scf.yield %scan3A_307 : i32
    }
    %scan3A_33 = arith.constant 3 : i32
    %barrier3A_34 = arith.constant 0 : index
    tpu.barrier barrier_id(%barrier3A_34)
    %mul3A_35 = arith.constant 640 : i32
    %mul3A_36 = arith.muli %arg1, %mul3A_35 : i32
    "tpu.region"() ({
      %run_scoped3A = tpu.sem_alloc : memref<!tpu.dma_semaphore, #tpu.memory_space<semaphore_mem>>
      %dma_start3A_260 = arith.constant 0 : i32
      %dma_start3A_261 = tpu.memref_slice %arg14[%dma_start3A_260] : memref<656xf32, #tpu.memory_space<vmem>> -> memref<640xf32, #tpu.memory_space<vmem>>
      %dma_start3A_262 = tpu.memref_slice %arg3[%mul3A_36] : memref<10240xf32, #tpu.memory_space<hbm>> -> memref<640xf32, #tpu.memory_space<hbm>>
      %dma_start3A_263 = arith.constant 0 : i32
      %dma_start3A_264 = tpu.memref_slice %arg14[%dma_start3A_263] : memref<656xf32, #tpu.memory_space<vmem>> -> memref<640xf32, #tpu.memory_space<vmem>>
      %dma_start3A_265 = tpu.memref_slice %arg3[%mul3A_36] : memref<10240xf32, #tpu.memory_space<hbm>> -> memref<640xf32, #tpu.memory_space<hbm>>
      tpu.enqueue_dma source(%dma_start3A_265 : memref<640xf32, #tpu.memory_space<hbm>>) target(%dma_start3A_264 : memref<640xf32, #tpu.memory_space<vmem>>) target_semaphore(%run_scoped3A : memref<!tpu.dma_semaphore, #tpu.memory_space<semaphore_mem>>)
      %dma_wait3A_266 = arith.constant 0 : i32
      %dma_wait3A_267 = tpu.memref_slice %arg14[%dma_wait3A_266] : memref<656xf32, #tpu.memory_space<vmem>> -> memref<640xf32, #tpu.memory_space<vmem>>
      %dma_wait3A_268 = tpu.memref_slice %arg3[%mul3A_36] : memref<10240xf32, #tpu.memory_space<hbm>> -> memref<640xf32, #tpu.memory_space<hbm>>
      %dma_wait3A_269 = arith.constant 0 : i32
      %dma_wait3A_270 = tpu.memref_slice %arg14[%dma_wait3A_269] : memref<656xf32, #tpu.memory_space<vmem>> -> memref<640xf32, #tpu.memory_space<vmem>>
      %dma_wait3A_271 = tpu.memref_slice %arg3[%mul3A_36] : memref<10240xf32, #tpu.memory_space<hbm>> -> memref<640xf32, #tpu.memory_space<hbm>>
      tpu.wait_dma2 semaphore(%run_scoped3A : memref<!tpu.dma_semaphore, #tpu.memory_space<semaphore_mem>>) src(%dma_wait3A_271 : memref<640xf32, #tpu.memory_space<hbm>>) dst(%dma_wait3A_270 : memref<640xf32, #tpu.memory_space<vmem>>)
      tpu.yield
    }) : () -> ()
    %mul3A_37 = arith.constant 640 : i32
    %mul3A_38 = arith.muli %arg1, %mul3A_37 : i32
    %add3A_39 = arith.constant 0 : i32
    %add3A_40 = arith.addi %mul3A_38, %add3A_39 : i32
    %dma_start3A = arith.constant 0 : i32
    %dma_start3A_41 = tpu.memref_slice %arg17[%add3A_40, %dma_start3A] : memref<10240x128xf32, #tpu.memory_space<vmem_shared>> -> memref<128x128xf32, #tpu.memory_space<vmem_shared>>
    %dma_start3A_42 = arith.constant 0 : i32
    %dma_start3A_43 = tpu.memref_slice %arg17[%add3A_40, %dma_start3A_42] : memref<10240x128xf32, #tpu.memory_space<vmem_shared>> -> memref<128x128xf32, #tpu.memory_space<vmem_shared>>
    tpu.enqueue_dma source(%dma_start3A_43 : memref<128x128xf32, #tpu.memory_space<vmem_shared>>) target(%arg15 : memref<128x128xf32, #tpu.memory_space<vmem>>) target_semaphore(%arg18 : memref<!tpu.dma_semaphore, #tpu.memory_space<semaphore_mem>>)
    %mul3A_44 = arith.constant 640 : i32
    %mul3A_45 = arith.muli %arg1, %mul3A_44 : i32
    %add3A_46 = arith.constant 0 : i32
    %add3A_47 = arith.addi %mul3A_45, %add3A_46 : i32
    %dma_wait3A = arith.constant 0 : i32
    %dma_wait3A_48 = tpu.memref_slice %arg17[%add3A_47, %dma_wait3A] : memref<10240x128xf32, #tpu.memory_space<vmem_shared>> -> memref<128x128xf32, #tpu.memory_space<vmem_shared>>
    %dma_wait3A_49 = arith.constant 0 : i32
    %dma_wait3A_50 = tpu.memref_slice %arg17[%add3A_47, %dma_wait3A_49] : memref<10240x128xf32, #tpu.memory_space<vmem_shared>> -> memref<128x128xf32, #tpu.memory_space<vmem_shared>>
    tpu.wait_dma2 semaphore(%arg18 : memref<!tpu.dma_semaphore, #tpu.memory_space<semaphore_mem>>) src(%dma_wait3A_50 : memref<128x128xf32, #tpu.memory_space<vmem_shared>>) dst(%arg15 : memref<128x128xf32, #tpu.memory_space<vmem>>)
    %mul3A_51 = arith.constant 640 : i32
    %mul3A_52 = arith.muli %arg1, %mul3A_51 : i32
    %add3A_53 = arith.constant 128 : i32
    %add3A_54 = arith.addi %mul3A_52, %add3A_53 : i32
    %dma_start3A_55 = arith.constant 0 : i32
    %dma_start3A_56 = tpu.memref_slice %arg17[%add3A_54, %dma_start3A_55] : memref<10240x128xf32, #tpu.memory_space<vmem_shared>> -> memref<128x128xf32, #tpu.memory_space<vmem_shared>>
    %dma_start3A_57 = arith.constant 0 : i32
    %dma_start3A_58 = tpu.memref_slice %arg17[%add3A_54, %dma_start3A_57] : memref<10240x128xf32, #tpu.memory_space<vmem_shared>> -> memref<128x128xf32, #tpu.memory_space<vmem_shared>>
    tpu.enqueue_dma source(%dma_start3A_58 : memref<128x128xf32, #tpu.memory_space<vmem_shared>>) target(%arg16 : memref<128x128xf32, #tpu.memory_space<vmem>>) target_semaphore(%arg19 : memref<!tpu.dma_semaphore, #tpu.memory_space<semaphore_mem>>)
    %scan3A_59 = arith.constant 0 : i32
    %scan3A_60 = arith.constant 0 : i32
    %scan3A_61 = arith.constant 128 : i32
    %scan3A_62 = arith.addi %scan3A_60, %scan3A_61 : i32
    %scan3A_63 = arith.constant 1 : i32
    %scan3A_64 = scf.for %scan3A_260 = %scan3A_60 to %scan3A_62 step %scan3A_63 iter_args(%scan3A_261 = %scan3A_59) -> (i32)  : i32 {
      %add3A_262 = arith.constant 0 : i32
      %add3A_263 = arith.addi %add3A_262, %scan3A_260 : i32
      %get3A = arith.index_cast %add3A_263 : i32 to index
      %get3A_264 = tpu.vector_load %arg14[%get3A] {strides = array<i32>} : memref<656xf32, #tpu.memory_space<vmem>>, vector<16xf32>,
      %get3A_265 = vector.shape_cast %get3A_264 : vector<16xf32> to vector<16xf32>
      %slice3A = vector.extract_strided_slice %get3A_265 {offsets = [0], sizes = [1], strides = [1]} : vector<16xf32> to vector<1xf32>
      %squeeze3A = vector.extract %slice3A[0] : f32 from vector<1xf32>
      %get3A_266 = arith.index_cast %scan3A_260 : i32 to index
      %get3A_267 = arith.constant 0 : index
      %get3A_268 = tpu.vector_load %arg15[%get3A_266, %get3A_267] {strides = array<i32>} : memref<128x128xf32, #tpu.memory_space<vmem>>, vector<1x16xf32>,
      %get3A_269 = vector.shape_cast %get3A_268 : vector<1x16xf32> to vector<16xf32>
      %mul3A_270 = vector.broadcast %squeeze3A : f32 to vector<16xf32>
      %mul3A_271 = arith.mulf %get3A_269, %mul3A_270 : vector<16xf32>
      %swap3A = arith.index_cast %scan3A_260 : i32 to index
      %swap3A_272 = arith.constant 0 : index
      %swap3A_273 = tpu.vector_load %arg15[%swap3A, %swap3A_272] {strides = array<i32>} : memref<128x128xf32, #tpu.memory_space<vmem>>, vector<1x16xf32>,
      %swap3A_274 = vector.shape_cast %swap3A_273 : vector<1x16xf32> to vector<16xf32>
      %swap3A_275 = vector.shape_cast %mul3A_271 : vector<16xf32> to vector<1x16xf32>
      tpu.vector_store %arg15[%swap3A, %swap3A_272], %swap3A_275 {strides = array<i32>} : memref<128x128xf32, #tpu.memory_space<vmem>>, vector<1x16xf32>,
      %get3A_276 = arith.index_cast %scan3A_260 : i32 to index
      %get3A_277 = arith.constant 16 : index
      %get3A_278 = tpu.vector_load %arg15[%get3A_276, %get3A_277] {strides = array<i32>} : memref<128x128xf32, #tpu.memory_space<vmem>>, vector<1x16xf32>,
      %get3A_279 = vector.shape_cast %get3A_278 : vector<1x16xf32> to vector<16xf32>
      %mul3A_280 = vector.broadcast %squeeze3A : f32 to vector<16xf32>
      %mul3A_281 = arith.mulf %get3A_279, %mul3A_280 : vector<16xf32>
      %swap3A_282 = arith.index_cast %scan3A_260 : i32 to index
      %swap3A_283 = arith.constant 16 : index
      %swap3A_284 = tpu.vector_load %arg15[%swap3A_282, %swap3A_283] {strides = array<i32>} : memref<128x128xf32, #tpu.memory_space<vmem>>, vector<1x16xf32>,
      %swap3A_285 = vector.shape_cast %swap3A_284 : vector<1x16xf32> to vector<16xf32>
      %swap3A_286 = vector.shape_cast %mul3A_281 : vector<16xf32> to vector<1x16xf32>
      tpu.vector_store %arg15[%swap3A_282, %swap3A_283], %swap3A_286 {strides = array<i32>} : memref<128x128xf32, #tpu.memory_space<vmem>>, vector<1x16xf32>,
      %get3A_287 = arith.index_cast %scan3A_260 : i32 to index
      %get3A_288 = arith.constant 32 : index
      %get3A_289 = tpu.vector_load %arg15[%get3A_287, %get3A_288] {strides = array<i32>} : memref<128x128xf32, #tpu.memory_space<vmem>>, vector<1x16xf32>,
      %get3A_290 = vector.shape_cast %get3A_289 : vector<1x16xf32> to vector<16xf32>
      %mul3A_291 = vector.broadcast %squeeze3A : f32 to vector<16xf32>
      %mul3A_292 = arith.mulf %get3A_290, %mul3A_291 : vector<16xf32>
      %swap3A_293 = arith.index_cast %scan3A_260 : i32 to index
      %swap3A_294 = arith.constant 32 : index
      %swap3A_295 = tpu.vector_load %arg15[%swap3A_293, %swap3A_294] {strides = array<i32>} : memref<128x128xf32, #tpu.memory_space<vmem>>, vector<1x16xf32>,
      %swap3A_296 = vector.shape_cast %swap3A_295 : vector<1x16xf32> to vector<16xf32>
      %swap3A_297 = vector.shape_cast %mul3A_292 : vector<16xf32> to vector<1x16xf32>
      tpu.vector_store %arg15[%swap3A_293, %swap3A_294], %swap3A_297 {strides = array<i32>} : memref<128x128xf32, #tpu.memory_space<vmem>>, vector<1x16xf32>,
      %get3A_298 = arith.index_cast %scan3A_260 : i32 to index
      %get3A_299 = arith.constant 48 : index
      %get3A_300 = tpu.vector_load %arg15[%get3A_298, %get3A_299] {strides = array<i32>} : memref<128x128xf32, #tpu.memory_space<vmem>>, vector<1x16xf32>,
      %get3A_301 = vector.shape_cast %get3A_300 : vector<1x16xf32> to vector<16xf32>
      %mul3A_302 = vector.broadcast %squeeze3A : f32 to vector<16xf32>
      %mul3A_303 = arith.mulf %get3A_301, %mul3A_302 : vector<16xf32>
      %swap3A_304 = arith.index_cast %scan3A_260 : i32 to index
      %swap3A_305 = arith.constant 48 : index
      %swap3A_306 = tpu.vector_load %arg15[%swap3A_304, %swap3A_305] {strides = array<i32>} : memref<128x128xf32, #tpu.memory_space<vmem>>, vector<1x16xf32>,
      %swap3A_307 = vector.shape_cast %swap3A_306 : vector<1x16xf32> to vector<16xf32>
      %swap3A_308 = vector.shape_cast %mul3A_303 : vector<16xf32> to vector<1x16xf32>
      tpu.vector_store %arg15[%swap3A_304, %swap3A_305], %swap3A_308 {strides = array<i32>} : memref<128x128xf32, #tpu.memory_space<vmem>>, vector<1x16xf32>,
      %get3A_309 = arith.index_cast %scan3A_260 : i32 to index
      %get3A_310 = arith.constant 64 : index
      %get3A_311 = tpu.vector_load %arg15[%get3A_309, %get3A_310] {strides = array<i32>} : memref<128x128xf32, #tpu.memory_space<vmem>>, vector<1x16xf32>,
      %get3A_312 = vector.shape_cast %get3A_311 : vector<1x16xf32> to vector<16xf32>
      %mul3A_313 = vector.broadcast %squeeze3A : f32 to vector<16xf32>
      %mul3A_314 = arith.mulf %get3A_312, %mul3A_313 : vector<16xf32>
      %swap3A_315 = arith.index_cast %scan3A_260 : i32 to index
      %swap3A_316 = arith.constant 64 : index
      %swap3A_317 = tpu.vector_load %arg15[%swap3A_315, %swap3A_316] {strides = array<i32>} : memref<128x128xf32, #tpu.memory_space<vmem>>, vector<1x16xf32>,
      %swap3A_318 = vector.shape_cast %swap3A_317 : vector<1x16xf32> to vector<16xf32>
      %swap3A_319 = vector.shape_cast %mul3A_314 : vector<16xf32> to vector<1x16xf32>
      tpu.vector_store %arg15[%swap3A_315, %swap3A_316], %swap3A_319 {strides = array<i32>} : memref<128x128xf32, #tpu.memory_space<vmem>>, vector<1x16xf32>,
      %get3A_320 = arith.index_cast %scan3A_260 : i32 to index
      %get3A_321 = arith.constant 80 : index
      %get3A_322 = tpu.vector_load %arg15[%get3A_320, %get3A_321] {strides = array<i32>} : memref<128x128xf32, #tpu.memory_space<vmem>>, vector<1x16xf32>,
      %get3A_323 = vector.shape_cast %get3A_322 : vector<1x16xf32> to vector<16xf32>
      %mul3A_324 = vector.broadcast %squeeze3A : f32 to vector<16xf32>
      %mul3A_325 = arith.mulf %get3A_323, %mul3A_324 : vector<16xf32>
      %swap3A_326 = arith.index_cast %scan3A_260 : i32 to index
      %swap3A_327 = arith.constant 80 : index
      %swap3A_328 = tpu.vector_load %arg15[%swap3A_326, %swap3A_327] {strides = array<i32>} : memref<128x128xf32, #tpu.memory_space<vmem>>, vector<1x16xf32>,
      %swap3A_329 = vector.shape_cast %swap3A_328 : vector<1x16xf32> to vector<16xf32>
      %swap3A_330 = vector.shape_cast %mul3A_325 : vector<16xf32> to vector<1x16xf32>
      tpu.vector_store %arg15[%swap3A_326, %swap3A_327], %swap3A_330 {strides = array<i32>} : memref<128x128xf32, #tpu.memory_space<vmem>>, vector<1x16xf32>,
      %get3A_331 = arith.index_cast %scan3A_260 : i32 to index
      %get3A_332 = arith.constant 96 : index
      %get3A_333 = tpu.vector_load %arg15[%get3A_331, %get3A_332] {strides = array<i32>} : memref<128x128xf32, #tpu.memory_space<vmem>>, vector<1x16xf32>,
      %get3A_334 = vector.shape_cast %get3A_333 : vector<1x16xf32> to vector<16xf32>
      %mul3A_335 = vector.broadcast %squeeze3A : f32 to vector<16xf32>
      %mul3A_336 = arith.mulf %get3A_334, %mul3A_335 : vector<16xf32>
      %swap3A_337 = arith.index_cast %scan3A_260 : i32 to index
      %swap3A_338 = arith.constant 96 : index
      %swap3A_339 = tpu.vector_load %arg15[%swap3A_337, %swap3A_338] {strides = array<i32>} : memref<128x128xf32, #tpu.memory_space<vmem>>, vector<1x16xf32>,
      %swap3A_340 = vector.shape_cast %swap3A_339 : vector<1x16xf32> to vector<16xf32>
      %swap3A_341 = vector.shape_cast %mul3A_336 : vector<16xf32> to vector<1x16xf32>
      tpu.vector_store %arg15[%swap3A_337, %swap3A_338], %swap3A_341 {strides = array<i32>} : memref<128x128xf32, #tpu.memory_space<vmem>>, vector<1x16xf32>,
      %get3A_342 = arith.index_cast %scan3A_260 : i32 to index
      %get3A_343 = arith.constant 112 : index
      %get3A_344 = tpu.vector_load %arg15[%get3A_342, %get3A_343] {strides = array<i32>} : memref<128x128xf32, #tpu.memory_space<vmem>>, vector<1x16xf32>,
      %get3A_345 = vector.shape_cast %get3A_344 : vector<1x16xf32> to vector<16xf32>
      %mul3A_346 = vector.broadcast %squeeze3A : f32 to vector<16xf32>
      %mul3A_347 = arith.mulf %get3A_345, %mul3A_346 : vector<16xf32>
      %swap3A_348 = arith.index_cast %scan3A_260 : i32 to index
      %swap3A_349 = arith.constant 112 : index
      %swap3A_350 = tpu.vector_load %arg15[%swap3A_348, %swap3A_349] {strides = array<i32>} : memref<128x128xf32, #tpu.memory_space<vmem>>, vector<1x16xf32>,
      %swap3A_351 = vector.shape_cast %swap3A_350 : vector<1x16xf32> to vector<16xf32>
      %swap3A_352 = vector.shape_cast %mul3A_347 : vector<16xf32> to vector<1x16xf32>
      tpu.vector_store %arg15[%swap3A_348, %swap3A_349], %swap3A_352 {strides = array<i32>} : memref<128x128xf32, #tpu.memory_space<vmem>>, vector<1x16xf32>,
      %scan3A_353 = arith.constant 0 : i32
      scf.yield %scan3A_353 : i32
    }
    %scan3A_65 = arith.constant 128 : i32
    %mul3A_66 = arith.constant 10240 : i32
    %mul3A_67 = arith.muli %arg0, %mul3A_66 : i32
    %mul3A_68 = arith.constant 640 : i32
    %mul3A_69 = arith.muli %arg1, %mul3A_68 : i32
    %add3A_70 = arith.addi %mul3A_67, %mul3A_69 : i32
    %add3A_71 = arith.constant 0 : i32
    %add3A_72 = arith.addi %add3A_70, %add3A_71 : i32
    %dma_start3A_73 = arith.constant 0 : i32
    %dma_start3A_74 = tpu.memref_slice %arg7[%add3A_72, %dma_start3A_73] : memref<20480x128xf32, #tpu.memory_space<hbm>> -> memref<128x128xf32, #tpu.memory_space<hbm>>
    %dma_start3A_75 = arith.constant 0 : i32
    %dma_start3A_76 = tpu.memref_slice %arg7[%add3A_72, %dma_start3A_75] : memref<20480x128xf32, #tpu.memory_space<hbm>> -> memref<128x128xf32, #tpu.memory_space<hbm>>
    tpu.enqueue_dma source(%arg15 : memref<128x128xf32, #tpu.memory_space<vmem>>) target(%dma_start3A_76 : memref<128x128xf32, #tpu.memory_space<hbm>>) target_semaphore(%arg22 : memref<!tpu.dma_semaphore, #tpu.memory_space<semaphore_mem>>)
    %mul3A_77 = arith.constant 640 : i32
    %mul3A_78 = arith.muli %arg1, %mul3A_77 : i32
    %add3A_79 = arith.constant 128 : i32
    %add3A_80 = arith.addi %mul3A_78, %add3A_79 : i32
    %dma_wait3A_81 = arith.constant 0 : i32
    %dma_wait3A_82 = tpu.memref_slice %arg17[%add3A_80, %dma_wait3A_81] : memref<10240x128xf32, #tpu.memory_space<vmem_shared>> -> memref<128x128xf32, #tpu.memory_space<vmem_shared>>
    %dma_wait3A_83 = arith.constant 0 : i32
    %dma_wait3A_84 = tpu.memref_slice %arg17[%add3A_80, %dma_wait3A_83] : memref<10240x128xf32, #tpu.memory_space<vmem_shared>> -> memref<128x128xf32, #tpu.memory_space<vmem_shared>>
    tpu.wait_dma2 semaphore(%arg19 : memref<!tpu.dma_semaphore, #tpu.memory_space<semaphore_mem>>) src(%dma_wait3A_84 : memref<128x128xf32, #tpu.memory_space<vmem_shared>>) dst(%arg16 : memref<128x128xf32, #tpu.memory_space<vmem>>)
    %mul3A_85 = arith.constant 10240 : i32
    %mul3A_86 = arith.muli %arg0, %mul3A_85 : i32
    %mul3A_87 = arith.constant 640 : i32
    %mul3A_88 = arith.muli %arg1, %mul3A_87 : i32
    %add3A_89 = arith.addi %mul3A_86, %mul3A_88 : i32
    %add3A_90 = arith.constant 0 : i32
    %add3A_91 = arith.addi %add3A_89, %add3A_90 : i32
    %dma_wait3A_92 = arith.constant 0 : i32
    %dma_wait3A_93 = tpu.memref_slice %arg7[%add3A_91, %dma_wait3A_92] : memref<20480x128xf32, #tpu.memory_space<hbm>> -> memref<128x128xf32, #tpu.memory_space<hbm>>
    %dma_wait3A_94 = arith.constant 0 : i32
    %dma_wait3A_95 = tpu.memref_slice %arg7[%add3A_91, %dma_wait3A_94] : memref<20480x128xf32, #tpu.memory_space<hbm>> -> memref<128x128xf32, #tpu.memory_space<hbm>>
    tpu.wait_dma2 semaphore(%arg22 : memref<!tpu.dma_semaphore, #tpu.memory_space<semaphore_mem>>) src(%arg15 : memref<128x128xf32, #tpu.memory_space<vmem>>) dst(%dma_wait3A_95 : memref<128x128xf32, #tpu.memory_space<hbm>>)
    %mul3A_96 = arith.constant 640 : i32
    %mul3A_97 = arith.muli %arg1, %mul3A_96 : i32
    %add3A_98 = arith.constant 256 : i32
    %add3A_99 = arith.addi %mul3A_97, %add3A_98 : i32
    %dma_start3A_100 = arith.constant 0 : i32
    %dma_start3A_101 = tpu.memref_slice %arg17[%add3A_99, %dma_start3A_100] : memref<10240x128xf32, #tpu.memory_space<vmem_shared>> -> memref<128x128xf32, #tpu.memory_space<vmem_shared>>
    %dma_start3A_102 = arith.constant 0 : i32
    %dma_start3A_103 = tpu.memref_slice %arg17[%add3A_99, %dma_start3A_102] : memref<10240x128xf32, #tpu.memory_space<vmem_shared>> -> memref<128x128xf32, #tpu.memory_space<vmem_shared>>
    tpu.enqueue_dma source(%dma_start3A_103 : memref<128x128xf32, #tpu.memory_space<vmem_shared>>) target(%arg15 : memref<128x128xf32, #tpu.memory_space<vmem>>) target_semaphore(%arg18 : memref<!tpu.dma_semaphore, #tpu.memory_space<semaphore_mem>>)
    %scan3A_104 = arith.constant 0 : i32
    %scan3A_105 = arith.constant 0 : i32
    %scan3A_106 = arith.constant 128 : i32
    %scan3A_107 = arith.addi %scan3A_105, %scan3A_106 : i32
    %scan3A_108 = arith.constant 1 : i32
    %scan3A_109 = scf.for %scan3A_260 = %scan3A_105 to %scan3A_107 step %scan3A_108 iter_args(%scan3A_261 = %scan3A_104) -> (i32)  : i32 {
      %add3A_262 = arith.constant 128 : i32
      %add3A_263 = arith.addi %add3A_262, %scan3A_260 : i32
      %get3A = arith.index_cast %add3A_263 : i32 to index
      %get3A_264 = tpu.vector_load %arg14[%get3A] {strides = array<i32>} : memref<656xf32, #tpu.memory_space<vmem>>, vector<16xf32>,
      %get3A_265 = vector.shape_cast %get3A_264 : vector<16xf32> to vector<16xf32>
      %slice3A = vector.extract_strided_slice %get3A_265 {offsets = [0], sizes = [1], strides = [1]} : vector<16xf32> to vector<1xf32>
      %squeeze3A = vector.extract %slice3A[0] : f32 from vector<1xf32>
      %get3A_266 = arith.index_cast %scan3A_260 : i32 to index
      %get3A_267 = arith.constant 0 : index
      %get3A_268 = tpu.vector_load %arg16[%get3A_266, %get3A_267] {strides = array<i32>} : memref<128x128xf32, #tpu.memory_space<vmem>>, vector<1x16xf32>,
      %get3A_269 = vector.shape_cast %get3A_268 : vector<1x16xf32> to vector<16xf32>
      %mul3A_270 = vector.broadcast %squeeze3A : f32 to vector<16xf32>
      %mul3A_271 = arith.mulf %get3A_269, %mul3A_270 : vector<16xf32>
      %swap3A = arith.index_cast %scan3A_260 : i32 to index
      %swap3A_272 = arith.constant 0 : index
      %swap3A_273 = tpu.vector_load %arg16[%swap3A, %swap3A_272] {strides = array<i32>} : memref<128x128xf32, #tpu.memory_space<vmem>>, vector<1x16xf32>,
      %swap3A_274 = vector.shape_cast %swap3A_273 : vector<1x16xf32> to vector<16xf32>
      %swap3A_275 = vector.shape_cast %mul3A_271 : vector<16xf32> to vector<1x16xf32>
      tpu.vector_store %arg16[%swap3A, %swap3A_272], %swap3A_275 {strides = array<i32>} : memref<128x128xf32, #tpu.memory_space<vmem>>, vector<1x16xf32>,
      %get3A_276 = arith.index_cast %scan3A_260 : i32 to index
      %get3A_277 = arith.constant 16 : index
      %get3A_278 = tpu.vector_load %arg16[%get3A_276, %get3A_277] {strides = array<i32>} : memref<128x128xf32, #tpu.memory_space<vmem>>, vector<1x16xf32>,
      %get3A_279 = vector.shape_cast %get3A_278 : vector<1x16xf32> to vector<16xf32>
      %mul3A_280 = vector.broadcast %squeeze3A : f32 to vector<16xf32>
      %mul3A_281 = arith.mulf %get3A_279, %mul3A_280 : vector<16xf32>
      %swap3A_282 = arith.index_cast %scan3A_260 : i32 to index
      %swap3A_283 = arith.constant 16 : index
      %swap3A_284 = tpu.vector_load %arg16[%swap3A_282, %swap3A_283] {strides = array<i32>} : memref<128x128xf32, #tpu.memory_space<vmem>>, vector<1x16xf32>,
      %swap3A_285 = vector.shape_cast %swap3A_284 : vector<1x16xf32> to vector<16xf32>
      %swap3A_286 = vector.shape_cast %mul3A_281 : vector<16xf32> to vector<1x16xf32>
      tpu.vector_store %arg16[%swap3A_282, %swap3A_283], %swap3A_286 {strides = array<i32>} : memref<128x128xf32, #tpu.memory_space<vmem>>, vector<1x16xf32>,
      %get3A_287 = arith.index_cast %scan3A_260 : i32 to index
      %get3A_288 = arith.constant 32 : index
      %get3A_289 = tpu.vector_load %arg16[%get3A_287, %get3A_288] {strides = array<i32>} : memref<128x128xf32, #tpu.memory_space<vmem>>, vector<1x16xf32>,
      %get3A_290 = vector.shape_cast %get3A_289 : vector<1x16xf32> to vector<16xf32>
      %mul3A_291 = vector.broadcast %squeeze3A : f32 to vector<16xf32>
      %mul3A_292 = arith.mulf %get3A_290, %mul3A_291 : vector<16xf32>
      %swap3A_293 = arith.index_cast %scan3A_260 : i32 to index
      %swap3A_294 = arith.constant 32 : index
      %swap3A_295 = tpu.vector_load %arg16[%swap3A_293, %swap3A_294] {strides = array<i32>} : memref<128x128xf32, #tpu.memory_space<vmem>>, vector<1x16xf32>,
      %swap3A_296 = vector.shape_cast %swap3A_295 : vector<1x16xf32> to vector<16xf32>
      %swap3A_297 = vector.shape_cast %mul3A_292 : vector<16xf32> to vector<1x16xf32>
      tpu.vector_store %arg16[%swap3A_293, %swap3A_294], %swap3A_297 {strides = array<i32>} : memref<128x128xf32, #tpu.memory_space<vmem>>, vector<1x16xf32>,
      %get3A_298 = arith.index_cast %scan3A_260 : i32 to index
      %get3A_299 = arith.constant 48 : index
      %get3A_300 = tpu.vector_load %arg16[%get3A_298, %get3A_299] {strides = array<i32>} : memref<128x128xf32, #tpu.memory_space<vmem>>, vector<1x16xf32>,
      %get3A_301 = vector.shape_cast %get3A_300 : vector<1x16xf32> to vector<16xf32>
      %mul3A_302 = vector.broadcast %squeeze3A : f32 to vector<16xf32>
      %mul3A_303 = arith.mulf %get3A_301, %mul3A_302 : vector<16xf32>
      %swap3A_304 = arith.index_cast %scan3A_260 : i32 to index
      %swap3A_305 = arith.constant 48 : index
      %swap3A_306 = tpu.vector_load %arg16[%swap3A_304, %swap3A_305] {strides = array<i32>} : memref<128x128xf32, #tpu.memory_space<vmem>>, vector<1x16xf32>,
      %swap3A_307 = vector.shape_cast %swap3A_306 : vector<1x16xf32> to vector<16xf32>
      %swap3A_308 = vector.shape_cast %mul3A_303 : vector<16xf32> to vector<1x16xf32>
      tpu.vector_store %arg16[%swap3A_304, %swap3A_305], %swap3A_308 {strides = array<i32>} : memref<128x128xf32, #tpu.memory_space<vmem>>, vector<1x16xf32>,
      %get3A_309 = arith.index_cast %scan3A_260 : i32 to index
      %get3A_310 = arith.constant 64 : index
      %get3A_311 = tpu.vector_load %arg16[%get3A_309, %get3A_310] {strides = array<i32>} : memref<128x128xf32, #tpu.memory_space<vmem>>, vector<1x16xf32>,
      %get3A_312 = vector.shape_cast %get3A_311 : vector<1x16xf32> to vector<16xf32>
      %mul3A_313 = vector.broadcast %squeeze3A : f32 to vector<16xf32>
      %mul3A_314 = arith.mulf %get3A_312, %mul3A_313 : vector<16xf32>
      %swap3A_315 = arith.index_cast %scan3A_260 : i32 to index
      %swap3A_316 = arith.constant 64 : index
      %swap3A_317 = tpu.vector_load %arg16[%swap3A_315, %swap3A_316] {strides = array<i32>} : memref<128x128xf32, #tpu.memory_space<vmem>>, vector<1x16xf32>,
      %swap3A_318 = vector.shape_cast %swap3A_317 : vector<1x16xf32> to vector<16xf32>
      %swap3A_319 = vector.shape_cast %mul3A_314 : vector<16xf32> to vector<1x16xf32>
      tpu.vector_store %arg16[%swap3A_315, %swap3A_316], %swap3A_319 {strides = array<i32>} : memref<128x128xf32, #tpu.memory_space<vmem>>, vector<1x16xf32>,
      %get3A_320 = arith.index_cast %scan3A_260 : i32 to index
      %get3A_321 = arith.constant 80 : index
      %get3A_322 = tpu.vector_load %arg16[%get3A_320, %get3A_321] {strides = array<i32>} : memref<128x128xf32, #tpu.memory_space<vmem>>, vector<1x16xf32>,
      %get3A_323 = vector.shape_cast %get3A_322 : vector<1x16xf32> to vector<16xf32>
      %mul3A_324 = vector.broadcast %squeeze3A : f32 to vector<16xf32>
      %mul3A_325 = arith.mulf %get3A_323, %mul3A_324 : vector<16xf32>
      %swap3A_326 = arith.index_cast %scan3A_260 : i32 to index
      %swap3A_327 = arith.constant 80 : index
      %swap3A_328 = tpu.vector_load %arg16[%swap3A_326, %swap3A_327] {strides = array<i32>} : memref<128x128xf32, #tpu.memory_space<vmem>>, vector<1x16xf32>,
      %swap3A_329 = vector.shape_cast %swap3A_328 : vector<1x16xf32> to vector<16xf32>
      %swap3A_330 = vector.shape_cast %mul3A_325 : vector<16xf32> to vector<1x16xf32>
      tpu.vector_store %arg16[%swap3A_326, %swap3A_327], %swap3A_330 {strides = array<i32>} : memref<128x128xf32, #tpu.memory_space<vmem>>, vector<1x16xf32>,
      %get3A_331 = arith.index_cast %scan3A_260 : i32 to index
      %get3A_332 = arith.constant 96 : index
      %get3A_333 = tpu.vector_load %arg16[%get3A_331, %get3A_332] {strides = array<i32>} : memref<128x128xf32, #tpu.memory_space<vmem>>, vector<1x16xf32>,
      %get3A_334 = vector.shape_cast %get3A_333 : vector<1x16xf32> to vector<16xf32>
      %mul3A_335 = vector.broadcast %squeeze3A : f32 to vector<16xf32>
      %mul3A_336 = arith.mulf %get3A_334, %mul3A_335 : vector<16xf32>
      %swap3A_337 = arith.index_cast %scan3A_260 : i32 to index
      %swap3A_338 = arith.constant 96 : index
      %swap3A_339 = tpu.vector_load %arg16[%swap3A_337, %swap3A_338] {strides = array<i32>} : memref<128x128xf32, #tpu.memory_space<vmem>>, vector<1x16xf32>,
      %swap3A_340 = vector.shape_cast %swap3A_339 : vector<1x16xf32> to vector<16xf32>
      %swap3A_341 = vector.shape_cast %mul3A_336 : vector<16xf32> to vector<1x16xf32>
      tpu.vector_store %arg16[%swap3A_337, %swap3A_338], %swap3A_341 {strides = array<i32>} : memref<128x128xf32, #tpu.memory_space<vmem>>, vector<1x16xf32>,
      %get3A_342 = arith.index_cast %scan3A_260 : i32 to index
      %get3A_343 = arith.constant 112 : index
      %get3A_344 = tpu.vector_load %arg16[%get3A_342, %get3A_343] {strides = array<i32>} : memref<128x128xf32, #tpu.memory_space<vmem>>, vector<1x16xf32>,
      %get3A_345 = vector.shape_cast %get3A_344 : vector<1x16xf32> to vector<16xf32>
      %mul3A_346 = vector.broadcast %squeeze3A : f32 to vector<16xf32>
      %mul3A_347 = arith.mulf %get3A_345, %mul3A_346 : vector<16xf32>
      %swap3A_348 = arith.index_cast %scan3A_260 : i32 to index
      %swap3A_349 = arith.constant 112 : index
      %swap3A_350 = tpu.vector_load %arg16[%swap3A_348, %swap3A_349] {strides = array<i32>} : memref<128x128xf32, #tpu.memory_space<vmem>>, vector<1x16xf32>,
      %swap3A_351 = vector.shape_cast %swap3A_350 : vector<1x16xf32> to vector<16xf32>
      %swap3A_352 = vector.shape_cast %mul3A_347 : vector<16xf32> to vector<1x16xf32>
      tpu.vector_store %arg16[%swap3A_348, %swap3A_349], %swap3A_352 {strides = array<i32>} : memref<128x128xf32, #tpu.memory_space<vmem>>, vector<1x16xf32>,
      %scan3A_353 = arith.constant 0 : i32
      scf.yield %scan3A_353 : i32
    }
    %scan3A_110 = arith.constant 128 : i32
    %mul3A_111 = arith.constant 10240 : i32
    %mul3A_112 = arith.muli %arg0, %mul3A_111 : i32
    %mul3A_113 = arith.constant 640 : i32
    %mul3A_114 = arith.muli %arg1, %mul3A_113 : i32
    %add3A_115 = arith.addi %mul3A_112, %mul3A_114 : i32
    %add3A_116 = arith.constant 128 : i32
    %add3A_117 = arith.addi %add3A_115, %add3A_116 : i32
    %dma_start3A_118 = arith.constant 0 : i32
    %dma_start3A_119 = tpu.memref_slice %arg7[%add3A_117, %dma_start3A_118] : memref<20480x128xf32, #tpu.memory_space<hbm>> -> memref<128x128xf32, #tpu.memory_space<hbm>>
    %dma_start3A_120 = arith.constant 0 : i32
    %dma_start3A_121 = tpu.memref_slice %arg7[%add3A_117, %dma_start3A_120] : memref<20480x128xf32, #tpu.memory_space<hbm>> -> memref<128x128xf32, #tpu.memory_space<hbm>>
    tpu.enqueue_dma source(%arg16 : memref<128x128xf32, #tpu.memory_space<vmem>>) target(%dma_start3A_121 : memref<128x128xf32, #tpu.memory_space<hbm>>) target_semaphore(%arg23 : memref<!tpu.dma_semaphore, #tpu.memory_space<semaphore_mem>>)
    %mul3A_122 = arith.constant 640 : i32
    %mul3A_123 = arith.muli %arg1, %mul3A_122 : i32
    %add3A_124 = arith.constant 256 : i32
    %add3A_125 = arith.addi %mul3A_123, %add3A_124 : i32
    %dma_wait3A_126 = arith.constant 0 : i32
    %dma_wait3A_127 = tpu.memref_slice %arg17[%add3A_125, %dma_wait3A_126] : memref<10240x128xf32, #tpu.memory_space<vmem_shared>> -> memref<128x128xf32, #tpu.memory_space<vmem_shared>>
    %dma_wait3A_128 = arith.constant 0 : i32
    %dma_wait3A_129 = tpu.memref_slice %arg17[%add3A_125, %dma_wait3A_128] : memref<10240x128xf32, #tpu.memory_space<vmem_shared>> -> memref<128x128xf32, #tpu.memory_space<vmem_shared>>
    tpu.wait_dma2 semaphore(%arg18 : memref<!tpu.dma_semaphore, #tpu.memory_space<semaphore_mem>>) src(%dma_wait3A_129 : memref<128x128xf32, #tpu.memory_space<vmem_shared>>) dst(%arg15 : memref<128x128xf32, #tpu.memory_space<vmem>>)
    %mul3A_130 = arith.constant 10240 : i32
    %mul3A_131 = arith.muli %arg0, %mul3A_130 : i32
    %mul3A_132 = arith.constant 640 : i32
    %mul3A_133 = arith.muli %arg1, %mul3A_132 : i32
    %add3A_134 = arith.addi %mul3A_131, %mul3A_133 : i32
    %add3A_135 = arith.constant 128 : i32
    %add3A_136 = arith.addi %add3A_134, %add3A_135 : i32
    %dma_wait3A_137 = arith.constant 0 : i32
    %dma_wait3A_138 = tpu.memref_slice %arg7[%add3A_136, %dma_wait3A_137] : memref<20480x128xf32, #tpu.memory_space<hbm>> -> memref<128x128xf32, #tpu.memory_space<hbm>>
    %dma_wait3A_139 = arith.constant 0 : i32
    %dma_wait3A_140 = tpu.memref_slice %arg7[%add3A_136, %dma_wait3A_139] : memref<20480x128xf32, #tpu.memory_space<hbm>> -> memref<128x128xf32, #tpu.memory_space<hbm>>
    tpu.wait_dma2 semaphore(%arg23 : memref<!tpu.dma_semaphore, #tpu.memory_space<semaphore_mem>>) src(%arg16 : memref<128x128xf32, #tpu.memory_space<vmem>>) dst(%dma_wait3A_140 : memref<128x128xf32, #tpu.memory_space<hbm>>)
    %mul3A_141 = arith.constant 640 : i32
    %mul3A_142 = arith.muli %arg1, %mul3A_141 : i32
    %add3A_143 = arith.constant 384 : i32
    %add3A_144 = arith.addi %mul3A_142, %add3A_143 : i32
    %dma_start3A_145 = arith.constant 0 : i32
    %dma_start3A_146 = tpu.memref_slice %arg17[%add3A_144, %dma_start3A_145] : memref<10240x128xf32, #tpu.memory_space<vmem_shared>> -> memref<128x128xf32, #tpu.memory_space<vmem_shared>>
    %dma_start3A_147 = arith.constant 0 : i32
    %dma_start3A_148 = tpu.memref_slice %arg17[%add3A_144, %dma_start3A_147] : memref<10240x128xf32, #tpu.memory_space<vmem_shared>> -> memref<128x128xf32, #tpu.memory_space<vmem_shared>>
    tpu.enqueue_dma source(%dma_start3A_148 : memref<128x128xf32, #tpu.memory_space<vmem_shared>>) target(%arg16 : memref<128x128xf32, #tpu.memory_space<vmem>>) target_semaphore(%arg19 : memref<!tpu.dma_semaphore, #tpu.memory_space<semaphore_mem>>)
    %scan3A_149 = arith.constant 0 : i32
    %scan3A_150 = arith.constant 0 : i32
    %scan3A_151 = arith.constant 128 : i32
    %scan3A_152 = arith.addi %scan3A_150, %scan3A_151 : i32
    %scan3A_153 = arith.constant 1 : i32
    %scan3A_154 = scf.for %scan3A_260 = %scan3A_150 to %scan3A_152 step %scan3A_153 iter_args(%scan3A_261 = %scan3A_149) -> (i32)  : i32 {
      %add3A_262 = arith.constant 256 : i32
      %add3A_263 = arith.addi %add3A_262, %scan3A_260 : i32
      %get3A = arith.index_cast %add3A_263 : i32 to index
      %get3A_264 = tpu.vector_load %arg14[%get3A] {strides = array<i32>} : memref<656xf32, #tpu.memory_space<vmem>>, vector<16xf32>,
      %get3A_265 = vector.shape_cast %get3A_264 : vector<16xf32> to vector<16xf32>
      %slice3A = vector.extract_strided_slice %get3A_265 {offsets = [0], sizes = [1], strides = [1]} : vector<16xf32> to vector<1xf32>
      %squeeze3A = vector.extract %slice3A[0] : f32 from vector<1xf32>
      %get3A_266 = arith.index_cast %scan3A_260 : i32 to index
      %get3A_267 = arith.constant 0 : index
      %get3A_268 = tpu.vector_load %arg15[%get3A_266, %get3A_267] {strides = array<i32>} : memref<128x128xf32, #tpu.memory_space<vmem>>, vector<1x16xf32>,
      %get3A_269 = vector.shape_cast %get3A_268 : vector<1x16xf32> to vector<16xf32>
      %mul3A_270 = vector.broadcast %squeeze3A : f32 to vector<16xf32>
      %mul3A_271 = arith.mulf %get3A_269, %mul3A_270 : vector<16xf32>
      %swap3A = arith.index_cast %scan3A_260 : i32 to index
      %swap3A_272 = arith.constant 0 : index
      %swap3A_273 = tpu.vector_load %arg15[%swap3A, %swap3A_272] {strides = array<i32>} : memref<128x128xf32, #tpu.memory_space<vmem>>, vector<1x16xf32>,
      %swap3A_274 = vector.shape_cast %swap3A_273 : vector<1x16xf32> to vector<16xf32>
      %swap3A_275 = vector.shape_cast %mul3A_271 : vector<16xf32> to vector<1x16xf32>
      tpu.vector_store %arg15[%swap3A, %swap3A_272], %swap3A_275 {strides = array<i32>} : memref<128x128xf32, #tpu.memory_space<vmem>>, vector<1x16xf32>,
      %get3A_276 = arith.index_cast %scan3A_260 : i32 to index
      %get3A_277 = arith.constant 16 : index
      %get3A_278 = tpu.vector_load %arg15[%get3A_276, %get3A_277] {strides = array<i32>} : memref<128x128xf32, #tpu.memory_space<vmem>>, vector<1x16xf32>,
      %get3A_279 = vector.shape_cast %get3A_278 : vector<1x16xf32> to vector<16xf32>
      %mul3A_280 = vector.broadcast %squeeze3A : f32 to vector<16xf32>
      %mul3A_281 = arith.mulf %get3A_279, %mul3A_280 : vector<16xf32>
      %swap3A_282 = arith.index_cast %scan3A_260 : i32 to index
      %swap3A_283 = arith.constant 16 : index
      %swap3A_284 = tpu.vector_load %arg15[%swap3A_282, %swap3A_283] {strides = array<i32>} : memref<128x128xf32, #tpu.memory_space<vmem>>, vector<1x16xf32>,
      %swap3A_285 = vector.shape_cast %swap3A_284 : vector<1x16xf32> to vector<16xf32>
      %swap3A_286 = vector.shape_cast %mul3A_281 : vector<16xf32> to vector<1x16xf32>
      tpu.vector_store %arg15[%swap3A_282, %swap3A_283], %swap3A_286 {strides = array<i32>} : memref<128x128xf32, #tpu.memory_space<vmem>>, vector<1x16xf32>,
      %get3A_287 = arith.index_cast %scan3A_260 : i32 to index
      %get3A_288 = arith.constant 32 : index
      %get3A_289 = tpu.vector_load %arg15[%get3A_287, %get3A_288] {strides = array<i32>} : memref<128x128xf32, #tpu.memory_space<vmem>>, vector<1x16xf32>,
      %get3A_290 = vector.shape_cast %get3A_289 : vector<1x16xf32> to vector<16xf32>
      %mul3A_291 = vector.broadcast %squeeze3A : f32 to vector<16xf32>
      %mul3A_292 = arith.mulf %get3A_290, %mul3A_291 : vector<16xf32>
      %swap3A_293 = arith.index_cast %scan3A_260 : i32 to index
      %swap3A_294 = arith.constant 32 : index
      %swap3A_295 = tpu.vector_load %arg15[%swap3A_293, %swap3A_294] {strides = array<i32>} : memref<128x128xf32, #tpu.memory_space<vmem>>, vector<1x16xf32>,
      %swap3A_296 = vector.shape_cast %swap3A_295 : vector<1x16xf32> to vector<16xf32>
      %swap3A_297 = vector.shape_cast %mul3A_292 : vector<16xf32> to vector<1x16xf32>
      tpu.vector_store %arg15[%swap3A_293, %swap3A_294], %swap3A_297 {strides = array<i32>} : memref<128x128xf32, #tpu.memory_space<vmem>>, vector<1x16xf32>,
      %get3A_298 = arith.index_cast %scan3A_260 : i32 to index
      %get3A_299 = arith.constant 48 : index
      %get3A_300 = tpu.vector_load %arg15[%get3A_298, %get3A_299] {strides = array<i32>} : memref<128x128xf32, #tpu.memory_space<vmem>>, vector<1x16xf32>,
      %get3A_301 = vector.shape_cast %get3A_300 : vector<1x16xf32> to vector<16xf32>
      %mul3A_302 = vector.broadcast %squeeze3A : f32 to vector<16xf32>
      %mul3A_303 = arith.mulf %get3A_301, %mul3A_302 : vector<16xf32>
      %swap3A_304 = arith.index_cast %scan3A_260 : i32 to index
      %swap3A_305 = arith.constant 48 : index
      %swap3A_306 = tpu.vector_load %arg15[%swap3A_304, %swap3A_305] {strides = array<i32>} : memref<128x128xf32, #tpu.memory_space<vmem>>, vector<1x16xf32>,
      %swap3A_307 = vector.shape_cast %swap3A_306 : vector<1x16xf32> to vector<16xf32>
      %swap3A_308 = vector.shape_cast %mul3A_303 : vector<16xf32> to vector<1x16xf32>
      tpu.vector_store %arg15[%swap3A_304, %swap3A_305], %swap3A_308 {strides = array<i32>} : memref<128x128xf32, #tpu.memory_space<vmem>>, vector<1x16xf32>,
      %get3A_309 = arith.index_cast %scan3A_260 : i32 to index
      %get3A_310 = arith.constant 64 : index
      %get3A_311 = tpu.vector_load %arg15[%get3A_309, %get3A_310] {strides = array<i32>} : memref<128x128xf32, #tpu.memory_space<vmem>>, vector<1x16xf32>,
      %get3A_312 = vector.shape_cast %get3A_311 : vector<1x16xf32> to vector<16xf32>
      %mul3A_313 = vector.broadcast %squeeze3A : f32 to vector<16xf32>
      %mul3A_314 = arith.mulf %get3A_312, %mul3A_313 : vector<16xf32>
      %swap3A_315 = arith.index_cast %scan3A_260 : i32 to index
      %swap3A_316 = arith.constant 64 : index
      %swap3A_317 = tpu.vector_load %arg15[%swap3A_315, %swap3A_316] {strides = array<i32>} : memref<128x128xf32, #tpu.memory_space<vmem>>, vector<1x16xf32>,
      %swap3A_318 = vector.shape_cast %swap3A_317 : vector<1x16xf32> to vector<16xf32>
      %swap3A_319 = vector.shape_cast %mul3A_314 : vector<16xf32> to vector<1x16xf32>
      tpu.vector_store %arg15[%swap3A_315, %swap3A_316], %swap3A_319 {strides = array<i32>} : memref<128x128xf32, #tpu.memory_space<vmem>>, vector<1x16xf32>,
      %get3A_320 = arith.index_cast %scan3A_260 : i32 to index
      %get3A_321 = arith.constant 80 : index
      %get3A_322 = tpu.vector_load %arg15[%get3A_320, %get3A_321] {strides = array<i32>} : memref<128x128xf32, #tpu.memory_space<vmem>>, vector<1x16xf32>,
      %get3A_323 = vector.shape_cast %get3A_322 : vector<1x16xf32> to vector<16xf32>
      %mul3A_324 = vector.broadcast %squeeze3A : f32 to vector<16xf32>
      %mul3A_325 = arith.mulf %get3A_323, %mul3A_324 : vector<16xf32>
      %swap3A_326 = arith.index_cast %scan3A_260 : i32 to index
      %swap3A_327 = arith.constant 80 : index
      %swap3A_328 = tpu.vector_load %arg15[%swap3A_326, %swap3A_327] {strides = array<i32>} : memref<128x128xf32, #tpu.memory_space<vmem>>, vector<1x16xf32>,
      %swap3A_329 = vector.shape_cast %swap3A_328 : vector<1x16xf32> to vector<16xf32>
      %swap3A_330 = vector.shape_cast %mul3A_325 : vector<16xf32> to vector<1x16xf32>
      tpu.vector_store %arg15[%swap3A_326, %swap3A_327], %swap3A_330 {strides = array<i32>} : memref<128x128xf32, #tpu.memory_space<vmem>>, vector<1x16xf32>,
      %get3A_331 = arith.index_cast %scan3A_260 : i32 to index
      %get3A_332 = arith.constant 96 : index
      %get3A_333 = tpu.vector_load %arg15[%get3A_331, %get3A_332] {strides = array<i32>} : memref<128x128xf32, #tpu.memory_space<vmem>>, vector<1x16xf32>,
      %get3A_334 = vector.shape_cast %get3A_333 : vector<1x16xf32> to vector<16xf32>
      %mul3A_335 = vector.broadcast %squeeze3A : f32 to vector<16xf32>
      %mul3A_336 = arith.mulf %get3A_334, %mul3A_335 : vector<16xf32>
      %swap3A_337 = arith.index_cast %scan3A_260 : i32 to index
      %swap3A_338 = arith.constant 96 : index
      %swap3A_339 = tpu.vector_load %arg15[%swap3A_337, %swap3A_338] {strides = array<i32>} : memref<128x128xf32, #tpu.memory_space<vmem>>, vector<1x16xf32>,
      %swap3A_340 = vector.shape_cast %swap3A_339 : vector<1x16xf32> to vector<16xf32>
      %swap3A_341 = vector.shape_cast %mul3A_336 : vector<16xf32> to vector<1x16xf32>
      tpu.vector_store %arg15[%swap3A_337, %swap3A_338], %swap3A_341 {strides = array<i32>} : memref<128x128xf32, #tpu.memory_space<vmem>>, vector<1x16xf32>,
      %get3A_342 = arith.index_cast %scan3A_260 : i32 to index
      %get3A_343 = arith.constant 112 : index
      %get3A_344 = tpu.vector_load %arg15[%get3A_342, %get3A_343] {strides = array<i32>} : memref<128x128xf32, #tpu.memory_space<vmem>>, vector<1x16xf32>,
      %get3A_345 = vector.shape_cast %get3A_344 : vector<1x16xf32> to vector<16xf32>
      %mul3A_346 = vector.broadcast %squeeze3A : f32 to vector<16xf32>
      %mul3A_347 = arith.mulf %get3A_345, %mul3A_346 : vector<16xf32>
      %swap3A_348 = arith.index_cast %scan3A_260 : i32 to index
      %swap3A_349 = arith.constant 112 : index
      %swap3A_350 = tpu.vector_load %arg15[%swap3A_348, %swap3A_349] {strides = array<i32>} : memref<128x128xf32, #tpu.memory_space<vmem>>, vector<1x16xf32>,
      %swap3A_351 = vector.shape_cast %swap3A_350 : vector<1x16xf32> to vector<16xf32>
      %swap3A_352 = vector.shape_cast %mul3A_347 : vector<16xf32> to vector<1x16xf32>
      tpu.vector_store %arg15[%swap3A_348, %swap3A_349], %swap3A_352 {strides = array<i32>} : memref<128x128xf32, #tpu.memory_space<vmem>>, vector<1x16xf32>,
      %scan3A_353 = arith.constant 0 : i32
      scf.yield %scan3A_353 : i32
    }
    %scan3A_155 = arith.constant 128 : i32
    %mul3A_156 = arith.constant 10240 : i32
    %mul3A_157 = arith.muli %arg0, %mul3A_156 : i32
    %mul3A_158 = arith.constant 640 : i32
    %mul3A_159 = arith.muli %arg1, %mul3A_158 : i32
    %add3A_160 = arith.addi %mul3A_157, %mul3A_159 : i32
    %add3A_161 = arith.constant 256 : i32
    %add3A_162 = arith.addi %add3A_160, %add3A_161 : i32
    %dma_start3A_163 = arith.constant 0 : i32
    %dma_start3A_164 = tpu.memref_slice %arg7[%add3A_162, %dma_start3A_163] : memref<20480x128xf32, #tpu.memory_space<hbm>> -> memref<128x128xf32, #tpu.memory_space<hbm>>
    %dma_start3A_165 = arith.constant 0 : i32
    %dma_start3A_166 = tpu.memref_slice %arg7[%add3A_162, %dma_start3A_165] : memref<20480x128xf32, #tpu.memory_space<hbm>> -> memref<128x128xf32, #tpu.memory_space<hbm>>
    tpu.enqueue_dma source(%arg15 : memref<128x128xf32, #tpu.memory_space<vmem>>) target(%dma_start3A_166 : memref<128x128xf32, #tpu.memory_space<hbm>>) target_semaphore(%arg22 : memref<!tpu.dma_semaphore, #tpu.memory_space<semaphore_mem>>)
    %mul3A_167 = arith.constant 640 : i32
    %mul3A_168 = arith.muli %arg1, %mul3A_167 : i32
    %add3A_169 = arith.constant 384 : i32
    %add3A_170 = arith.addi %mul3A_168, %add3A_169 : i32
    %dma_wait3A_171 = arith.constant 0 : i32
    %dma_wait3A_172 = tpu.memref_slice %arg17[%add3A_170, %dma_wait3A_171] : memref<10240x128xf32, #tpu.memory_space<vmem_shared>> -> memref<128x128xf32, #tpu.memory_space<vmem_shared>>
    %dma_wait3A_173 = arith.constant 0 : i32
    %dma_wait3A_174 = tpu.memref_slice %arg17[%add3A_170, %dma_wait3A_173] : memref<10240x128xf32, #tpu.memory_space<vmem_shared>> -> memref<128x128xf32, #tpu.memory_space<vmem_shared>>
    tpu.wait_dma2 semaphore(%arg19 : memref<!tpu.dma_semaphore, #tpu.memory_space<semaphore_mem>>) src(%dma_wait3A_174 : memref<128x128xf32, #tpu.memory_space<vmem_shared>>) dst(%arg16 : memref<128x128xf32, #tpu.memory_space<vmem>>)
    %mul3A_175 = arith.constant 10240 : i32
    %mul3A_176 = arith.muli %arg0, %mul3A_175 : i32
    %mul3A_177 = arith.constant 640 : i32
    %mul3A_178 = arith.muli %arg1, %mul3A_177 : i32
    %add3A_179 = arith.addi %mul3A_176, %mul3A_178 : i32
    %add3A_180 = arith.constant 256 : i32
    %add3A_181 = arith.addi %add3A_179, %add3A_180 : i32
    %dma_wait3A_182 = arith.constant 0 : i32
    %dma_wait3A_183 = tpu.memref_slice %arg7[%add3A_181, %dma_wait3A_182] : memref<20480x128xf32, #tpu.memory_space<hbm>> -> memref<128x128xf32, #tpu.memory_space<hbm>>
    %dma_wait3A_184 = arith.constant 0 : i32
    %dma_wait3A_185 = tpu.memref_slice %arg7[%add3A_181, %dma_wait3A_184] : memref<20480x128xf32, #tpu.memory_space<hbm>> -> memref<128x128xf32, #tpu.memory_space<hbm>>
    tpu.wait_dma2 semaphore(%arg22 : memref<!tpu.dma_semaphore, #tpu.memory_space<semaphore_mem>>) src(%arg15 : memref<128x128xf32, #tpu.memory_space<vmem>>) dst(%dma_wait3A_185 : memref<128x128xf32, #tpu.memory_space<hbm>>)
    %mul3A_186 = arith.constant 640 : i32
    %mul3A_187 = arith.muli %arg1, %mul3A_186 : i32
    %add3A_188 = arith.constant 512 : i32
    %add3A_189 = arith.addi %mul3A_187, %add3A_188 : i32
    %dma_start3A_190 = arith.constant 0 : i32
    %dma_start3A_191 = tpu.memref_slice %arg17[%add3A_189, %dma_start3A_190] : memref<10240x128xf32, #tpu.memory_space<vmem_shared>> -> memref<128x128xf32, #tpu.memory_space<vmem_shared>>
    %dma_start3A_192 = arith.constant 0 : i32
    %dma_start3A_193 = tpu.memref_slice %arg17[%add3A_189, %dma_start3A_192] : memref<10240x128xf32, #tpu.memory_space<vmem_shared>> -> memref<128x128xf32, #tpu.memory_space<vmem_shared>>
    tpu.enqueue_dma source(%dma_start3A_193 : memref<128x128xf32, #tpu.memory_space<vmem_shared>>) target(%arg15 : memref<128x128xf32, #tpu.memory_space<vmem>>) target_semaphore(%arg18 : memref<!tpu.dma_semaphore, #tpu.memory_space<semaphore_mem>>)
    %scan3A_194 = arith.constant 0 : i32
    %scan3A_195 = arith.constant 0 : i32
    %scan3A_196 = arith.constant 128 : i32
    %scan3A_197 = arith.addi %scan3A_195, %scan3A_196 : i32
    %scan3A_198 = arith.constant 1 : i32
    %scan3A_199 = scf.for %scan3A_260 = %scan3A_195 to %scan3A_197 step %scan3A_198 iter_args(%scan3A_261 = %scan3A_194) -> (i32)  : i32 {
      %add3A_262 = arith.constant 384 : i32
      %add3A_263 = arith.addi %add3A_262, %scan3A_260 : i32
      %get3A = arith.index_cast %add3A_263 : i32 to index
      %get3A_264 = tpu.vector_load %arg14[%get3A] {strides = array<i32>} : memref<656xf32, #tpu.memory_space<vmem>>, vector<16xf32>,
      %get3A_265 = vector.shape_cast %get3A_264 : vector<16xf32> to vector<16xf32>
      %slice3A = vector.extract_strided_slice %get3A_265 {offsets = [0], sizes = [1], strides = [1]} : vector<16xf32> to vector<1xf32>
      %squeeze3A = vector.extract %slice3A[0] : f32 from vector<1xf32>
      %get3A_266 = arith.index_cast %scan3A_260 : i32 to index
      %get3A_267 = arith.constant 0 : index
      %get3A_268 = tpu.vector_load %arg16[%get3A_266, %get3A_267] {strides = array<i32>} : memref<128x128xf32, #tpu.memory_space<vmem>>, vector<1x16xf32>,
      %get3A_269 = vector.shape_cast %get3A_268 : vector<1x16xf32> to vector<16xf32>
      %mul3A_270 = vector.broadcast %squeeze3A : f32 to vector<16xf32>
      %mul3A_271 = arith.mulf %get3A_269, %mul3A_270 : vector<16xf32>
      %swap3A = arith.index_cast %scan3A_260 : i32 to index
      %swap3A_272 = arith.constant 0 : index
      %swap3A_273 = tpu.vector_load %arg16[%swap3A, %swap3A_272] {strides = array<i32>} : memref<128x128xf32, #tpu.memory_space<vmem>>, vector<1x16xf32>,
      %swap3A_274 = vector.shape_cast %swap3A_273 : vector<1x16xf32> to vector<16xf32>
      %swap3A_275 = vector.shape_cast %mul3A_271 : vector<16xf32> to vector<1x16xf32>
      tpu.vector_store %arg16[%swap3A, %swap3A_272], %swap3A_275 {strides = array<i32>} : memref<128x128xf32, #tpu.memory_space<vmem>>, vector<1x16xf32>,
      %get3A_276 = arith.index_cast %scan3A_260 : i32 to index
      %get3A_277 = arith.constant 16 : index
      %get3A_278 = tpu.vector_load %arg16[%get3A_276, %get3A_277] {strides = array<i32>} : memref<128x128xf32, #tpu.memory_space<vmem>>, vector<1x16xf32>,
      %get3A_279 = vector.shape_cast %get3A_278 : vector<1x16xf32> to vector<16xf32>
      %mul3A_280 = vector.broadcast %squeeze3A : f32 to vector<16xf32>
      %mul3A_281 = arith.mulf %get3A_279, %mul3A_280 : vector<16xf32>
      %swap3A_282 = arith.index_cast %scan3A_260 : i32 to index
      %swap3A_283 = arith.constant 16 : index
      %swap3A_284 = tpu.vector_load %arg16[%swap3A_282, %swap3A_283] {strides = array<i32>} : memref<128x128xf32, #tpu.memory_space<vmem>>, vector<1x16xf32>,
      %swap3A_285 = vector.shape_cast %swap3A_284 : vector<1x16xf32> to vector<16xf32>
      %swap3A_286 = vector.shape_cast %mul3A_281 : vector<16xf32> to vector<1x16xf32>
      tpu.vector_store %arg16[%swap3A_282, %swap3A_283], %swap3A_286 {strides = array<i32>} : memref<128x128xf32, #tpu.memory_space<vmem>>, vector<1x16xf32>,
      %get3A_287 = arith.index_cast %scan3A_260 : i32 to index
      %get3A_288 = arith.constant 32 : index
      %get3A_289 = tpu.vector_load %arg16[%get3A_287, %get3A_288] {strides = array<i32>} : memref<128x128xf32, #tpu.memory_space<vmem>>, vector<1x16xf32>,
      %get3A_290 = vector.shape_cast %get3A_289 : vector<1x16xf32> to vector<16xf32>
      %mul3A_291 = vector.broadcast %squeeze3A : f32 to vector<16xf32>
      %mul3A_292 = arith.mulf %get3A_290, %mul3A_291 : vector<16xf32>
      %swap3A_293 = arith.index_cast %scan3A_260 : i32 to index
      %swap3A_294 = arith.constant 32 : index
      %swap3A_295 = tpu.vector_load %arg16[%swap3A_293, %swap3A_294] {strides = array<i32>} : memref<128x128xf32, #tpu.memory_space<vmem>>, vector<1x16xf32>,
      %swap3A_296 = vector.shape_cast %swap3A_295 : vector<1x16xf32> to vector<16xf32>
      %swap3A_297 = vector.shape_cast %mul3A_292 : vector<16xf32> to vector<1x16xf32>
      tpu.vector_store %arg16[%swap3A_293, %swap3A_294], %swap3A_297 {strides = array<i32>} : memref<128x128xf32, #tpu.memory_space<vmem>>, vector<1x16xf32>,
      %get3A_298 = arith.index_cast %scan3A_260 : i32 to index
      %get3A_299 = arith.constant 48 : index
      %get3A_300 = tpu.vector_load %arg16[%get3A_298, %get3A_299] {strides = array<i32>} : memref<128x128xf32, #tpu.memory_space<vmem>>, vector<1x16xf32>,
      %get3A_301 = vector.shape_cast %get3A_300 : vector<1x16xf32> to vector<16xf32>
      %mul3A_302 = vector.broadcast %squeeze3A : f32 to vector<16xf32>
      %mul3A_303 = arith.mulf %get3A_301, %mul3A_302 : vector<16xf32>
      %swap3A_304 = arith.index_cast %scan3A_260 : i32 to index
      %swap3A_305 = arith.constant 48 : index
      %swap3A_306 = tpu.vector_load %arg16[%swap3A_304, %swap3A_305] {strides = array<i32>} : memref<128x128xf32, #tpu.memory_space<vmem>>, vector<1x16xf32>,
      %swap3A_307 = vector.shape_cast %swap3A_306 : vector<1x16xf32> to vector<16xf32>
      %swap3A_308 = vector.shape_cast %mul3A_303 : vector<16xf32> to vector<1x16xf32>
      tpu.vector_store %arg16[%swap3A_304, %swap3A_305], %swap3A_308 {strides = array<i32>} : memref<128x128xf32, #tpu.memory_space<vmem>>, vector<1x16xf32>,
      %get3A_309 = arith.index_cast %scan3A_260 : i32 to index
      %get3A_310 = arith.constant 64 : index
      %get3A_311 = tpu.vector_load %arg16[%get3A_309, %get3A_310] {strides = array<i32>} : memref<128x128xf32, #tpu.memory_space<vmem>>, vector<1x16xf32>,
      %get3A_312 = vector.shape_cast %get3A_311 : vector<1x16xf32> to vector<16xf32>
      %mul3A_313 = vector.broadcast %squeeze3A : f32 to vector<16xf32>
      %mul3A_314 = arith.mulf %get3A_312, %mul3A_313 : vector<16xf32>
      %swap3A_315 = arith.index_cast %scan3A_260 : i32 to index
      %swap3A_316 = arith.constant 64 : index
      %swap3A_317 = tpu.vector_load %arg16[%swap3A_315, %swap3A_316] {strides = array<i32>} : memref<128x128xf32, #tpu.memory_space<vmem>>, vector<1x16xf32>,
      %swap3A_318 = vector.shape_cast %swap3A_317 : vector<1x16xf32> to vector<16xf32>
      %swap3A_319 = vector.shape_cast %mul3A_314 : vector<16xf32> to vector<1x16xf32>
      tpu.vector_store %arg16[%swap3A_315, %swap3A_316], %swap3A_319 {strides = array<i32>} : memref<128x128xf32, #tpu.memory_space<vmem>>, vector<1x16xf32>,
      %get3A_320 = arith.index_cast %scan3A_260 : i32 to index
      %get3A_321 = arith.constant 80 : index
      %get3A_322 = tpu.vector_load %arg16[%get3A_320, %get3A_321] {strides = array<i32>} : memref<128x128xf32, #tpu.memory_space<vmem>>, vector<1x16xf32>,
      %get3A_323 = vector.shape_cast %get3A_322 : vector<1x16xf32> to vector<16xf32>
      %mul3A_324 = vector.broadcast %squeeze3A : f32 to vector<16xf32>
      %mul3A_325 = arith.mulf %get3A_323, %mul3A_324 : vector<16xf32>
      %swap3A_326 = arith.index_cast %scan3A_260 : i32 to index
      %swap3A_327 = arith.constant 80 : index
      %swap3A_328 = tpu.vector_load %arg16[%swap3A_326, %swap3A_327] {strides = array<i32>} : memref<128x128xf32, #tpu.memory_space<vmem>>, vector<1x16xf32>,
      %swap3A_329 = vector.shape_cast %swap3A_328 : vector<1x16xf32> to vector<16xf32>
      %swap3A_330 = vector.shape_cast %mul3A_325 : vector<16xf32> to vector<1x16xf32>
      tpu.vector_store %arg16[%swap3A_326, %swap3A_327], %swap3A_330 {strides = array<i32>} : memref<128x128xf32, #tpu.memory_space<vmem>>, vector<1x16xf32>,
      %get3A_331 = arith.index_cast %scan3A_260 : i32 to index
      %get3A_332 = arith.constant 96 : index
      %get3A_333 = tpu.vector_load %arg16[%get3A_331, %get3A_332] {strides = array<i32>} : memref<128x128xf32, #tpu.memory_space<vmem>>, vector<1x16xf32>,
      %get3A_334 = vector.shape_cast %get3A_333 : vector<1x16xf32> to vector<16xf32>
      %mul3A_335 = vector.broadcast %squeeze3A : f32 to vector<16xf32>
      %mul3A_336 = arith.mulf %get3A_334, %mul3A_335 : vector<16xf32>
      %swap3A_337 = arith.index_cast %scan3A_260 : i32 to index
      %swap3A_338 = arith.constant 96 : index
      %swap3A_339 = tpu.vector_load %arg16[%swap3A_337, %swap3A_338] {strides = array<i32>} : memref<128x128xf32, #tpu.memory_space<vmem>>, vector<1x16xf32>,
      %swap3A_340 = vector.shape_cast %swap3A_339 : vector<1x16xf32> to vector<16xf32>
      %swap3A_341 = vector.shape_cast %mul3A_336 : vector<16xf32> to vector<1x16xf32>
      tpu.vector_store %arg16[%swap3A_337, %swap3A_338], %swap3A_341 {strides = array<i32>} : memref<128x128xf32, #tpu.memory_space<vmem>>, vector<1x16xf32>,
      %get3A_342 = arith.index_cast %scan3A_260 : i32 to index
      %get3A_343 = arith.constant 112 : index
      %get3A_344 = tpu.vector_load %arg16[%get3A_342, %get3A_343] {strides = array<i32>} : memref<128x128xf32, #tpu.memory_space<vmem>>, vector<1x16xf32>,
      %get3A_345 = vector.shape_cast %get3A_344 : vector<1x16xf32> to vector<16xf32>
      %mul3A_346 = vector.broadcast %squeeze3A : f32 to vector<16xf32>
      %mul3A_347 = arith.mulf %get3A_345, %mul3A_346 : vector<16xf32>
      %swap3A_348 = arith.index_cast %scan3A_260 : i32 to index
      %swap3A_349 = arith.constant 112 : index
      %swap3A_350 = tpu.vector_load %arg16[%swap3A_348, %swap3A_349] {strides = array<i32>} : memref<128x128xf32, #tpu.memory_space<vmem>>, vector<1x16xf32>,
      %swap3A_351 = vector.shape_cast %swap3A_350 : vector<1x16xf32> to vector<16xf32>
      %swap3A_352 = vector.shape_cast %mul3A_347 : vector<16xf32> to vector<1x16xf32>
      tpu.vector_store %arg16[%swap3A_348, %swap3A_349], %swap3A_352 {strides = array<i32>} : memref<128x128xf32, #tpu.memory_space<vmem>>, vector<1x16xf32>,
      %scan3A_353 = arith.constant 0 : i32
      scf.yield %scan3A_353 : i32
    }
    %scan3A_200 = arith.constant 128 : i32
    %mul3A_201 = arith.constant 10240 : i32
    %mul3A_202 = arith.muli %arg0, %mul3A_201 : i32
    %mul3A_203 = arith.constant 640 : i32
    %mul3A_204 = arith.muli %arg1, %mul3A_203 : i32
    %add3A_205 = arith.addi %mul3A_202, %mul3A_204 : i32
    %add3A_206 = arith.constant 384 : i32
    %add3A_207 = arith.addi %add3A_205, %add3A_206 : i32
    %dma_start3A_208 = arith.constant 0 : i32
    %dma_start3A_209 = tpu.memref_slice %arg7[%add3A_207, %dma_start3A_208] : memref<20480x128xf32, #tpu.memory_space<hbm>> -> memref<128x128xf32, #tpu.memory_space<hbm>>
    %dma_start3A_210 = arith.constant 0 : i32
    %dma_start3A_211 = tpu.memref_slice %arg7[%add3A_207, %dma_start3A_210] : memref<20480x128xf32, #tpu.memory_space<hbm>> -> memref<128x128xf32, #tpu.memory_space<hbm>>
    tpu.enqueue_dma source(%arg16 : memref<128x128xf32, #tpu.memory_space<vmem>>) target(%dma_start3A_211 : memref<128x128xf32, #tpu.memory_space<hbm>>) target_semaphore(%arg23 : memref<!tpu.dma_semaphore, #tpu.memory_space<semaphore_mem>>)
    %mul3A_212 = arith.constant 640 : i32
    %mul3A_213 = arith.muli %arg1, %mul3A_212 : i32
    %add3A_214 = arith.constant 512 : i32
    %add3A_215 = arith.addi %mul3A_213, %add3A_214 : i32
    %dma_wait3A_216 = arith.constant 0 : i32
    %dma_wait3A_217 = tpu.memref_slice %arg17[%add3A_215, %dma_wait3A_216] : memref<10240x128xf32, #tpu.memory_space<vmem_shared>> -> memref<128x128xf32, #tpu.memory_space<vmem_shared>>
    %dma_wait3A_218 = arith.constant 0 : i32
    %dma_wait3A_219 = tpu.memref_slice %arg17[%add3A_215, %dma_wait3A_218] : memref<10240x128xf32, #tpu.memory_space<vmem_shared>> -> memref<128x128xf32, #tpu.memory_space<vmem_shared>>
    tpu.wait_dma2 semaphore(%arg18 : memref<!tpu.dma_semaphore, #tpu.memory_space<semaphore_mem>>) src(%dma_wait3A_219 : memref<128x128xf32, #tpu.memory_space<vmem_shared>>) dst(%arg15 : memref<128x128xf32, #tpu.memory_space<vmem>>)
    %scan3A_220 = arith.constant 0 : i32
    %scan3A_221 = arith.constant 0 : i32
    %scan3A_222 = arith.constant 128 : i32
    %scan3A_223 = arith.addi %scan3A_221, %scan3A_222 : i32
    %scan3A_224 = arith.constant 1 : i32
    %scan3A_225 = scf.for %scan3A_260 = %scan3A_221 to %scan3A_223 step %scan3A_224 iter_args(%scan3A_261 = %scan3A_220) -> (i32)  : i32 {
      %add3A_262 = arith.constant 512 : i32
      %add3A_263 = arith.addi %add3A_262, %scan3A_260 : i32
      %get3A = arith.index_cast %add3A_263 : i32 to index
      %get3A_264 = tpu.vector_load %arg14[%get3A] {strides = array<i32>} : memref<656xf32, #tpu.memory_space<vmem>>, vector<16xf32>,
      %get3A_265 = vector.shape_cast %get3A_264 : vector<16xf32> to vector<16xf32>
      %slice3A = vector.extract_strided_slice %get3A_265 {offsets = [0], sizes = [1], strides = [1]} : vector<16xf32> to vector<1xf32>
      %squeeze3A = vector.extract %slice3A[0] : f32 from vector<1xf32>
      %get3A_266 = arith.index_cast %scan3A_260 : i32 to index
      %get3A_267 = arith.constant 0 : index
      %get3A_268 = tpu.vector_load %arg15[%get3A_266, %get3A_267] {strides = array<i32>} : memref<128x128xf32, #tpu.memory_space<vmem>>, vector<1x16xf32>,
      %get3A_269 = vector.shape_cast %get3A_268 : vector<1x16xf32> to vector<16xf32>
      %mul3A_270 = vector.broadcast %squeeze3A : f32 to vector<16xf32>
      %mul3A_271 = arith.mulf %get3A_269, %mul3A_270 : vector<16xf32>
      %swap3A = arith.index_cast %scan3A_260 : i32 to index
      %swap3A_272 = arith.constant 0 : index
      %swap3A_273 = tpu.vector_load %arg15[%swap3A, %swap3A_272] {strides = array<i32>} : memref<128x128xf32, #tpu.memory_space<vmem>>, vector<1x16xf32>,
      %swap3A_274 = vector.shape_cast %swap3A_273 : vector<1x16xf32> to vector<16xf32>
      %swap3A_275 = vector.shape_cast %mul3A_271 : vector<16xf32> to vector<1x16xf32>
      tpu.vector_store %arg15[%swap3A, %swap3A_272], %swap3A_275 {strides = array<i32>} : memref<128x128xf32, #tpu.memory_space<vmem>>, vector<1x16xf32>,
      %get3A_276 = arith.index_cast %scan3A_260 : i32 to index
      %get3A_277 = arith.constant 16 : index
      %get3A_278 = tpu.vector_load %arg15[%get3A_276, %get3A_277] {strides = array<i32>} : memref<128x128xf32, #tpu.memory_space<vmem>>, vector<1x16xf32>,
      %get3A_279 = vector.shape_cast %get3A_278 : vector<1x16xf32> to vector<16xf32>
      %mul3A_280 = vector.broadcast %squeeze3A : f32 to vector<16xf32>
      %mul3A_281 = arith.mulf %get3A_279, %mul3A_280 : vector<16xf32>
      %swap3A_282 = arith.index_cast %scan3A_260 : i32 to index
      %swap3A_283 = arith.constant 16 : index
      %swap3A_284 = tpu.vector_load %arg15[%swap3A_282, %swap3A_283] {strides = array<i32>} : memref<128x128xf32, #tpu.memory_space<vmem>>, vector<1x16xf32>,
      %swap3A_285 = vector.shape_cast %swap3A_284 : vector<1x16xf32> to vector<16xf32>
      %swap3A_286 = vector.shape_cast %mul3A_281 : vector<16xf32> to vector<1x16xf32>
      tpu.vector_store %arg15[%swap3A_282, %swap3A_283], %swap3A_286 {strides = array<i32>} : memref<128x128xf32, #tpu.memory_space<vmem>>, vector<1x16xf32>,
      %get3A_287 = arith.index_cast %scan3A_260 : i32 to index
      %get3A_288 = arith.constant 32 : index
      %get3A_289 = tpu.vector_load %arg15[%get3A_287, %get3A_288] {strides = array<i32>} : memref<128x128xf32, #tpu.memory_space<vmem>>, vector<1x16xf32>,
      %get3A_290 = vector.shape_cast %get3A_289 : vector<1x16xf32> to vector<16xf32>
      %mul3A_291 = vector.broadcast %squeeze3A : f32 to vector<16xf32>
      %mul3A_292 = arith.mulf %get3A_290, %mul3A_291 : vector<16xf32>
      %swap3A_293 = arith.index_cast %scan3A_260 : i32 to index
      %swap3A_294 = arith.constant 32 : index
      %swap3A_295 = tpu.vector_load %arg15[%swap3A_293, %swap3A_294] {strides = array<i32>} : memref<128x128xf32, #tpu.memory_space<vmem>>, vector<1x16xf32>,
      %swap3A_296 = vector.shape_cast %swap3A_295 : vector<1x16xf32> to vector<16xf32>
      %swap3A_297 = vector.shape_cast %mul3A_292 : vector<16xf32> to vector<1x16xf32>
      tpu.vector_store %arg15[%swap3A_293, %swap3A_294], %swap3A_297 {strides = array<i32>} : memref<128x128xf32, #tpu.memory_space<vmem>>, vector<1x16xf32>,
      %get3A_298 = arith.index_cast %scan3A_260 : i32 to index
      %get3A_299 = arith.constant 48 : index
      %get3A_300 = tpu.vector_load %arg15[%get3A_298, %get3A_299] {strides = array<i32>} : memref<128x128xf32, #tpu.memory_space<vmem>>, vector<1x16xf32>,
      %get3A_301 = vector.shape_cast %get3A_300 : vector<1x16xf32> to vector<16xf32>
      %mul3A_302 = vector.broadcast %squeeze3A : f32 to vector<16xf32>
      %mul3A_303 = arith.mulf %get3A_301, %mul3A_302 : vector<16xf32>
      %swap3A_304 = arith.index_cast %scan3A_260 : i32 to index
      %swap3A_305 = arith.constant 48 : index
      %swap3A_306 = tpu.vector_load %arg15[%swap3A_304, %swap3A_305] {strides = array<i32>} : memref<128x128xf32, #tpu.memory_space<vmem>>, vector<1x16xf32>,
      %swap3A_307 = vector.shape_cast %swap3A_306 : vector<1x16xf32> to vector<16xf32>
      %swap3A_308 = vector.shape_cast %mul3A_303 : vector<16xf32> to vector<1x16xf32>
      tpu.vector_store %arg15[%swap3A_304, %swap3A_305], %swap3A_308 {strides = array<i32>} : memref<128x128xf32, #tpu.memory_space<vmem>>, vector<1x16xf32>,
      %get3A_309 = arith.index_cast %scan3A_260 : i32 to index
      %get3A_310 = arith.constant 64 : index
      %get3A_311 = tpu.vector_load %arg15[%get3A_309, %get3A_310] {strides = array<i32>} : memref<128x128xf32, #tpu.memory_space<vmem>>, vector<1x16xf32>,
      %get3A_312 = vector.shape_cast %get3A_311 : vector<1x16xf32> to vector<16xf32>
      %mul3A_313 = vector.broadcast %squeeze3A : f32 to vector<16xf32>
      %mul3A_314 = arith.mulf %get3A_312, %mul3A_313 : vector<16xf32>
      %swap3A_315 = arith.index_cast %scan3A_260 : i32 to index
      %swap3A_316 = arith.constant 64 : index
      %swap3A_317 = tpu.vector_load %arg15[%swap3A_315, %swap3A_316] {strides = array<i32>} : memref<128x128xf32, #tpu.memory_space<vmem>>, vector<1x16xf32>,
      %swap3A_318 = vector.shape_cast %swap3A_317 : vector<1x16xf32> to vector<16xf32>
      %swap3A_319 = vector.shape_cast %mul3A_314 : vector<16xf32> to vector<1x16xf32>
      tpu.vector_store %arg15[%swap3A_315, %swap3A_316], %swap3A_319 {strides = array<i32>} : memref<128x128xf32, #tpu.memory_space<vmem>>, vector<1x16xf32>,
      %get3A_320 = arith.index_cast %scan3A_260 : i32 to index
      %get3A_321 = arith.constant 80 : index
      %get3A_322 = tpu.vector_load %arg15[%get3A_320, %get3A_321] {strides = array<i32>} : memref<128x128xf32, #tpu.memory_space<vmem>>, vector<1x16xf32>,
      %get3A_323 = vector.shape_cast %get3A_322 : vector<1x16xf32> to vector<16xf32>
      %mul3A_324 = vector.broadcast %squeeze3A : f32 to vector<16xf32>
      %mul3A_325 = arith.mulf %get3A_323, %mul3A_324 : vector<16xf32>
      %swap3A_326 = arith.index_cast %scan3A_260 : i32 to index
      %swap3A_327 = arith.constant 80 : index
      %swap3A_328 = tpu.vector_load %arg15[%swap3A_326, %swap3A_327] {strides = array<i32>} : memref<128x128xf32, #tpu.memory_space<vmem>>, vector<1x16xf32>,
      %swap3A_329 = vector.shape_cast %swap3A_328 : vector<1x16xf32> to vector<16xf32>
      %swap3A_330 = vector.shape_cast %mul3A_325 : vector<16xf32> to vector<1x16xf32>
      tpu.vector_store %arg15[%swap3A_326, %swap3A_327], %swap3A_330 {strides = array<i32>} : memref<128x128xf32, #tpu.memory_space<vmem>>, vector<1x16xf32>,
      %get3A_331 = arith.index_cast %scan3A_260 : i32 to index
      %get3A_332 = arith.constant 96 : index
      %get3A_333 = tpu.vector_load %arg15[%get3A_331, %get3A_332] {strides = array<i32>} : memref<128x128xf32, #tpu.memory_space<vmem>>, vector<1x16xf32>,
      %get3A_334 = vector.shape_cast %get3A_333 : vector<1x16xf32> to vector<16xf32>
      %mul3A_335 = vector.broadcast %squeeze3A : f32 to vector<16xf32>
      %mul3A_336 = arith.mulf %get3A_334, %mul3A_335 : vector<16xf32>
      %swap3A_337 = arith.index_cast %scan3A_260 : i32 to index
      %swap3A_338 = arith.constant 96 : index
      %swap3A_339 = tpu.vector_load %arg15[%swap3A_337, %swap3A_338] {strides = array<i32>} : memref<128x128xf32, #tpu.memory_space<vmem>>, vector<1x16xf32>,
      %swap3A_340 = vector.shape_cast %swap3A_339 : vector<1x16xf32> to vector<16xf32>
      %swap3A_341 = vector.shape_cast %mul3A_336 : vector<16xf32> to vector<1x16xf32>
      tpu.vector_store %arg15[%swap3A_337, %swap3A_338], %swap3A_341 {strides = array<i32>} : memref<128x128xf32, #tpu.memory_space<vmem>>, vector<1x16xf32>,
      %get3A_342 = arith.index_cast %scan3A_260 : i32 to index
      %get3A_343 = arith.constant 112 : index
      %get3A_344 = tpu.vector_load %arg15[%get3A_342, %get3A_343] {strides = array<i32>} : memref<128x128xf32, #tpu.memory_space<vmem>>, vector<1x16xf32>,
      %get3A_345 = vector.shape_cast %get3A_344 : vector<1x16xf32> to vector<16xf32>
      %mul3A_346 = vector.broadcast %squeeze3A : f32 to vector<16xf32>
      %mul3A_347 = arith.mulf %get3A_345, %mul3A_346 : vector<16xf32>
      %swap3A_348 = arith.index_cast %scan3A_260 : i32 to index
      %swap3A_349 = arith.constant 112 : index
      %swap3A_350 = tpu.vector_load %arg15[%swap3A_348, %swap3A_349] {strides = array<i32>} : memref<128x128xf32, #tpu.memory_space<vmem>>, vector<1x16xf32>,
      %swap3A_351 = vector.shape_cast %swap3A_350 : vector<1x16xf32> to vector<16xf32>
      %swap3A_352 = vector.shape_cast %mul3A_347 : vector<16xf32> to vector<1x16xf32>
      tpu.vector_store %arg15[%swap3A_348, %swap3A_349], %swap3A_352 {strides = array<i32>} : memref<128x128xf32, #tpu.memory_space<vmem>>, vector<1x16xf32>,
      %scan3A_353 = arith.constant 0 : i32
      scf.yield %scan3A_353 : i32
    }
    %scan3A_226 = arith.constant 128 : i32
    %mul3A_227 = arith.constant 10240 : i32
    %mul3A_228 = arith.muli %arg0, %mul3A_227 : i32
    %mul3A_229 = arith.constant 640 : i32
    %mul3A_230 = arith.muli %arg1, %mul3A_229 : i32
    %add3A_231 = arith.addi %mul3A_228, %mul3A_230 : i32
    %add3A_232 = arith.constant 512 : i32
    %add3A_233 = arith.addi %add3A_231, %add3A_232 : i32
    %dma_start3A_234 = arith.constant 0 : i32
    %dma_start3A_235 = tpu.memref_slice %arg7[%add3A_233, %dma_start3A_234] : memref<20480x128xf32, #tpu.memory_space<hbm>> -> memref<128x128xf32, #tpu.memory_space<hbm>>
    %dma_start3A_236 = arith.constant 0 : i32
    %dma_start3A_237 = tpu.memref_slice %arg7[%add3A_233, %dma_start3A_236] : memref<20480x128xf32, #tpu.memory_space<hbm>> -> memref<128x128xf32, #tpu.memory_space<hbm>>
    tpu.enqueue_dma source(%arg15 : memref<128x128xf32, #tpu.memory_space<vmem>>) target(%dma_start3A_237 : memref<128x128xf32, #tpu.memory_space<hbm>>) target_semaphore(%arg22 : memref<!tpu.dma_semaphore, #tpu.memory_space<semaphore_mem>>)
    %mul3A_238 = arith.constant 10240 : i32
    %mul3A_239 = arith.muli %arg0, %mul3A_238 : i32
    %mul3A_240 = arith.constant 640 : i32
    %mul3A_241 = arith.muli %arg1, %mul3A_240 : i32
    %add3A_242 = arith.addi %mul3A_239, %mul3A_241 : i32
    %add3A_243 = arith.constant 384 : i32
    %add3A_244 = arith.addi %add3A_242, %add3A_243 : i32
    %dma_wait3A_245 = arith.constant 0 : i32
    %dma_wait3A_246 = tpu.memref_slice %arg7[%add3A_244, %dma_wait3A_245] : memref<20480x128xf32, #tpu.memory_space<hbm>> -> memref<128x128xf32, #tpu.memory_space<hbm>>
    %dma_wait3A_247 = arith.constant 0 : i32
    %dma_wait3A_248 = tpu.memref_slice %arg7[%add3A_244, %dma_wait3A_247] : memref<20480x128xf32, #tpu.memory_space<hbm>> -> memref<128x128xf32, #tpu.memory_space<hbm>>
    tpu.wait_dma2 semaphore(%arg23 : memref<!tpu.dma_semaphore, #tpu.memory_space<semaphore_mem>>) src(%arg16 : memref<128x128xf32, #tpu.memory_space<vmem>>) dst(%dma_wait3A_248 : memref<128x128xf32, #tpu.memory_space<hbm>>)
    %mul3A_249 = arith.constant 10240 : i32
    %mul3A_250 = arith.muli %arg0, %mul3A_249 : i32
    %mul3A_251 = arith.constant 640 : i32
    %mul3A_252 = arith.muli %arg1, %mul3A_251 : i32
    %add3A_253 = arith.addi %mul3A_250, %mul3A_252 : i32
    %add3A_254 = arith.constant 512 : i32
    %add3A_255 = arith.addi %add3A_253, %add3A_254 : i32
    %dma_wait3A_256 = arith.constant 0 : i32
    %dma_wait3A_257 = tpu.memref_slice %arg7[%add3A_255, %dma_wait3A_256] : memref<20480x128xf32, #tpu.memory_space<hbm>> -> memref<128x128xf32, #tpu.memory_space<hbm>>
    %dma_wait3A_258 = arith.constant 0 : i32
    %dma_wait3A_259 = tpu.memref_slice %arg7[%add3A_255, %dma_wait3A_258] : memref<20480x128xf32, #tpu.memory_space<hbm>> -> memref<128x128xf32, #tpu.memory_space<hbm>>
    tpu.wait_dma2 semaphore(%arg22 : memref<!tpu.dma_semaphore, #tpu.memory_space<semaphore_mem>>) src(%arg15 : memref<128x128xf32, #tpu.memory_space<vmem>>) dst(%dma_wait3A_259 : memref<128x128xf32, #tpu.memory_space<hbm>>)
    return
  }
}

module attributes {stable_mosaic.version = 14 : i64} {
  func.func @body(%arg0: i32, %arg1: memref<1280x128xf32, #tpu.memory_space<vmem>>, %arg2: memref<128x128xf32, #tpu.memory_space<vmem>>, %arg3: memref<1280x128xf32, #tpu.memory_space<vmem>>) attributes {dimension_semantics = [#tpu.dimension_semantics<arbitrary>], iteration_bounds = array<i64: 8>, scalar_prefetch = 0 : i64, scratch_operands = 0 : i64, tpu.core_type = #tpu.core_type<tc>, window_params = [{transform_indices = @transform_0, window_bounds = array<i64: 1280, 128>}, {pipeline_mode = #tpu.pipeline_mode<synchronous>, transform_indices = @transform_1, window_bounds = array<i64: 128, 128>}, {transform_indices = @transform_2, window_bounds = array<i64: 1280, 128>}]} {
    %get3A = arith.constant 0 : index
    %get3A_0 = arith.constant 0 : index
    %get3A_1 = vector.load %arg1[%get3A, %get3A_0] : memref<1280x128xf32, #tpu.memory_space<vmem>>, vector<1280x128xf32>
    %get3A_2 = arith.constant 0 : index
    %get3A_3 = arith.constant 0 : index
    %get3A_4 = vector.load %arg2[%get3A_2, %get3A_3] : memref<128x128xf32, #tpu.memory_space<vmem>>, vector<128x128xf32>
    %dot_general3A = arith.constant dense<0.000000e+00> : vector<1280x128xf32>
    %dot_general3A_5 = tpu.matmul %get3A_1, %get3A_4, %dot_general3A {dimension_numbers = #tpu.dot_dimension_numbers<[1], [0], [0], [1], [0, 0, 1, 1], [], []>, transpose_lhs_hint = false} : vector<1280x128xf32>, vector<128x128xf32>, vector<1280x128xf32> -> vector<1280x128xf32>
    %swap3A = arith.constant 0 : index
    %swap3A_6 = arith.constant 0 : index
    %swap3A_7 = vector.load %arg3[%swap3A, %swap3A_6] : memref<1280x128xf32, #tpu.memory_space<vmem>>, vector<1280x128xf32>
    tpu.vector_store %arg3[%swap3A, %swap3A_6], %dot_general3A_5 {strides = array<i32>} : memref<1280x128xf32, #tpu.memory_space<vmem>>, vector<1280x128xf32>,
    return
  }
  func.func @transform_0(%arg0: i32) -> (i32, i32) {
    %c0_i32 = arith.constant 0 : i32
    %c0_i32_0 = arith.constant 0 : i32
    return %arg0, %c0_i32 : i32, i32
  }
  func.func @transform_1(%arg0: i32) -> (i32, i32) {
    %c0_i32 = arith.constant 0 : i32
    %c0_i32_0 = arith.constant 0 : i32
    %c0_i32_1 = arith.constant 0 : i32
    return %c0_i32, %c0_i32_0 : i32, i32
  }
  func.func @transform_2(%arg0: i32) -> (i32, i32) {
    %c0_i32 = arith.constant 0 : i32
    %c0_i32_0 = arith.constant 0 : i32
    return %arg0, %c0_i32 : i32, i32
  }
}

module attributes {stable_mosaic.version = 14 : i64} {
  func.func @body(%arg0: i32, %arg1: memref<1x2x1280xf32, #tpu.memory_space<vmem>>, %arg2: memref<1x1x1280xf32, #tpu.memory_space<vmem>>) attributes {dimension_semantics = [#tpu.dimension_semantics<arbitrary>], iteration_bounds = array<i64: 8>, scalar_prefetch = 0 : i64, scratch_operands = 0 : i64, tpu.core_type = #tpu.core_type<tc>, window_params = [{transform_indices = @transform_0, window_bounds = array<i64: 1, 2, 1280>}, {transform_indices = @transform_1, window_bounds = array<i64: 1, 1, 1280>}]} {
    %get3A = arith.constant 0 : index
    %get3A_0 = arith.constant 0 : index
    %get3A_1 = arith.constant 0 : index
    %get3A_2 = vector.load %arg1[%get3A, %get3A_0, %get3A_1] : memref<1x2x1280xf32, #tpu.memory_space<vmem>>, vector<1x1x1280xf32>
    %get3A_3 = vector.shape_cast %get3A_2 : vector<1x1x1280xf32> to vector<1x1280xf32>
    %get3A_4 = arith.constant 0 : index
    %get3A_5 = arith.constant 1 : index
    %get3A_6 = arith.constant 0 : index
    %get3A_7 = vector.load %arg1[%get3A_4, %get3A_5, %get3A_6] : memref<1x2x1280xf32, #tpu.memory_space<vmem>>, vector<1x1x1280xf32>
    %get3A_8 = vector.shape_cast %get3A_7 : vector<1x1x1280xf32> to vector<1x1280xf32>
    %add3A = arith.addf %get3A_3, %get3A_8 : vector<1x1280xf32>
    %gt3A = arith.constant 0.000000e+00 : f32
    %gt3A_9 = vector.broadcast %gt3A : f32 to vector<1x1280xf32>
    %gt3A_10 = arith.cmpf ogt, %add3A, %gt3A_9 : vector<1x1280xf32>
    %max3A = arith.constant 9.99999996E-13 : f32
    %max3A_11 = vector.broadcast %max3A : f32 to vector<1x1280xf32>
    %max3A_12 = arith.maximumf %add3A, %max3A_11 : vector<1x1280xf32>
    %rsqrt3A = math.rsqrt %max3A_12 : vector<1x1280xf32>
    %jit3A = arith.constant 0.000000e+00 : f32
    %broadcast_in_dim3A = vector.broadcast %jit3A : f32 to vector<1x1280xf32>
    %select_n3A = arith.select %gt3A_10, %rsqrt3A, %broadcast_in_dim3A : vector<1x1280xi1>, vector<1x1280xf32>
    %broadcast_in_dim3A_13 = vector.shape_cast %select_n3A : vector<1x1280xf32> to vector<1x1x1280xf32>
    %swap3A = arith.constant 0 : index
    %swap3A_14 = arith.constant 0 : index
    %swap3A_15 = arith.constant 0 : index
    %swap3A_16 = vector.load %arg2[%swap3A, %swap3A_14, %swap3A_15] : memref<1x1x1280xf32, #tpu.memory_space<vmem>>, vector<1x1x1280xf32>
    tpu.vector_store %arg2[%swap3A, %swap3A_14, %swap3A_15], %broadcast_in_dim3A_13 {strides = array<i32>} : memref<1x1x1280xf32, #tpu.memory_space<vmem>>, vector<1x1x1280xf32>,
    return
  }
  func.func @transform_0(%arg0: i32) -> (i32, i32, i32) {
    %c0_i32 = arith.constant 0 : i32
    %c0_i32_0 = arith.constant 0 : i32
    %c0_i32_1 = arith.constant 0 : i32
    return %arg0, %c0_i32, %c0_i32_0 : i32, i32, i32
  }
  func.func @transform_1(%arg0: i32) -> (i32, i32, i32) {
    %c0_i32 = arith.constant 0 : i32
    %c0_i32_0 = arith.constant 0 : i32
    %c0_i32_1 = arith.constant 0 : i32
    return %arg0, %c0_i32, %c0_i32_0 : i32, i32, i32
  }
}

module attributes {stable_mosaic.version = 14 : i64} {
  func.func @body(%arg0: i32, %arg1: memref<2x1000x128xf32, #tpu.memory_space<vmem>>, %arg2: memref<1x128xf32, #tpu.memory_space<vmem>>, %arg3: memref<1000x128xf32, #tpu.memory_space<vmem>>) attributes {dimension_semantics = [#tpu.dimension_semantics<arbitrary>], iteration_bounds = array<i64: 10>, scalar_prefetch = 0 : i64, scratch_operands = 0 : i64, tpu.core_type = #tpu.core_type<tc>, window_params = [{transform_indices = @transform_0, window_bounds = array<i64: 2, 1000, 128>}, {pipeline_mode = #tpu.pipeline_mode<synchronous>, transform_indices = @transform_1, window_bounds = array<i64: 1, 128>}, {transform_indices = @transform_2, window_bounds = array<i64: 1000, 128>}]} {
    %get3A = arith.constant 0 : index
    %get3A_0 = arith.constant 0 : index
    %get3A_1 = arith.constant 0 : index
    %get3A_2 = vector.load %arg1[%get3A, %get3A_0, %get3A_1] : memref<2x1000x128xf32, #tpu.memory_space<vmem>>, vector<1x1000x128xf32>
    %get3A_3 = vector.shape_cast %get3A_2 : vector<1x1000x128xf32> to vector<1000x128xf32>
    %get3A_4 = arith.constant 1 : index
    %get3A_5 = arith.constant 0 : index
    %get3A_6 = arith.constant 0 : index
    %get3A_7 = vector.load %arg1[%get3A_4, %get3A_5, %get3A_6] : memref<2x1000x128xf32, #tpu.memory_space<vmem>>, vector<1x1000x128xf32>
    %get3A_8 = vector.shape_cast %get3A_7 : vector<1x1000x128xf32> to vector<1000x128xf32>
    %add3A = arith.addf %get3A_3, %get3A_8 : vector<1000x128xf32>
    %get3A_9 = arith.constant 0 : index
    %get3A_10 = arith.constant 0 : index
    %get3A_11 = vector.load %arg2[%get3A_9, %get3A_10] : memref<1x128xf32, #tpu.memory_space<vmem>>, vector<1x128xf32>
    %add3A_12 = vector.broadcast %get3A_11 : vector<1x128xf32> to vector<1000x128xf32>
    %add3A_13 = arith.addf %add3A, %add3A_12 : vector<1000x128xf32>
    %max3A = arith.constant 0.000000e+00 : f32
    %max3A_14 = vector.broadcast %max3A : f32 to vector<1000x128xf32>
    %max3A_15 = arith.maximumf %add3A_13, %max3A_14 : vector<1000x128xf32>
    %swap3A = arith.constant 0 : index
    %swap3A_16 = arith.constant 0 : index
    %swap3A_17 = vector.load %arg3[%swap3A, %swap3A_16] : memref<1000x128xf32, #tpu.memory_space<vmem>>, vector<1000x128xf32>
    tpu.vector_store %arg3[%swap3A, %swap3A_16], %max3A_15 {strides = array<i32>} : memref<1000x128xf32, #tpu.memory_space<vmem>>, vector<1000x128xf32>,
    return
  }
  func.func @transform_0(%arg0: i32) -> (i32, i32, i32) {
    %c0_i32 = arith.constant 0 : i32
    %c0_i32_0 = arith.constant 0 : i32
    %c0_i32_1 = arith.constant 0 : i32
    return %c0_i32, %arg0, %c0_i32_0 : i32, i32, i32
  }
  func.func @transform_1(%arg0: i32) -> (i32, i32) {
    %c0_i32 = arith.constant 0 : i32
    %c0_i32_0 = arith.constant 0 : i32
    %c0_i32_1 = arith.constant 0 : i32
    return %c0_i32, %c0_i32_0 : i32, i32
  }
  func.func @transform_2(%arg0: i32) -> (i32, i32) {
    %c0_i32 = arith.constant 0 : i32
    %c0_i32_0 = arith.constant 0 : i32
    return %arg0, %c0_i32 : i32, i32
  }
}

</mosaic_0001>

<sc_bundles>
// kernel: kernel.10.cloned.1.call-start
scs
__scs_entry_jumppad:
0x0: {  	(pc) =	sbr.rel $0x88, $3  }
0x1: {  	(tag) =	ssettag $0x0;
	lr =	simm.s32 $0x1  }
0x2: {  	[smem:$0x3F9C] =	sst lr;
	_ =	strace $0xD0000000  }
0x3: {  	_ = 	snop  }
0x4: {  	_ = 	snop  }
0x5: {  	_ = 	snop  }
0x6: {  	_ = 	snop  }
0x7: {  	_ = 	snop  }
__scs_overlays_trampoline_lowered:
0x8: {  	[smem:$0x3FAB] =	sst s0  }
0x9: {  	[smem:$0x3FAC] =	sst s1  }
0xa: {  	[smem:$0x3FAD] =	sst s2  }
0xb: {  	[smem:$0x3FAE] =	sst s3  }
0xc: {  	[smem:$0x3FAF] =	sst s4  }
0xd: {  	[smem:$0x3FB0] =	sst s5  }
0xe: {  	[smem:$0x3FB1] =	sst s6  }
0xf: {  	[smem:$0x3FB2] =	sst s7  }
0x10: {  	[smem:$0x3FB3] =	sst s8  }
0x11: {  	[smem:$0x3FB4] =	sst s9;
	s0 =	simm.s32 @!p0 $0x0  }
0x12: {  	s1 =	sld [smem:$0x3F9A];
	s0 =	simm.s32 @p0 $0x1  }
0x13: {  	[smem:$0x3FB5] =	sst s0;
	s0 =	simm.s32 @!p1 $0x0  }
0x14: {  	s2 =	sld [smem:$0x3F99];
	s0 =	simm.s32 @p1 $0x1  }
0x15: {  	[smem:$0x3FB6] =	sst s0;
	s0 =	simm.s32 @!p2 $0x0  }
0x16: {  	s3 =	sld [smem:$0x3FDB];
	s0 =	simm.s32 @p2 $0x1  }
0x17: {  	s4 =	simm.s32 $0x1BF5;
	[smem:$0x3FB8] =	sst s0  }
0x18: {  	s0 =	sld [smem:$0x3F9B];
	_ =	swait.ge [sflag:s4], $0x0  }
0x19: {  	s7 =	sld [smem:$0x3F9C]  }
0x1a: {  	s8 =	sadd.s32 $0xFFFFE003, lr  }
0x1b: {  	s9 =	sadd.s32 $0xFFFFFEF7, lr;
	s5 =	simm.s32 $0xFFFFFFFF;
	p2 =	slt.u32 s8, $0xFFFFF086  }
0x1c: {  	p1 =	slt.u32 s9, $0xF7A;
	s5 =	simm.s32 @!p2 $0x0  }
0x1d: {  	s5 =	simm.s32 @p1 $0x1;
	p0 =	seq.s32 s7, s2  }
0x1e: {  	s7 =	smul.u32 @!p0 $0xF7A, s2;
	p2 =	seq.s32 @!p0 s5, $0x0  }
0x1f: {  	s9 =	smul.u32 $0xF7A, s1;
	s8 =	simm.s32 @!p0 $0x1BF5;
	p2 =	por !p2, p0  }
0x20: {  	[sflag:s8] =	ssyncset.s32 @!p0 $0xFFFFF086;
	s6 =	sadd.s32 @!p0 s3, s7;
	s7 =	simm.s32 @!p0 $0x108  }
0x21: {  	s3 =	sadd.s32 s3, s9;
	s6 =	sadd.s32 @!p0 $0x88, s6;
	s7 =	simm.s32 @p2 $0x1082  }
0x22: {  	[simem:s7], [sflag:s8] =	dma.local @!p0 [hbm:s6], $0xF7A  }
0x23: {  	s9 =	sor.u32 $0xD0000000, s2;
	s6 =	simm.s32 $0x108;
	_ =	swait.ge @!p0 [sflag:s8], $0x0  }
0x24: {  	s3 =	sadd.s32 $0x88, s3;
	s6 =	simm.s32 @!p1 $0x1082;
	[sflag:s4] =	ssyncset.s32 $0xFFFFF086  }
0x25: {  	[simem:s6], [sflag:s4] =	dma.local [hbm:s3], $0xF7A  }
0x26: {  	[smem:$0x3F9C] =	sst s1;
	(tag) =	ssettag s2;
	_ =	strace s9  }
0x27: {  	s1 =	sld [smem:$0x3FAC]  }
0x28: {  	s2 =	sld [smem:$0x3FAD]  }
0x29: {  	s4 =	sld [smem:$0x3FAF]  }
0x2a: {  	p0 =	seq.s32 s5, $0x0;
	s5 =	sld [smem:$0x3FB0]  }
0x2b: {  	s6 =	sld [smem:$0x3FB1]  }
0x2c: {  	s7 =	sld [smem:$0x3FB2]  }
0x2d: {  	s3 =	simm.s32 $0x108;
	s8 =	sld [smem:$0x3FB3]  }
0x2e: {  	s3 =	simm.s32 @!p0 $0x1082;
	s9 =	sld [smem:$0x3FB4]  }
0x2f: {  	lr =	sadd.s32 s0, s3;
	s0 =	sld [smem:$0x3FAB]  }
0x30: {  	s3 =	sld [smem:$0x3FAE]  }
0x31: {  	[smem:$0x3FB7] =	sst s10  }
0x32: {  	s10 =	sld [smem:$0x3FB5];
	_ =	sdelay $0x3  }
0x33: {  	p0 =	seq.s32 s10, $0x1;
	s10 =	sld [smem:$0x3FB7];
	_ =	sdelay $0x3  }
0x34: {  	[smem:$0x3FB7] =	sst s10  }
0x35: {  	s10 =	sld [smem:$0x3FB6];
	_ =	sdelay $0x3  }
0x36: {  	p1 =	seq.s32 s10, $0x1;
	s10 =	sld [smem:$0x3FB7];
	_ =	sdelay $0x3  }
0x37: {  	[smem:$0x3FB7] =	sst s10  }
0x38: {  	s10 =	sld [smem:$0x3FB8]  }
0x39: {  	_ = 	snop;
	(pc) =	sbr.ind lr, $3  }
0x3a: {  	_ = 	snop  }
0x3b: {  	_ = 	snop  }
0x3c: {  	p2 =	seq.s32 s10, $0x1;
	s10 =	sld [smem:$0x3FB7]  }
0x3d: {  	_ =	shalt  }
0x3e: {  	_ =	shalt  }
0x3f: {  	_ =	shalt  }
0x40: {  	_ =	shalt  }
0x41: {  	_ =	shalt  }
0x42: {  	_ =	shalt  }
0x43: {  	_ =	shalt  }
0x44: {  	_ =	shalt  }
0x45: {  	_ =	shalt  }
0x46: {  	_ =	shalt  }
0x47: {  	_ =	shalt  }
0x48: {  	_ =	shalt  }
0x49: {  	_ =	shalt  }
0x4a: {  	_ =	shalt  }
0x4b: {  	_ =	shalt  }
0x4c: {  	_ =	shalt  }
0x4d: {  	_ =	shalt  }
0x4e: {  	_ =	shalt  }
0x4f: {  	_ =	shalt  }
0x50: {  	_ =	shalt  }
0x51: {  	_ =	shalt  }
0x52: {  	_ =	shalt  }
0x53: {  	_ =	shalt  }
0x54: {  	_ =	shalt  }
0x55: {  	_ =	shalt  }
0x56: {  	_ =	shalt  }
0x57: {  	_ =	shalt  }
0x58: {  	_ =	shalt  }
0x59: {  	_ =	shalt  }
0x5a: {  	_ =	shalt  }
0x5b: {  	_ =	shalt  }
0x5c: {  	_ =	shalt  }
0x5d: {  	_ =	shalt  }
0x5e: {  	_ =	shalt  }
0x5f: {  	_ =	shalt  }
0x60: {  	_ =	shalt  }
0x61: {  	_ =	shalt  }
0x62: {  	_ =	shalt  }
0x63: {  	_ =	shalt  }
0x64: {  	_ =	shalt  }
0x65: {  	_ =	shalt  }
0x66: {  	_ =	shalt  }
0x67: {  	_ =	shalt  }
0x68: {  	_ =	shalt  }
0x69: {  	_ =	shalt  }
0x6a: {  	_ =	shalt  }
0x6b: {  	_ =	shalt  }
0x6c: {  	_ =	shalt  }
0x6d: {  	_ =	shalt  }
0x6e: {  	_ =	shalt  }
0x6f: {  	_ =	shalt  }
0x70: {  	_ =	shalt  }
0x71: {  	_ =	shalt  }
0x72: {  	_ =	shalt  }
0x73: {  	_ =	shalt  }
0x74: {  	_ =	shalt  }
0x75: {  	_ =	shalt  }
0x76: {  	_ =	shalt  }
0x77: {  	_ =	shalt  }
0x78: {  	_ =	shalt  }
0x79: {  	_ =	shalt  }
0x7a: {  	_ =	shalt  }
0x7b: {  	_ =	shalt  }
0x7c: {  	_ =	shalt  }
0x7d: {  	_ =	shalt  }
0x7e: {  	_ =	shalt  }
0x7f: {  	_ =	shalt  }
0x80: {  	_ =	shalt  }
0x81: {  	_ =	shalt  }
0x82: {  	_ =	shalt  }
0x83: {  	_ =	shalt  }
0x84: {  	_ =	shalt  }
0x85: {  	_ =	shalt  }
0x86: {  	_ =	shalt  }
0x87: {  	_ =	shalt  }
.Lfunc_end0:
.L_simem_size_0:
called_computation.1_lowered:
.L_overlay_start_0:
0x88: {  	s2 =	sld [smem:$0x3FD9]  }
0x89: {  	s3 =	sld [smem:$0x3FFE];
	_ =	sdelay $0x1  }
0x8a: {  	s1 =	srdreg.scid  }
0x8b: {  	s0 =	sand.u32 $0x1, s1  }
0x8c: {  	s17 =	sshll.u32 s0, $0xA;
	s2 =	sadd.s32 s3, s2  }
0x8d: {  	s2 =	sadd.s32 s2, s17  }
0x8e: {  	[smem:$0x3FC3] =	sst s2  }
0x8f: {  	_ = 	snop  }
0x90: {  	s2 =	sld [smem:$0x3FD0];
	(tm) =	ssettm $0x1  }
0x91: {  	s18 =	sld [smem:$0x3FFB];
	_ =	sdelay $0x3  }
0x92: {  	_ =	strace s18  }
0x93: {  	s3 =	sld [smem:$0x3FFC];
	_ =	sdelay $0x3  }
0x94: {  	_ =	strace s3  }
0x95: {  	s3 =	sld [smem:$0x3FFD];
	_ =	sdelay $0x3  }
0x96: {  	_ =	strace s3  }
0x97: {  	_ =	strace $0x8FFFFFFF  }
0x98: {  	s19 =	sld [smem:$0x3FDB];
	_ =	sdelay $0x1  }
0x99: {  	s4 =	simm.s32 $_scs_section_size  }
0x9a: {  	s5 =	simm.s32 $_size__tile_overlayer_lowered;
	s6 =	simm.s32 $_tile_overlayer_lowered  }
0x9b: {  	s22 =	simm.s32 $0x1BFF;
	s21 =	sshll.u32 s6, $0x1;
	s3 =	sadd.s32 s4, s19  }
0x9c: {  	s7 =	simm.s32 $0x0;
	s20 =	sshll.u32 s5, $0x1;
	s5 =	sadd.s32 s21, s3  }
0x9d: {  	[timem:s7], [sflag:s22] =	dma.local [hbm:s5], s20  }
0x9e: {  	_ =	swait.ge [sflag:s22], s20  }
0x9f: {  	s4 =	ssub.s32 $0x0, s20;
	[sflag:s22] =	ssyncset.done $0x0  }
0xa0: {  	[sflag:s22] =	ssyncadd.s32 s4;
	_ =	sdelay $0x1  }
0xa1: {  	s23 =	simm.s32 $0x1B8B  }
0xa2: {  	_ =	swait.ge [sflag:s23], $0x1  }
0xa3: {  	[sflag:s23] =	ssyncset.done $0x0  }
0xa4: {  	s25 =	simm.s32 $0x1B8E;
	s24 =	sld [smem:$0x3FFE];
	[sflag:s23] =	ssyncadd.s32 $0xFFFFFFFF  }
0xa5: {  	s26 =	simm.s32 $execute0_lowered;
	[smem:$0x3FD2] =	sst s25  }
0xa6: {  	s5 =	sshll.u32 s26, $0x1;
	_ =	strace $0x80000049;
	[dreg:$0x1] =	wrdreg $0xFFFFFFFF  }
0xa7: {  	s28 =	simm.s32 $_size_execute0_lowered;
	s3 =	sadd.s32 s3, s5;
	[dreg:$0x0] =	wrdreg $0x0  }
0xa8: {  	s5 =	sshll.u32 s28, $0x1;
	[dreg:$0x2] =	wrdreg s3  }
0xa9: {  	[dreg:$0x3] =	wrdreg s5  }
0xaa: {  	[dreg:$0x4] =	wrdreg $0xC0  }
0xab: {  	_ =	task [dreg:s7], $0x5FFFF  }
0xac: {  	[dreg:$0x1] =	wrdreg $0xFFFFFFFF  }
0xad: {  	[dreg:$0x0] =	wrdreg $0x60  }
0xae: {  	[dreg:$0x2] =	wrdreg s24  }
0xaf: {  	[dreg:$0x3] =	wrdreg s2  }
0xb0: {  	[dreg:$0x4] =	wrdreg $0xB6000  }
0xb1: {  	[dreg:$0x5] =	wrdreg $0x9  }
0xb2: {  	_ =	task.clear_ibuf [dreg:s7], $0x6FFFF;
	_ =	strace $0x90000049  }
0xb3: {  	s29 =	simm.s32 $0x9;
	_ =	strace $0x8000004B  }
0xb4: {  	_ =	swait.ge [sflag:s29], $0x1  }
0xb5: {  	[sflag:s29] =	ssyncadd.s32 $0xFFFFFFFF  }
0xb6: {  	_ =	strace $0x9000004B  }
0xb7: {  	_ =	sfence  }
0xb8: {  	s30 =	sld [smem:$0x0];
	_ =	sdelay $0x2  }
0xb9: {  	s31 =	sshll.u32 s1, $0xD;
	s1 =	sshrl.u32 s1, $0x2  }
0xba: {  	s3 =	sand.u32 $0x4000, s31;
	s1 =	sadd.s32 s1, s30  }
0xbb: {  	s0 =	sor.u32 s3, s0;
	s1 =	sshll.u32 s1, $0x11  }
0xbc: {  	s0 =	sor.u32 s1, s0  }
0xbd: {  	s0 =	sadd.s32 $0x8F2B, s0  }
0xbe: {  	[sflag:s0] =	ssyncadd.remote.s32 $0x1  }
0xbf: {  	_ =	sfence.sel $0xFFFF  }
0xc0: {  	[dreg:$0x0] =	wrdreg $0xFFFFFFFF;
	(pc) =	sbr.abs _section_cstart, $3  }
0xc1: {  	[dreg:$0x1] =	wrdreg $0xFFFFFFFF  }
0xc2: {  	_ =	task.clear_ibuf [dreg:s7], $0x2FFFF;
	_ =	strace $0x9FFFFFFF  }
0xc3: {  	(tm) =	ssettm $0x7FFFFFFF  }
tec
execute0_lowered:
.L_overlay_start_1:
0x0: {  	(tag) =	ssettag $0x1  }
0x1: {  	s0 =	rddreg [dreg:$0x0]  }
0x2: {  	s2 =	rddreg [dreg:$0x1]  }
0x3: {  	s3 =	rddreg [dreg:$0x2]  }
0x4: {  	s1 =	srdreg.scid;
	s12 =	stileid.u32;
	s5 =	simm.s32 $0x0  }
0x5: {  	s28 =	simm.s32 $0x3100;
	s29 =	simm.s32 $0x7600;
	s30 =	simm.s32 $0x3200  }
0x6: {  	s31 =	simm.s32 $0x3;
	s15 =	simm.s32 $0x5;
	s1 =	sand.u32 $0x1, s1  }
0x7: {  	s4 =	smul.u32 $0x280, s12;
	[smem:$0x7FF] =	sst s5;
	s5 =	sadd.s32 $0x19E00, s0  }
0x8: {  	s6 =	sadd.s32 $0xD400, s0;
	s7 =	sadd.s32 $0xDE00, s0;
	s10 =	smul.u32 $0x50000, s12  }
0x9: {  	s12 =	sshll.u32 s12, $0x1;
	s8 =	smul.u32 $0x2800, s1;
	s11 =	ssub.s32 $0x2, s1  }
0xa: {  	_ =	strace $0x8000004A;
	s16 =	sshrl.u32 s11, $0x1;
	s10 =	sshrl.u32 s10, $0x2  }
0xb: {  	s9 =	sadd.s32 s4, s8;
	s13 =	sadd.s32 s10, s3;
	s4 =	sshrl.u32 s4, $0x3  }
0xc: {  	s11 =	ssub.s32 s11, s16;
	s17 =	sadd.s32 s6, s4;
	[dreg:$0x4] =	wrdreg s13  }
0xd: {  	s1 =	sor.u32 s1, s12;
	s26 =	smax.u32 s11, $0x1;
	[dreg:$0x9] =	wrdreg s17  }
0xe: {  	s14 =	smul.u32 $0x3, s1;
	s18 =	sadd.s32 $0x4000, s13;
	[dreg:$0xf] =	wrdreg s26  }
0xf: {  	s8 =	sadd.s32 $0x1400, s0;
	s19 =	sadd.s32 $0x8000, s13;
	[dreg:$0x5] =	wrdreg s18  }
0x10: {  	s9 =	sshll.u32 s9, $0x4;
	s20 =	sadd.s32 $0xC000, s13;
	[dreg:$0x6] =	wrdreg s19  }
0x11: {  	s21 =	sadd.s32 $0x10000, s13;
	s0 =	sadd.s32 s9, s0;
	[dreg:$0x7] =	wrdreg s20  }
0x12: {  	s1 =	simm.s32 $0x4;
	[dreg:$0x8] =	wrdreg s21;
	s22 =	sadd.s32 $0x41E00, s0  }
0x13: {  	s16 =	simm.s32 $0x6;
	s23 =	sadd.s32 $0x42600, s0;
	[dreg:$0xa] =	wrdreg s22  }
0x14: {  	s4 =	simm.s32 $0x2;
	s24 =	sadd.s32 $0x42E00, s0;
	[dreg:$0xb] =	wrdreg s23  }
0x15: {  	s26 =	simm.s32 $0x80;
	s25 =	sadd.s32 $0x43600, s0;
	[dreg:$0xc] =	wrdreg s24  }
0x16: {  	s17 =	simm.s32 $0x0;
	s0 =	sadd.s32 $0x43E00, s0;
	[dreg:$0xd] =	wrdreg s25  }
0x17: {  	[dreg:$0xe] =	wrdreg s0;
	s22 =	simm.s32 $0x3600;
	s23 =	simm.s32 $0x7  }
0x18: {  	v0 =	vimm.f32 $0.0e+00;
	s24 =	simm.s32 $0x1000;
	s25 =	simm.s32 $0x2000;
	s0 =	simm.s32 $0x1  }
.LBB2_1:
0x19: {  	s10 =	simm.s32 $0x0;
	s11 =	simm.s32 $0x200  }
.LBB2_2:
0x1a: {  	p0 =	sne.s32 s11, $0xFE00;
	[tilespmem:s10+$0x3670] =	vst v0  }
0x1b: {  	[tilespmem:s10+$0x3600] =	vst v0  }
0x1c: {  	[tilespmem:s10+$0x3610] =	vst v0  }
.Ltmp0:
0x1d: {  	[tilespmem:s10+$0x3620] =	vst v0;
	(pc) =	sbr.rel @p0 .LBB2_2-.Ltmp0, $4  }
0x1e: {  	[tilespmem:s10+$0x3630] =	vst v0  }
0x1f: {  	[tilespmem:s10+$0x3640] =	vst v0  }
0x20: {  	[tilespmem:s10+$0x3650] =	vst v0  }
0x21: {  	[tilespmem:s10+$0x3660] =	vst v0;
	s10 =	sshra.s32 s11, $0x2;
	s11 =	sadd.s32 $0x200, s11  }
0x22: {  	[tilespmem:s10+$0x3670] =	vst v0  }
0x23: {  	[tilespmem:s10+$0x3600] =	vst v0  }
0x24: {  	[tilespmem:s10+$0x3610] =	vst v0  }
0x25: {  	[tilespmem:s10+$0x3620] =	vst v0  }
0x26: {  	[tilespmem:s10+$0x3630] =	vst v0  }
0x27: {  	[tilespmem:s10+$0x3640] =	vst v0  }
0x28: {  	[tilespmem:s10+$0x3650] =	vst v0  }
0x29: {  	[tilespmem:s10+$0x3660] =	vst v0  }
0x2a: {  	[spmem:s13] =	stream.linear.scatter [tilespmem:s22], [sflag:$0x7], $0x4000, $0x38;
	[tilespmem:$0x1F600] =	vst v63  }
0x2b: {  	_ =	swait.ge [sflag:s23], $0x4000  }
0x2c: {  	[sflag:s23] =	ssyncset.done $0x0  }
0x2d: {  	[sflag:s23] =	ssyncadd.s32 $0xFFFFC000  }
0x2e: {  	[spmem:s18] =	stream.linear.scatter [tilespmem:s22], [sflag:$0x7], $0x4000, $0x38;
	[tilespmem:$0x1F600] =	vst v63  }
0x2f: {  	_ =	swait.ge [sflag:s23], $0x4000  }
0x30: {  	[sflag:s23] =	ssyncset.done $0x0  }
0x31: {  	[sflag:s23] =	ssyncadd.s32 $0xFFFFC000  }
0x32: {  	[spmem:s19] =	stream.linear.scatter [tilespmem:s22], [sflag:$0x7], $0x4000, $0x38;
	[tilespmem:$0x1F600] =	vst v63  }
0x33: {  	_ =	swait.ge [sflag:s23], $0x4000  }
0x34: {  	[sflag:s23] =	ssyncset.done $0x0  }
0x35: {  	[sflag:s23] =	ssyncadd.s32 $0xFFFFC000  }
0x36: {  	[spmem:s20] =	stream.linear.scatter [tilespmem:s22], [sflag:$0x7], $0x4000, $0x38;
	[tilespmem:$0x1F600] =	vst v63  }
0x37: {  	_ =	swait.ge [sflag:s23], $0x4000  }
0x38: {  	[sflag:s23] =	ssyncset.done $0x0  }
0x39: {  	[sflag:s23] =	ssyncadd.s32 $0xFFFFC000  }
0x3a: {  	[spmem:s21] =	stream.linear.scatter [tilespmem:s22], [sflag:$0x7], $0x4000, $0x38;
	[tilespmem:$0x1F600] =	vst v63  }
0x3b: {  	_ =	swait.ge [sflag:s23], $0x4000  }
0x3c: {  	[sflag:s23] =	ssyncset.done $0x0  }
0x3d: {  	[sflag:s23] =	ssyncadd.s32 $0xFFFFC000  }
0x3e: {  	s18 =	simm.s32 $0x0;
	s19 =	simm.s32 $0x0;
	[bflag:$0x0] =	sbarrier.arrive $0xFFFF  }
.LBB2_4:
0x3f: {  	s10 =	sadd.s32 s14, s19  }
0x40: {  	s10 =	sshll.u32 s10, $0x9  }
0x41: {  	s11 =	sadd.s32 s7, s10  }
0x42: {  	[tilespmem:s18], [sflag:$0x7] =	stream.linear.gather [hbm4b:s11+s18], $0xE00, $0x38;
	[tilespmem:$0x1F600] =	vst v63  }
0x43: {  	_ =	swait.ge [sflag:s23], $0xE00  }
0x44: {  	[sflag:s23] =	ssyncset.done $0x0  }
0x45: {  	s21 =	sadd.s32 s2, s10;
	[sflag:s23] =	ssyncadd.s32 $0xFFFFF200  }
0x46: {  	[tilespmem:s24], [sflag:$0x7] =	stream.linear.gather [hbm4b:s21+s18], $0xE00, $0x38;
	[tilespmem:$0x1F600] =	vst v63  }
0x47: {  	_ =	swait.ge [sflag:s23], $0xE00  }
0x48: {  	[sflag:s23] =	ssyncset.done $0x0  }
0x49: {  	s10 =	sadd.s32 s8, s10;
	[sflag:s23] =	ssyncadd.s32 $0xFFFFF200  }
0x4a: {  	[tilespmem:s25], [sflag:$0x7] =	stream.linear.gather [hbm4b:s10+s18], $0xE00, $0x38;
	[tilespmem:$0x1F600] =	vst v63  }
0x4b: {  	_ =	swait.ge [sflag:s23], $0xE00  }
0x4c: {  	[sflag:s23] =	ssyncset.done $0x0  }
0x4d: {  	[sflag:s23] =	ssyncadd.s32 $0xFFFFF200  }
0x4e: {  	[tilespmem:s22], [sflag:$0x1] =	stream.indirect.gather [hbm4b:s5+s26], $0x80, s18, s26, $0xb8;
	[tilespmem:$0x1F600] =	vst v63  }
0x4f: {  	s20 =	simm.s32 $0x0  }
0x50: {  	[tilespmem:s28], [sflag:$0x3] =	stream.indirect.gather [hbm4b:s6+s26], $0x1, s18, s26, $0xb8;
	[tilespmem:$0x1F600] =	vst v63  }
.LBB2_5:
0x51: {  	p0 =	seq.s32 s20, $0x0  }
0x52: {  	s11 =	simm.s32 @!p0 $0x6  }
0x53: {  	_ =	swait.ge @!p0 [sflag:s11], $0x4000  }
0x54: {  	s10 =	sshll.u32 s20, $0x8;
	[sflag:s11] =	ssyncset.done @!p0 $0x0  }
0x55: {  	s21 =	sor.u32 $0x80, s10;
	[sflag:s11] =	ssyncadd.s32 @!p0 $0xFFFFC000  }
0x56: {  	[tilespmem:s29], [sflag:$0x2] =	stream.indirect.gather [hbm4b:s5+s26], $0x80, s21, s26, $0xb8;
	[tilespmem:$0x1F600] =	vst v63  }
0x57: {  	_ = 	snop  }
0x58: {  	[tilespmem:s30], [sflag:$0x4] =	stream.indirect.gather [hbm4b:s6+s26], $0x1, s21, s26, $0xb8;
	[tilespmem:$0x1F600] =	vst v63  }
0x59: {  	_ =	swait.ge [sflag:s31], $0x80  }
0x5a: {  	[sflag:s31] =	ssyncset.done $0x0  }
0x5b: {  	[sflag:s31] =	ssyncadd.s32 $0xFFFFFF80  }
0x5c: {  	v1 =	vld [tilespmem:s10+$0x2000]  }
0x5d: {  	v2 =	vld [tilespmem:$0x3100];
	_ =	sdelay $0x4  }
0x5e: {  	v1 =	vmul.f32 v2, v1;
	_ =	sdelay $0x1  }
0x5f: {  	v2 =	vld [tilespmem:$0x3110];
	[tilespmem:$0x3000] =	vst v1  }
0x60: {  	v1 =	vld [tilespmem:s10+$0x2010];
	_ =	sdelay $0x4  }
0x61: {  	v1 =	vmul.f32 v2, v1;
	_ =	sdelay $0x1  }
0x62: {  	v2 =	vld [tilespmem:$0x3120];
	[tilespmem:$0x3010] =	vst v1  }
0x63: {  	v1 =	vld [tilespmem:s10+$0x2020];
	_ =	sdelay $0x4  }
0x64: {  	v1 =	vmul.f32 v2, v1;
	_ =	sdelay $0x1  }
0x65: {  	v2 =	vld [tilespmem:$0x3130];
	[tilespmem:$0x3020] =	vst v1  }
0x66: {  	v1 =	vld [tilespmem:s10+$0x2030];
	_ =	sdelay $0x4  }
0x67: {  	v1 =	vmul.f32 v2, v1;
	_ =	sdelay $0x1  }
0x68: {  	v2 =	vld [tilespmem:$0x3140];
	[tilespmem:$0x3030] =	vst v1  }
0x69: {  	v1 =	vld [tilespmem:s10+$0x2040];
	_ =	sdelay $0x4  }
0x6a: {  	v1 =	vmul.f32 v2, v1;
	_ =	sdelay $0x1  }
0x6b: {  	v2 =	vld [tilespmem:$0x3150];
	[tilespmem:$0x3040] =	vst v1  }
0x6c: {  	v1 =	vld [tilespmem:s10+$0x2050];
	_ =	sdelay $0x4  }
0x6d: {  	v1 =	vmul.f32 v2, v1;
	_ =	sdelay $0x1  }
0x6e: {  	v2 =	vld [tilespmem:$0x3160];
	[tilespmem:$0x3050] =	vst v1  }
0x6f: {  	v1 =	vld [tilespmem:s10+$0x2060];
	_ =	sdelay $0x4  }
0x70: {  	v1 =	vmul.f32 v2, v1;
	_ =	sdelay $0x1  }
0x71: {  	v2 =	vld [tilespmem:$0x3170];
	[tilespmem:$0x3060] =	vst v1  }
0x72: {  	v1 =	vld [tilespmem:s10+$0x2070];
	_ =	sdelay $0x4  }
0x73: {  	v1 =	vmul.f32 v2, v1;
	_ =	sdelay $0x1  }
0x74: {  	[tilespmem:$0x3070] =	vst v1  }
0x75: {  	_ =	swait.ge [sflag:s0], $0x4000  }
0x76: {  	[sflag:s0] =	ssyncset.done $0x0  }
0x77: {  	s11 =	simm.s32 $0x3640;
	[sflag:s0] =	ssyncadd.s32 $0xFFFFC000  }
0x78: {  	v5 =	vld [tilespmem:s11+$0x30]  }
0x79: {  	v8 =	vld [tilespmem:s11+$0x10]  }
0x7a: {  	s12 =	simm.s32 $0x0;
	v6 =	vld [tilespmem:s11+$0xFFFFFFC0]  }
0x7b: {  	v2 =	vld.msk [tilespmem:s12+$0x3000 ss:$0x0], $0xffff  }
0x7c: {  	v10 =	vld [tilespmem:s11+$0xFFFFFFE0]  }
0x7d: {  	v1 =	vld [tilespmem:s11+$0xFFFFFFF0]  }
0x7e: {  	v3 =	vld [tilespmem:s11+$0x20]  }
0x7f: {  	v4 =	vld [tilespmem:s11+$0xFFFFFFD0]  }
0x80: {  	v9 =	vmul.f32 v5, v2;
	v5 =	vld [tilespmem:s11+$0x0]  }
0x81: {  	v7 =	vmul.f32 v2, v6  }
0x82: {  	s13 =	simm.s32 $0x3640;
	s12 =	simm.s32 $0x4;
	v6 =	vmul.f32 v10, v2;
	v8 =	vmul.f32 v8, v2  }
.LBB2_6:
0x83: {  	p0 =	sne.s32 s12, $0x1FC  }
0x84: {  	v4 =	vmul.f32 v4, v2;
	v3 =	vmul.f32 v3, v2;
	[tilespmem:s11+$0x30] =	vst v9;
	s13 =	sadd.s32 $0x80, s13;
	s9 =	smov.u32 s12;
	s12 =	sadd.s32 $0x4, s12  }
0x85: {  	[tilespmem:s11+$0xFFFFFFC0] =	vst v7;
	v7 =	vmul.f32 v1, v2;
	v2 =	vmul.f32 v5, v2  }
0x86: {  	[tilespmem:s11+$0x10] =	vst v8  }
0x87: {  	[tilespmem:s11+$0xFFFFFFE0] =	vst v6  }
0x88: {  	v1 =	vld [tilespmem:s13+$0xFFFFFFF0];
	[tilespmem:s11+$0xFFFFFFF0] =	vst v7  }
0x89: {  	v6 =	vld [tilespmem:s13+$0x30];
	[tilespmem:s11+$0x0] =	vst v2  }
0x8a: {  	v8 =	vld [tilespmem:s13+$0x10];
	[tilespmem:s11+$0x20] =	vst v3  }
0x8b: {  	s9 =	sshra.s32 s9, $0x2;
	v7 =	vld [tilespmem:s13+$0xFFFFFFC0];
	[tilespmem:s11+$0xFFFFFFD0] =	vst v4;
	s11 =	smov.u32 s13  }
0x8c: {  	v2 =	vld.msk [tilespmem:s9+$0x3000 ss:$0x0], $0xffff  }
0x8d: {  	v10 =	vld [tilespmem:s13+$0xFFFFFFE0]  }
0x8e: {  	v3 =	vld [tilespmem:s13+$0x20]  }
.Ltmp1:
0x8f: {  	v4 =	vld [tilespmem:s13+$0xFFFFFFD0];
	(pc) =	sbr.rel @p0 .LBB2_6-.Ltmp1, $3  }
0x90: {  	v5 =	vld [tilespmem:s13+$0x0];
	_ =	sdelay $0x1  }
0x91: {  	v7 =	vmul.f32 v2, v7;
	v9 =	vmul.f32 v6, v2  }
0x92: {  	v8 =	vmul.f32 v8, v2;
	v6 =	vmul.f32 v10, v2  }
0x93: {  	[tilespmem:s11+$0x30] =	vst v9  }
0x94: {  	[tilespmem:s11+$0xFFFFFFC0] =	vst v7  }
0x95: {  	v1 =	vmul.f32 v1, v2;
	[tilespmem:s11+$0x10] =	vst v8  }
0x96: {  	v3 =	vmul.f32 v3, v2;
	[tilespmem:s11+$0xFFFFFFE0] =	vst v6  }
0x97: {  	v5 =	vmul.f32 v5, v2;
	[tilespmem:s11+$0xFFFFFFF0] =	vst v1  }
0x98: {  	v1 =	vmul.f32 v4, v2;
	[tilespmem:s11+$0x20] =	vst v3  }
0x99: {  	[tilespmem:s11+$0x0] =	vst v5  }
0x9a: {  	s9 =	sadd.s32 $0x1000, s10;
	[tilespmem:s11+$0xFFFFFFD0] =	vst v1  }
0x9b: {  	[spmem:s3] =	stream.indirect.scatter.add.f32 [tilespmem:s22], [sflag:$0x5], $0x80, s9, s26, $0xb8;
	[tilespmem:$0x1F600] =	vst v63  }
0x9c: {  	_ =	swait.ge [sflag:s1], $0x80  }
0x9d: {  	[sflag:s1] =	ssyncset.done $0x0  }
0x9e: {  	[sflag:s1] =	ssyncadd.s32 $0xFFFFFF80  }
0x9f: {  	v1 =	vld [tilespmem:s21+$0x2000]  }
0xa0: {  	v2 =	vld [tilespmem:$0x3200];
	_ =	sdelay $0x4  }
0xa1: {  	v1 =	vmul.f32 v2, v1;
	_ =	sdelay $0x1  }
0xa2: {  	v2 =	vld [tilespmem:$0x3210];
	[tilespmem:$0x3000] =	vst v1  }
0xa3: {  	v1 =	vld [tilespmem:s10+$0x2090];
	_ =	sdelay $0x4  }
0xa4: {  	v1 =	vmul.f32 v2, v1;
	_ =	sdelay $0x1  }
0xa5: {  	v2 =	vld [tilespmem:$0x3220];
	[tilespmem:$0x3010] =	vst v1  }
0xa6: {  	v1 =	vld [tilespmem:s10+$0x20A0];
	_ =	sdelay $0x4  }
0xa7: {  	v1 =	vmul.f32 v2, v1;
	_ =	sdelay $0x1  }
0xa8: {  	v2 =	vld [tilespmem:$0x3230];
	[tilespmem:$0x3020] =	vst v1  }
0xa9: {  	v1 =	vld [tilespmem:s10+$0x20B0];
	_ =	sdelay $0x4  }
0xaa: {  	v1 =	vmul.f32 v2, v1;
	_ =	sdelay $0x1  }
0xab: {  	v2 =	vld [tilespmem:$0x3240];
	[tilespmem:$0x3030] =	vst v1  }
0xac: {  	v1 =	vld [tilespmem:s10+$0x20C0];
	_ =	sdelay $0x4  }
0xad: {  	v1 =	vmul.f32 v2, v1;
	_ =	sdelay $0x1  }
0xae: {  	v2 =	vld [tilespmem:$0x3250];
	[tilespmem:$0x3040] =	vst v1  }
0xaf: {  	v1 =	vld [tilespmem:s10+$0x20D0];
	_ =	sdelay $0x4  }
0xb0: {  	v1 =	vmul.f32 v2, v1;
	_ =	sdelay $0x1  }
0xb1: {  	v2 =	vld [tilespmem:$0x3260];
	[tilespmem:$0x3050] =	vst v1  }
0xb2: {  	v1 =	vld [tilespmem:s10+$0x20E0];
	_ =	sdelay $0x4  }
0xb3: {  	v1 =	vmul.f32 v2, v1;
	_ =	sdelay $0x1  }
0xb4: {  	v2 =	vld [tilespmem:$0x3270];
	[tilespmem:$0x3060] =	vst v1  }
0xb5: {  	v1 =	vld [tilespmem:s10+$0x20F0];
	_ =	sdelay $0x4  }
0xb6: {  	v1 =	vmul.f32 v2, v1;
	_ =	sdelay $0x1  }
0xb7: {  	[tilespmem:$0x3070] =	vst v1  }
0xb8: {  	_ =	swait.ge [sflag:s4], $0x4000  }
0xb9: {  	[sflag:s4] =	ssyncset.done $0x0  }
0xba: {  	s10 =	simm.s32 $0x7640;
	[sflag:s4] =	ssyncadd.s32 $0xFFFFC000  }
0xbb: {  	v5 =	vld [tilespmem:s10+$0x30]  }
0xbc: {  	v8 =	vld [tilespmem:s10+$0x10]  }
0xbd: {  	s13 =	simm.s32 $0x0;
	v6 =	vld [tilespmem:s10+$0xFFFFFFC0]  }
0xbe: {  	v2 =	vld.msk [tilespmem:s13+$0x3000 ss:$0x0], $0xffff  }
0xbf: {  	v10 =	vld [tilespmem:s10+$0xFFFFFFE0]  }
0xc0: {  	v1 =	vld [tilespmem:s10+$0xFFFFFFF0]  }
0xc1: {  	v3 =	vld [tilespmem:s10+$0x20]  }
0xc2: {  	v4 =	vld [tilespmem:s10+$0xFFFFFFD0]  }
0xc3: {  	v9 =	vmul.f32 v5, v2;
	v5 =	vld [tilespmem:s10+$0x0]  }
0xc4: {  	v7 =	vmul.f32 v2, v6  }
0xc5: {  	s12 =	simm.s32 $0x7640;
	s11 =	simm.s32 $0x4;
	v6 =	vmul.f32 v10, v2;
	v8 =	vmul.f32 v8, v2  }
.LBB2_8:
0xc6: {  	p0 =	sne.s32 s11, $0x1FC  }
0xc7: {  	v4 =	vmul.f32 v4, v2;
	v3 =	vmul.f32 v3, v2;
	[tilespmem:s10+$0x30] =	vst v9;
	s12 =	sadd.s32 $0x80, s12;
	s9 =	smov.u32 s11;
	s11 =	sadd.s32 $0x4, s11  }
0xc8: {  	[tilespmem:s10+$0xFFFFFFC0] =	vst v7;
	v7 =	vmul.f32 v1, v2;
	v2 =	vmul.f32 v5, v2  }
0xc9: {  	[tilespmem:s10+$0x10] =	vst v8  }
0xca: {  	[tilespmem:s10+$0xFFFFFFE0] =	vst v6  }
0xcb: {  	v1 =	vld [tilespmem:s12+$0xFFFFFFF0];
	[tilespmem:s10+$0xFFFFFFF0] =	vst v7  }
0xcc: {  	v6 =	vld [tilespmem:s12+$0x30];
	[tilespmem:s10+$0x0] =	vst v2  }
0xcd: {  	v8 =	vld [tilespmem:s12+$0x10];
	[tilespmem:s10+$0x20] =	vst v3  }
0xce: {  	s9 =	sshra.s32 s9, $0x2;
	v7 =	vld [tilespmem:s12+$0xFFFFFFC0];
	[tilespmem:s10+$0xFFFFFFD0] =	vst v4;
	s10 =	smov.u32 s12  }
0xcf: {  	v2 =	vld.msk [tilespmem:s9+$0x3000 ss:$0x0], $0xffff  }
0xd0: {  	v10 =	vld [tilespmem:s12+$0xFFFFFFE0]  }
0xd1: {  	v3 =	vld [tilespmem:s12+$0x20]  }
.Ltmp2:
0xd2: {  	v4 =	vld [tilespmem:s12+$0xFFFFFFD0];
	(pc) =	sbr.rel @p0 .LBB2_8-.Ltmp2, $3  }
0xd3: {  	v5 =	vld [tilespmem:s12+$0x0];
	_ =	sdelay $0x1  }
0xd4: {  	v7 =	vmul.f32 v2, v7;
	v9 =	vmul.f32 v6, v2  }
0xd5: {  	v8 =	vmul.f32 v8, v2;
	v6 =	vmul.f32 v10, v2  }
0xd6: {  	[tilespmem:s10+$0x30] =	vst v9  }
0xd7: {  	[tilespmem:s10+$0xFFFFFFC0] =	vst v7  }
0xd8: {  	v1 =	vmul.f32 v1, v2;
	[tilespmem:s10+$0x10] =	vst v8  }
0xd9: {  	v3 =	vmul.f32 v3, v2;
	[tilespmem:s10+$0xFFFFFFE0] =	vst v6  }
0xda: {  	v5 =	vmul.f32 v5, v2;
	[tilespmem:s10+$0xFFFFFFF0] =	vst v1  }
0xdb: {  	v1 =	vmul.f32 v4, v2;
	[tilespmem:s10+$0x20] =	vst v3  }
0xdc: {  	[tilespmem:s10+$0x0] =	vst v5  }
0xdd: {  	s9 =	sadd.s32 $0x1000, s21;
	p0 =	seq.s32 s20, $0xD;
	[tilespmem:s10+$0xFFFFFFD0] =	vst v1  }
0xde: {  	[spmem:s3] =	stream.indirect.scatter.add.f32 [tilespmem:s29], [sflag:$0x6], $0x80, s9, s26, $0xb8;
	[tilespmem:$0x1F600] =	vst v63  }
0xdf: {  	s9 =	simm.s32 @!p0 $0x5  }
0xe0: {  	_ =	swait.ge @!p0 [sflag:s9], $0x4000  }
0xe1: {  	s10 =	sshll.u32 @!p0 s20, $0x8;
	[sflag:s9] =	ssyncset.done @!p0 $0x0  }
0xe2: {  	s11 =	simm.s32 @!p0 $0x3600;
	[sflag:s9] =	ssyncadd.s32 @!p0 $0xFFFFC000;
	s9 =	sand.u32 @!p0 $0x3FFFFF00, s10  }
0xe3: {  	s20 =	sadd.s32 @!p0 $0x1, s20;
	s10 =	simm.s32 @!p0 $0x80;
	s9 =	sadd.s32 @!p0 $0x100, s9  }
0xe4: {  	[tilespmem:s11], [sflag:$0x1] =	stream.indirect.gather @!p0 [hbm4b:s5+s10], $0x80, s9, s10, $0xb8;
	[tilespmem:$0x1F600] =	vst v63  }
0xe5: {  	p1 =	sne.s32 @!p0 s20, $0xE;
	s11 =	simm.s32 @!p0 $0x3100  }
0xe6: {  	[tilespmem:s11], [sflag:$0x3] =	stream.indirect.gather @!p0 [hbm4b:s6+s10], $0x1, s9, s10, $0xb8;
	[tilespmem:$0x1F600] =	vst v63  }
0xe7: {  	p0 =	por p0, !p1  }
.Ltmp3:
0xe8: {  	_ = 	snop;
	(pc) =	sbr.rel @!p0 .LBB2_5-.Ltmp3, $1  }
0xe9: {  	_ =	sdelay $0x3  }
0xea: {  	s19 =	sadd.s32 $0x1, s19  }
0xeb: {  	_ =	swait.ge [sflag:s15], $0x4000;
	p0 =	sne.s32 s19, $0x3  }
.Ltmp4:
0xec: {  	[sflag:s15] =	ssyncset.done $0x0;
	(pc) =	sbr.rel @p0 .LBB2_4-.Ltmp4, $4  }
0xed: {  	[sflag:s15] =	ssyncadd.s32 $0xFFFFC000  }
0xee: {  	_ =	swait.ge [sflag:s16], $0x4000  }
0xef: {  	[sflag:s16] =	ssyncset.done $0x0  }
0xf0: {  	[sflag:s16] =	ssyncadd.s32 $0xFFFFC000  }
0xf1: {  	[bflag:$0x0] =	sbarrier.arrive $0xFFFF  }
0xf2: {  	s9 =	simm.s32 $0x0;
	s11 =	simm.s32 $0x3300;
	s10 =	rddreg [dreg:$0x9]  }
0xf3: {  	[tilespmem:s11], [sflag:$0x7] =	stream.linear.gather [hbm4b:s10+s9], $0x280, $0x38;
	[tilespmem:$0x1F600] =	vst v63  }
0xf4: {  	_ =	swait.ge [sflag:s23], $0x280  }
0xf5: {  	[sflag:s23] =	ssyncset.done $0x0  }
0xf6: {  	s13 =	rddreg [dreg:$0x4];
	[sflag:s23] =	ssyncadd.s32 $0xFFFFFD80  }
0xf7: {  	[tilespmem:s22], [sflag:$0x1] =	stream.linear.gather [spmem:s13], $0x4000, $0x38;
	[tilespmem:$0x1F600] =	vst v63  }
0xf8: {  	_ =	swait.ge [sflag:s0], $0x4000  }
0xf9: {  	[sflag:s0] =	ssyncset.done $0x0  }
0xfa: {  	s10 =	simm.s32 $0x3640;
	s18 =	rddreg [dreg:$0x5];
	[sflag:s0] =	ssyncadd.s32 $0xFFFFC000  }
0xfb: {  	[tilespmem:s29], [sflag:$0x2] =	stream.linear.gather [spmem:s18], $0x4000, $0x38;
	[tilespmem:$0x1F600] =	vst v63  }
0xfc: {  	v5 =	vld [tilespmem:s10+$0x30]  }
0xfd: {  	v8 =	vld [tilespmem:s10+$0x10]  }
0xfe: {  	s21 =	simm.s32 $0x0;
	v6 =	vld [tilespmem:s10+$0xFFFFFFC0]  }
0xff: {  	v2 =	vld.msk [tilespmem:s21+$0x3300 ss:$0x0], $0xffff  }
0x100: {  	v10 =	vld [tilespmem:s10+$0xFFFFFFE0]  }
0x101: {  	v1 =	vld [tilespmem:s10+$0xFFFFFFF0]  }
0x102: {  	v3 =	vld [tilespmem:s10+$0x20]  }
0x103: {  	v4 =	vld [tilespmem:s10+$0xFFFFFFD0]  }
0x104: {  	v9 =	vmul.f32 v5, v2;
	v5 =	vld [tilespmem:s10+$0x0]  }
0x105: {  	v7 =	vmul.f32 v2, v6  }
0x106: {  	s12 =	simm.s32 $0x3640;
	s11 =	simm.s32 $0x4;
	v6 =	vmul.f32 v10, v2;
	v8 =	vmul.f32 v8, v2  }
.LBB2_12:
0x107: {  	p0 =	sne.s32 s11, $0x1FC  }
0x108: {  	v4 =	vmul.f32 v4, v2;
	v3 =	vmul.f32 v3, v2;
	[tilespmem:s10+$0x30] =	vst v9;
	s12 =	sadd.s32 $0x80, s12;
	s9 =	smov.u32 s11;
	s11 =	sadd.s32 $0x4, s11  }
0x109: {  	[tilespmem:s10+$0xFFFFFFC0] =	vst v7;
	v7 =	vmul.f32 v1, v2;
	v2 =	vmul.f32 v5, v2  }
0x10a: {  	[tilespmem:s10+$0x10] =	vst v8  }
0x10b: {  	[tilespmem:s10+$0xFFFFFFE0] =	vst v6  }
0x10c: {  	v1 =	vld [tilespmem:s12+$0xFFFFFFF0];
	[tilespmem:s10+$0xFFFFFFF0] =	vst v7  }
0x10d: {  	v6 =	vld [tilespmem:s12+$0x30];
	[tilespmem:s10+$0x0] =	vst v2  }
0x10e: {  	v8 =	vld [tilespmem:s12+$0x10];
	[tilespmem:s10+$0x20] =	vst v3  }
0x10f: {  	s9 =	sshra.s32 s9, $0x2;
	v7 =	vld [tilespmem:s12+$0xFFFFFFC0];
	[tilespmem:s10+$0xFFFFFFD0] =	vst v4;
	s10 =	smov.u32 s12  }
0x110: {  	v2 =	vld.msk [tilespmem:s9+$0x3300 ss:$0x0], $0xffff  }
0x111: {  	v10 =	vld [tilespmem:s12+$0xFFFFFFE0]  }
0x112: {  	v3 =	vld [tilespmem:s12+$0x20]  }
.Ltmp5:
0x113: {  	v4 =	vld [tilespmem:s12+$0xFFFFFFD0];
	(pc) =	sbr.rel @p0 .LBB2_12-.Ltmp5, $3  }
0x114: {  	v5 =	vld [tilespmem:s12+$0x0];
	_ =	sdelay $0x1  }
0x115: {  	v7 =	vmul.f32 v2, v7;
	v9 =	vmul.f32 v6, v2  }
0x116: {  	v8 =	vmul.f32 v8, v2;
	v6 =	vmul.f32 v10, v2  }
0x117: {  	[tilespmem:s10+$0x30] =	vst v9  }
0x118: {  	[tilespmem:s10+$0xFFFFFFC0] =	vst v7  }
0x119: {  	v1 =	vmul.f32 v1, v2;
	[tilespmem:s10+$0x10] =	vst v8  }
0x11a: {  	v3 =	vmul.f32 v3, v2;
	[tilespmem:s10+$0xFFFFFFE0] =	vst v6  }
0x11b: {  	v5 =	vmul.f32 v5, v2;
	[tilespmem:s10+$0xFFFFFFF0] =	vst v1  }
0x11c: {  	v1 =	vmul.f32 v4, v2;
	[tilespmem:s10+$0x20] =	vst v3  }
0x11d: {  	[tilespmem:s10+$0x0] =	vst v5  }
0x11e: {  	s9 =	simm.s32 $0x0;
	s20 =	rddreg [dreg:$0xa];
	[tilespmem:s10+$0xFFFFFFD0] =	vst v1  }
0x11f: {  	[hbm4b:s20+s9] =	stream.linear.scatter [tilespmem:s22], [sflag:$0x5], $0x4000, $0x38;
	[tilespmem:$0x1F600] =	vst v63  }
0x120: {  	_ =	swait.ge [sflag:s4], $0x4000  }
0x121: {  	[sflag:s4] =	ssyncset.done $0x0  }
0x122: {  	[sflag:s4] =	ssyncadd.s32 $0xFFFFC000  }
0x123: {  	_ =	swait.ge [sflag:s15], $0x4000  }
0x124: {  	[sflag:s15] =	ssyncset.done $0x0  }
0x125: {  	s10 =	simm.s32 $0x7640;
	s19 =	rddreg [dreg:$0x6];
	[sflag:s15] =	ssyncadd.s32 $0xFFFFC000  }
0x126: {  	[tilespmem:s22], [sflag:$0x1] =	stream.linear.gather [spmem:s19], $0x4000, $0x38;
	[tilespmem:$0x1F600] =	vst v63  }
0x127: {  	v5 =	vld [tilespmem:s10+$0x30]  }
0x128: {  	v8 =	vld [tilespmem:s10+$0x10]  }
0x129: {  	s21 =	simm.s32 $0x0;
	v6 =	vld [tilespmem:s10+$0xFFFFFFC0]  }
0x12a: {  	v2 =	vld.msk [tilespmem:s21+$0x3380 ss:$0x0], $0xffff  }
0x12b: {  	v10 =	vld [tilespmem:s10+$0xFFFFFFE0]  }
0x12c: {  	v1 =	vld [tilespmem:s10+$0xFFFFFFF0]  }
0x12d: {  	v3 =	vld [tilespmem:s10+$0x20]  }
0x12e: {  	v4 =	vld [tilespmem:s10+$0xFFFFFFD0]  }
0x12f: {  	v9 =	vmul.f32 v5, v2;
	v5 =	vld [tilespmem:s10+$0x0]  }
0x130: {  	s20 =	rddreg [dreg:$0x7];
	v7 =	vmul.f32 v2, v6  }
0x131: {  	s11 =	simm.s32 $0x4;
	s12 =	simm.s32 $0x7640;
	s21 =	rddreg [dreg:$0x8];
	v6 =	vmul.f32 v10, v2;
	v8 =	vmul.f32 v8, v2  }
.LBB2_14:
0x132: {  	p0 =	sne.s32 s11, $0x1FC  }
0x133: {  	v4 =	vmul.f32 v4, v2;
	v3 =	vmul.f32 v3, v2;
	[tilespmem:s10+$0x30] =	vst v9;
	s12 =	sadd.s32 $0x80, s12;
	s9 =	smov.u32 s11;
	s11 =	sadd.s32 $0x4, s11  }
0x134: {  	[tilespmem:s10+$0xFFFFFFC0] =	vst v7;
	v7 =	vmul.f32 v1, v2;
	v2 =	vmul.f32 v5, v2  }
0x135: {  	[tilespmem:s10+$0x10] =	vst v8  }
0x136: {  	[tilespmem:s10+$0xFFFFFFE0] =	vst v6  }
0x137: {  	v1 =	vld [tilespmem:s12+$0xFFFFFFF0];
	[tilespmem:s10+$0xFFFFFFF0] =	vst v7  }
0x138: {  	v6 =	vld [tilespmem:s12+$0x30];
	[tilespmem:s10+$0x0] =	vst v2  }
0x139: {  	v8 =	vld [tilespmem:s12+$0x10];
	[tilespmem:s10+$0x20] =	vst v3  }
0x13a: {  	s9 =	sshra.s32 s9, $0x2;
	v7 =	vld [tilespmem:s12+$0xFFFFFFC0];
	[tilespmem:s10+$0xFFFFFFD0] =	vst v4;
	s10 =	smov.u32 s12  }
0x13b: {  	v2 =	vld.msk [tilespmem:s9+$0x3380 ss:$0x0], $0xffff  }
0x13c: {  	v10 =	vld [tilespmem:s12+$0xFFFFFFE0]  }
0x13d: {  	v3 =	vld [tilespmem:s12+$0x20]  }
.Ltmp6:
0x13e: {  	v4 =	vld [tilespmem:s12+$0xFFFFFFD0];
	(pc) =	sbr.rel @p0 .LBB2_14-.Ltmp6, $3  }
0x13f: {  	v5 =	vld [tilespmem:s12+$0x0];
	_ =	sdelay $0x1  }
0x140: {  	v7 =	vmul.f32 v2, v7;
	v9 =	vmul.f32 v6, v2  }
0x141: {  	v8 =	vmul.f32 v8, v2;
	v6 =	vmul.f32 v10, v2  }
0x142: {  	[tilespmem:s10+$0x30] =	vst v9  }
0x143: {  	[tilespmem:s10+$0xFFFFFFC0] =	vst v7  }
0x144: {  	v1 =	vmul.f32 v1, v2;
	[tilespmem:s10+$0x10] =	vst v8  }
0x145: {  	v3 =	vmul.f32 v3, v2;
	[tilespmem:s10+$0xFFFFFFE0] =	vst v6  }
0x146: {  	v5 =	vmul.f32 v5, v2;
	[tilespmem:s10+$0xFFFFFFF0] =	vst v1  }
0x147: {  	v1 =	vmul.f32 v4, v2;
	[tilespmem:s10+$0x20] =	vst v3  }
0x148: {  	[tilespmem:s10+$0x0] =	vst v5  }
0x149: {  	s9 =	simm.s32 $0x0;
	s11 =	rddreg [dreg:$0xb];
	[tilespmem:s10+$0xFFFFFFD0] =	vst v1  }
0x14a: {  	[hbm4b:s11+s9] =	stream.linear.scatter [tilespmem:s29], [sflag:$0x6], $0x4000, $0x38;
	[tilespmem:$0x1F600] =	vst v63  }
0x14b: {  	_ =	swait.ge [sflag:s0], $0x4000  }
0x14c: {  	[sflag:s0] =	ssyncset.done $0x0  }
0x14d: {  	[sflag:s0] =	ssyncadd.s32 $0xFFFFC000  }
0x14e: {  	_ =	swait.ge [sflag:s16], $0x4000  }
0x14f: {  	[sflag:s16] =	ssyncset.done $0x0  }
0x150: {  	s10 =	simm.s32 $0x3640;
	[sflag:s16] =	ssyncadd.s32 $0xFFFFC000  }
0x151: {  	[tilespmem:s29], [sflag:$0x2] =	stream.linear.gather [spmem:s20], $0x4000, $0x38;
	[tilespmem:$0x1F600] =	vst v63  }
0x152: {  	v5 =	vld [tilespmem:s10+$0x30]  }
0x153: {  	v8 =	vld [tilespmem:s10+$0x10]  }
0x154: {  	s12 =	simm.s32 $0x0;
	v6 =	vld [tilespmem:s10+$0xFFFFFFC0]  }
0x155: {  	v2 =	vld.msk [tilespmem:s12+$0x3400 ss:$0x0], $0xffff  }
0x156: {  	v10 =	vld [tilespmem:s10+$0xFFFFFFE0]  }
0x157: {  	v1 =	vld [tilespmem:s10+$0xFFFFFFF0]  }
0x158: {  	v3 =	vld [tilespmem:s10+$0x20]  }
0x159: {  	v4 =	vld [tilespmem:s10+$0xFFFFFFD0]  }
0x15a: {  	v9 =	vmul.f32 v5, v2;
	v5 =	vld [tilespmem:s10+$0x0]  }
0x15b: {  	v7 =	vmul.f32 v2, v6  }
0x15c: {  	s11 =	simm.s32 $0x4;
	s12 =	simm.s32 $0x3640;
	v6 =	vmul.f32 v10, v2;
	v8 =	vmul.f32 v8, v2  }
.LBB2_16:
0x15d: {  	p0 =	sne.s32 s11, $0x1FC  }
0x15e: {  	v4 =	vmul.f32 v4, v2;
	v3 =	vmul.f32 v3, v2;
	[tilespmem:s10+$0x30] =	vst v9;
	s12 =	sadd.s32 $0x80, s12;
	s9 =	smov.u32 s11;
	s11 =	sadd.s32 $0x4, s11  }
0x15f: {  	[tilespmem:s10+$0xFFFFFFC0] =	vst v7;
	v7 =	vmul.f32 v1, v2;
	v2 =	vmul.f32 v5, v2  }
0x160: {  	[tilespmem:s10+$0x10] =	vst v8  }
0x161: {  	[tilespmem:s10+$0xFFFFFFE0] =	vst v6  }
0x162: {  	v1 =	vld [tilespmem:s12+$0xFFFFFFF0];
	[tilespmem:s10+$0xFFFFFFF0] =	vst v7  }
0x163: {  	v6 =	vld [tilespmem:s12+$0x30];
	[tilespmem:s10+$0x0] =	vst v2  }
0x164: {  	v8 =	vld [tilespmem:s12+$0x10];
	[tilespmem:s10+$0x20] =	vst v3  }
0x165: {  	s9 =	sshra.s32 s9, $0x2;
	v7 =	vld [tilespmem:s12+$0xFFFFFFC0];
	[tilespmem:s10+$0xFFFFFFD0] =	vst v4;
	s10 =	smov.u32 s12  }
0x166: {  	v2 =	vld.msk [tilespmem:s9+$0x3400 ss:$0x0], $0xffff  }
0x167: {  	v10 =	vld [tilespmem:s12+$0xFFFFFFE0]  }
0x168: {  	v3 =	vld [tilespmem:s12+$0x20]  }
.Ltmp7:
0x169: {  	v4 =	vld [tilespmem:s12+$0xFFFFFFD0];
	(pc) =	sbr.rel @p0 .LBB2_16-.Ltmp7, $3  }
0x16a: {  	v5 =	vld [tilespmem:s12+$0x0];
	_ =	sdelay $0x1  }
0x16b: {  	v7 =	vmul.f32 v2, v7;
	v9 =	vmul.f32 v6, v2  }
0x16c: {  	v8 =	vmul.f32 v8, v2;
	v6 =	vmul.f32 v10, v2  }
0x16d: {  	[tilespmem:s10+$0x30] =	vst v9  }
0x16e: {  	[tilespmem:s10+$0xFFFFFFC0] =	vst v7  }
0x16f: {  	v1 =	vmul.f32 v1, v2;
	[tilespmem:s10+$0x10] =	vst v8  }
0x170: {  	v3 =	vmul.f32 v3, v2;
	[tilespmem:s10+$0xFFFFFFE0] =	vst v6  }
0x171: {  	v5 =	vmul.f32 v5, v2;
	[tilespmem:s10+$0xFFFFFFF0] =	vst v1  }
0x172: {  	v1 =	vmul.f32 v4, v2;
	[tilespmem:s10+$0x20] =	vst v3  }
0x173: {  	[tilespmem:s10+$0x0] =	vst v5  }
0x174: {  	s9 =	simm.s32 $0x0;
	s11 =	rddreg [dreg:$0xc];
	[tilespmem:s10+$0xFFFFFFD0] =	vst v1  }
0x175: {  	[hbm4b:s11+s9] =	stream.linear.scatter [tilespmem:s22], [sflag:$0x5], $0x4000, $0x38;
	[tilespmem:$0x1F600] =	vst v63  }
0x176: {  	_ =	swait.ge [sflag:s4], $0x4000  }
0x177: {  	[sflag:s4] =	ssyncset.done $0x0  }
0x178: {  	[sflag:s4] =	ssyncadd.s32 $0xFFFFC000  }
0x179: {  	_ =	swait.ge [sflag:s15], $0x4000  }
0x17a: {  	[sflag:s15] =	ssyncset.done $0x0  }
0x17b: {  	s10 =	simm.s32 $0x7640;
	[sflag:s15] =	ssyncadd.s32 $0xFFFFC000  }
0x17c: {  	[tilespmem:s22], [sflag:$0x1] =	stream.linear.gather [spmem:s21], $0x4000, $0x38;
	[tilespmem:$0x1F600] =	vst v63  }
0x17d: {  	v5 =	vld [tilespmem:s10+$0x30]  }
0x17e: {  	v8 =	vld [tilespmem:s10+$0x10]  }
0x17f: {  	s12 =	simm.s32 $0x0;
	v6 =	vld [tilespmem:s10+$0xFFFFFFC0]  }
0x180: {  	v2 =	vld.msk [tilespmem:s12+$0x3480 ss:$0x0], $0xffff  }
0x181: {  	v10 =	vld [tilespmem:s10+$0xFFFFFFE0]  }
0x182: {  	v1 =	vld [tilespmem:s10+$0xFFFFFFF0]  }
0x183: {  	v3 =	vld [tilespmem:s10+$0x20]  }
0x184: {  	v4 =	vld [tilespmem:s10+$0xFFFFFFD0]  }
0x185: {  	v9 =	vmul.f32 v5, v2;
	v5 =	vld [tilespmem:s10+$0x0]  }
0x186: {  	v7 =	vmul.f32 v2, v6  }
0x187: {  	s11 =	simm.s32 $0x4;
	s12 =	simm.s32 $0x7640;
	v6 =	vmul.f32 v10, v2;
	v8 =	vmul.f32 v8, v2  }
.LBB2_18:
0x188: {  	p0 =	sne.s32 s11, $0x1FC  }
0x189: {  	v4 =	vmul.f32 v4, v2;
	v3 =	vmul.f32 v3, v2;
	[tilespmem:s10+$0x30] =	vst v9;
	s12 =	sadd.s32 $0x80, s12;
	s9 =	smov.u32 s11;
	s11 =	sadd.s32 $0x4, s11  }
0x18a: {  	[tilespmem:s10+$0xFFFFFFC0] =	vst v7;
	v7 =	vmul.f32 v1, v2;
	v2 =	vmul.f32 v5, v2  }
0x18b: {  	[tilespmem:s10+$0x10] =	vst v8  }
0x18c: {  	[tilespmem:s10+$0xFFFFFFE0] =	vst v6  }
0x18d: {  	v1 =	vld [tilespmem:s12+$0xFFFFFFF0];
	[tilespmem:s10+$0xFFFFFFF0] =	vst v7  }
0x18e: {  	v6 =	vld [tilespmem:s12+$0x30];
	[tilespmem:s10+$0x0] =	vst v2  }
0x18f: {  	v8 =	vld [tilespmem:s12+$0x10];
	[tilespmem:s10+$0x20] =	vst v3  }
0x190: {  	s9 =	sshra.s32 s9, $0x2;
	v7 =	vld [tilespmem:s12+$0xFFFFFFC0];
	[tilespmem:s10+$0xFFFFFFD0] =	vst v4;
	s10 =	smov.u32 s12  }
0x191: {  	v2 =	vld.msk [tilespmem:s9+$0x3480 ss:$0x0], $0xffff  }
0x192: {  	v10 =	vld [tilespmem:s12+$0xFFFFFFE0]  }
0x193: {  	v3 =	vld [tilespmem:s12+$0x20]  }
.Ltmp8:
0x194: {  	v4 =	vld [tilespmem:s12+$0xFFFFFFD0];
	(pc) =	sbr.rel @p0 .LBB2_18-.Ltmp8, $3  }
0x195: {  	v5 =	vld [tilespmem:s12+$0x0];
	_ =	sdelay $0x1  }
0x196: {  	v7 =	vmul.f32 v2, v7;
	v9 =	vmul.f32 v6, v2  }
0x197: {  	v8 =	vmul.f32 v8, v2;
	v6 =	vmul.f32 v10, v2  }
0x198: {  	[tilespmem:s10+$0x30] =	vst v9  }
0x199: {  	[tilespmem:s10+$0xFFFFFFC0] =	vst v7  }
0x19a: {  	v1 =	vmul.f32 v1, v2;
	[tilespmem:s10+$0x10] =	vst v8  }
0x19b: {  	v3 =	vmul.f32 v3, v2;
	[tilespmem:s10+$0xFFFFFFE0] =	vst v6  }
0x19c: {  	v5 =	vmul.f32 v5, v2;
	[tilespmem:s10+$0xFFFFFFF0] =	vst v1  }
0x19d: {  	v1 =	vmul.f32 v4, v2;
	[tilespmem:s10+$0x20] =	vst v3  }
0x19e: {  	[tilespmem:s10+$0x0] =	vst v5  }
0x19f: {  	s9 =	simm.s32 $0x0;
	s11 =	rddreg [dreg:$0xd];
	[tilespmem:s10+$0xFFFFFFD0] =	vst v1  }
0x1a0: {  	[hbm4b:s11+s9] =	stream.linear.scatter [tilespmem:s29], [sflag:$0x6], $0x4000, $0x38;
	[tilespmem:$0x1F600] =	vst v63  }
0x1a1: {  	_ =	swait.ge [sflag:s0], $0x4000  }
0x1a2: {  	[sflag:s0] =	ssyncset.done $0x0  }
0x1a3: {  	s10 =	simm.s32 $0x3640;
	[sflag:s0] =	ssyncadd.s32 $0xFFFFC000  }
0x1a4: {  	v5 =	vld [tilespmem:s10+$0x30]  }
0x1a5: {  	v8 =	vld [tilespmem:s10+$0x10]  }
0x1a6: {  	s12 =	simm.s32 $0x0;
	v6 =	vld [tilespmem:s10+$0xFFFFFFC0]  }
0x1a7: {  	v2 =	vld.msk [tilespmem:s12+$0x3500 ss:$0x0], $0xffff  }
0x1a8: {  	v10 =	vld [tilespmem:s10+$0xFFFFFFE0]  }
0x1a9: {  	v1 =	vld [tilespmem:s10+$0xFFFFFFF0]  }
0x1aa: {  	v3 =	vld [tilespmem:s10+$0x20]  }
0x1ab: {  	v4 =	vld [tilespmem:s10+$0xFFFFFFD0]  }
0x1ac: {  	v9 =	vmul.f32 v5, v2;
	v5 =	vld [tilespmem:s10+$0x0]  }
0x1ad: {  	v7 =	vmul.f32 v2, v6  }
0x1ae: {  	s11 =	simm.s32 $0x4;
	s12 =	simm.s32 $0x3640;
	v6 =	vmul.f32 v10, v2;
	v8 =	vmul.f32 v8, v2  }
.LBB2_20:
0x1af: {  	p0 =	sne.s32 s11, $0x1FC  }
0x1b0: {  	v4 =	vmul.f32 v4, v2;
	v3 =	vmul.f32 v3, v2;
	[tilespmem:s10+$0x30] =	vst v9;
	s12 =	sadd.s32 $0x80, s12;
	s9 =	smov.u32 s11;
	s11 =	sadd.s32 $0x4, s11  }
0x1b1: {  	[tilespmem:s10+$0xFFFFFFC0] =	vst v7;
	v7 =	vmul.f32 v1, v2;
	v2 =	vmul.f32 v5, v2  }
0x1b2: {  	[tilespmem:s10+$0x10] =	vst v8  }
0x1b3: {  	[tilespmem:s10+$0xFFFFFFE0] =	vst v6  }
0x1b4: {  	v1 =	vld [tilespmem:s12+$0xFFFFFFF0];
	[tilespmem:s10+$0xFFFFFFF0] =	vst v7  }
0x1b5: {  	v6 =	vld [tilespmem:s12+$0x30];
	[tilespmem:s10+$0x0] =	vst v2  }
0x1b6: {  	v8 =	vld [tilespmem:s12+$0x10];
	[tilespmem:s10+$0x20] =	vst v3  }
0x1b7: {  	s9 =	sshra.s32 s9, $0x2;
	v7 =	vld [tilespmem:s12+$0xFFFFFFC0];
	[tilespmem:s10+$0xFFFFFFD0] =	vst v4;
	s10 =	smov.u32 s12  }
0x1b8: {  	v2 =	vld.msk [tilespmem:s9+$0x3500 ss:$0x0], $0xffff  }
0x1b9: {  	v10 =	vld [tilespmem:s12+$0xFFFFFFE0]  }
0x1ba: {  	v3 =	vld [tilespmem:s12+$0x20]  }
.Ltmp9:
0x1bb: {  	v4 =	vld [tilespmem:s12+$0xFFFFFFD0];
	(pc) =	sbr.rel @p0 .LBB2_20-.Ltmp9, $3  }
0x1bc: {  	v5 =	vld [tilespmem:s12+$0x0];
	_ =	sdelay $0x1  }
0x1bd: {  	v7 =	vmul.f32 v2, v7;
	v9 =	vmul.f32 v6, v2  }
0x1be: {  	v8 =	vmul.f32 v8, v2;
	v6 =	vmul.f32 v10, v2  }
0x1bf: {  	[tilespmem:s10+$0x30] =	vst v9  }
0x1c0: {  	[tilespmem:s10+$0xFFFFFFC0] =	vst v7  }
0x1c1: {  	v1 =	vmul.f32 v1, v2;
	[tilespmem:s10+$0x10] =	vst v8  }
0x1c2: {  	v3 =	vmul.f32 v3, v2;
	[tilespmem:s10+$0xFFFFFFE0] =	vst v6  }
0x1c3: {  	v5 =	vmul.f32 v5, v2;
	[tilespmem:s10+$0xFFFFFFF0] =	vst v1  }
0x1c4: {  	v1 =	vmul.f32 v4, v2;
	[tilespmem:s10+$0x20] =	vst v3  }
0x1c5: {  	[tilespmem:s10+$0x0] =	vst v5  }
0x1c6: {  	s9 =	simm.s32 $0x0;
	s11 =	rddreg [dreg:$0xe];
	[tilespmem:s10+$0xFFFFFFD0] =	vst v1  }
0x1c7: {  	[hbm4b:s11+s9] =	stream.linear.scatter [tilespmem:s22], [sflag:$0x5], $0x4000, $0x38;
	[tilespmem:$0x1F600] =	vst v63  }
0x1c8: {  	_ =	swait.ge [sflag:s16], $0x4000  }
0x1c9: {  	[sflag:s16] =	ssyncset.done $0x0  }
0x1ca: {  	[sflag:s16] =	ssyncadd.s32 $0xFFFFC000  }
0x1cb: {  	_ =	swait.ge [sflag:s15], $0x4000  }
0x1cc: {  	s17 =	sadd.s32 $0x1, s17;
	s12 =	rddreg [dreg:$0xf]  }
0x1cd: {  	p0 =	sne.s32 s17, s12  }
.Ltmp10:
0x1ce: {  	_ = 	snop;
	(pc) =	sbr.rel @p0 .LBB2_1-.Ltmp10, $3  }
0x1cf: {  	_ =	sdelay $0x1  }
0x1d0: {  	[sflag:s15] =	ssyncset.done $0x0  }
0x1d1: {  	[sflag:s15] =	ssyncadd.s32 $0xFFFFC000  }
0x1d2: {  	_ =	sfence.sel $0x180000  }
0x1d3: {  	[bflag:$0x0] =	sbarrier.arrive $0xFFFF  }
0x1d4: {  	_ =	strace $0x9000004A  }
0x1d5: {  	s0 =	stileid.u32;
	[bflag:$0x2] =	sbarrier.arrive $0xFFFF  }
0x1d6: {  	p0 =	sne.s32 s0, $0x0;
	s0 =	rddreg [dreg:$0x3]  }
0x1d7: {  	s0 =	sadd.s32 @!p0 $0x100000, s0  }
0x1d8: {  	[sflag:s0] =	ssyncadd.tile.s32 @!p0 $0x1;
	_ =	shalt  }
.Lfunc_end2:
_tile_overlayer_lowered:
.L_overlay_start_2:
0x1d9: {  	(tag) =	ssettag $0x2  }
0x1da: {  	s0 =	rddreg [dreg:$0x0];
	s2 =	stileid.u32  }
0x1db: {  	s1 =	rddreg [dreg:$0x1];
	p0 =	sne.s32 s2, $0x0  }
0x1dc: {  	s3 =	rddreg [dreg:$0x2];
	[bflag:$0x3] =	sbarrier.arrive $0xFFFF;
	s2 =	simm.s32 @!p0 $0x1C07  }
0x1dd: {  	[timem:s3], [sflag:s2] =	dma.local @!p0 [hbm:s0], s1  }
0x1de: {  	s0 =	simm.s32 @!p0 $0x7  }
0x1df: {  	_ =	swait.ge @!p0 [sflag:s0], s1  }
0x1e0: {  	s1 =	ssub.s32 @!p0 $0x0, s1;
	[sflag:s0] =	ssyncset.done @!p0 $0x0  }
0x1e1: {  	[sflag:s0] =	ssyncadd.s32 @!p0 s1  }
0x1e2: {  	[bflag:$0x3] =	sbarrier.arrive $0xFFFF  }
0x1e3: {  	_ =	shalt  }

// kernel: kernel.7.cloned.1.call-start
scs
__scs_entry_jumppad:
0x0: {  	(pc) =	sbr.rel $0x88, $3  }
0x1: {  	(tag) =	ssettag $0x0;
	lr =	simm.s32 $0x1  }
0x2: {  	[smem:$0x3F9C] =	sst lr;
	_ =	strace $0xD0000000  }
0x3: {  	_ = 	snop  }
0x4: {  	_ = 	snop  }
0x5: {  	_ = 	snop  }
0x6: {  	_ = 	snop  }
0x7: {  	_ = 	snop  }
__scs_overlays_trampoline_lowered:
0x8: {  	[smem:$0x3FAB] =	sst s0  }
0x9: {  	[smem:$0x3FAC] =	sst s1  }
0xa: {  	[smem:$0x3FAD] =	sst s2  }
0xb: {  	[smem:$0x3FAE] =	sst s3  }
0xc: {  	[smem:$0x3FAF] =	sst s4  }
0xd: {  	[smem:$0x3FB0] =	sst s5  }
0xe: {  	[smem:$0x3FB1] =	sst s6  }
0xf: {  	[smem:$0x3FB2] =	sst s7  }
0x10: {  	[smem:$0x3FB3] =	sst s8  }
0x11: {  	[smem:$0x3FB4] =	sst s9;
	s0 =	simm.s32 @!p0 $0x0  }
0x12: {  	s1 =	sld [smem:$0x3F9A];
	s0 =	simm.s32 @p0 $0x1  }
0x13: {  	[smem:$0x3FB5] =	sst s0;
	s0 =	simm.s32 @!p1 $0x0  }
0x14: {  	s2 =	sld [smem:$0x3F99];
	s0 =	simm.s32 @p1 $0x1  }
0x15: {  	[smem:$0x3FB6] =	sst s0;
	s0 =	simm.s32 @!p2 $0x0  }
0x16: {  	s3 =	sld [smem:$0x3FDB];
	s0 =	simm.s32 @p2 $0x1  }
0x17: {  	s4 =	simm.s32 $0x1BF5;
	[smem:$0x3FB8] =	sst s0  }
0x18: {  	s0 =	sld [smem:$0x3F9B];
	_ =	swait.ge [sflag:s4], $0x0  }
0x19: {  	s7 =	sld [smem:$0x3F9C]  }
0x1a: {  	s8 =	sadd.s32 $0xFFFFE003, lr  }
0x1b: {  	s9 =	sadd.s32 $0xFFFFFEF7, lr;
	s5 =	simm.s32 $0xFFFFFFFF;
	p2 =	slt.u32 s8, $0xFFFFF086  }
0x1c: {  	p1 =	slt.u32 s9, $0xF7A;
	s5 =	simm.s32 @!p2 $0x0  }
0x1d: {  	s5 =	simm.s32 @p1 $0x1;
	p0 =	seq.s32 s7, s2  }
0x1e: {  	s7 =	smul.u32 @!p0 $0xF7A, s2;
	p2 =	seq.s32 @!p0 s5, $0x0  }
0x1f: {  	s9 =	smul.u32 $0xF7A, s1;
	s8 =	simm.s32 @!p0 $0x1BF5;
	p2 =	por !p2, p0  }
0x20: {  	[sflag:s8] =	ssyncset.s32 @!p0 $0xFFFFF086;
	s6 =	sadd.s32 @!p0 s3, s7;
	s7 =	simm.s32 @!p0 $0x108  }
0x21: {  	s3 =	sadd.s32 s3, s9;
	s6 =	sadd.s32 @!p0 $0x88, s6;
	s7 =	simm.s32 @p2 $0x1082  }
0x22: {  	[simem:s7], [sflag:s8] =	dma.local @!p0 [hbm:s6], $0xF7A  }
0x23: {  	s9 =	sor.u32 $0xD0000000, s2;
	s6 =	simm.s32 $0x108;
	_ =	swait.ge @!p0 [sflag:s8], $0x0  }
0x24: {  	s3 =	sadd.s32 $0x88, s3;
	s6 =	simm.s32 @!p1 $0x1082;
	[sflag:s4] =	ssyncset.s32 $0xFFFFF086  }
0x25: {  	[simem:s6], [sflag:s4] =	dma.local [hbm:s3], $0xF7A  }
0x26: {  	[smem:$0x3F9C] =	sst s1;
	(tag) =	ssettag s2;
	_ =	strace s9  }
0x27: {  	s1 =	sld [smem:$0x3FAC]  }
0x28: {  	s2 =	sld [smem:$0x3FAD]  }
0x29: {  	s4 =	sld [smem:$0x3FAF]  }
0x2a: {  	p0 =	seq.s32 s5, $0x0;
	s5 =	sld [smem:$0x3FB0]  }
0x2b: {  	s6 =	sld [smem:$0x3FB1]  }
0x2c: {  	s7 =	sld [smem:$0x3FB2]  }
0x2d: {  	s3 =	simm.s32 $0x108;
	s8 =	sld [smem:$0x3FB3]  }
0x2e: {  	s3 =	simm.s32 @!p0 $0x1082;
	s9 =	sld [smem:$0x3FB4]  }
0x2f: {  	lr =	sadd.s32 s0, s3;
	s0 =	sld [smem:$0x3FAB]  }
0x30: {  	s3 =	sld [smem:$0x3FAE]  }
0x31: {  	[smem:$0x3FB7] =	sst s10  }
0x32: {  	s10 =	sld [smem:$0x3FB5];
	_ =	sdelay $0x3  }
0x33: {  	p0 =	seq.s32 s10, $0x1;
	s10 =	sld [smem:$0x3FB7];
	_ =	sdelay $0x3  }
0x34: {  	[smem:$0x3FB7] =	sst s10  }
0x35: {  	s10 =	sld [smem:$0x3FB6];
	_ =	sdelay $0x3  }
0x36: {  	p1 =	seq.s32 s10, $0x1;
	s10 =	sld [smem:$0x3FB7];
	_ =	sdelay $0x3  }
0x37: {  	[smem:$0x3FB7] =	sst s10  }
0x38: {  	s10 =	sld [smem:$0x3FB8]  }
0x39: {  	_ = 	snop;
	(pc) =	sbr.ind lr, $3  }
0x3a: {  	_ = 	snop  }
0x3b: {  	_ = 	snop  }
0x3c: {  	p2 =	seq.s32 s10, $0x1;
	s10 =	sld [smem:$0x3FB7]  }
0x3d: {  	_ =	shalt  }
0x3e: {  	_ =	shalt  }
0x3f: {  	_ =	shalt  }
0x40: {  	_ =	shalt  }
0x41: {  	_ =	shalt  }
0x42: {  	_ =	shalt  }
0x43: {  	_ =	shalt  }
0x44: {  	_ =	shalt  }
0x45: {  	_ =	shalt  }
0x46: {  	_ =	shalt  }
0x47: {  	_ =	shalt  }
0x48: {  	_ =	shalt  }
0x49: {  	_ =	shalt  }
0x4a: {  	_ =	shalt  }
0x4b: {  	_ =	shalt  }
0x4c: {  	_ =	shalt  }
0x4d: {  	_ =	shalt  }
0x4e: {  	_ =	shalt  }
0x4f: {  	_ =	shalt  }
0x50: {  	_ =	shalt  }
0x51: {  	_ =	shalt  }
0x52: {  	_ =	shalt  }
0x53: {  	_ =	shalt  }
0x54: {  	_ =	shalt  }
0x55: {  	_ =	shalt  }
0x56: {  	_ =	shalt  }
0x57: {  	_ =	shalt  }
0x58: {  	_ =	shalt  }
0x59: {  	_ =	shalt  }
0x5a: {  	_ =	shalt  }
0x5b: {  	_ =	shalt  }
0x5c: {  	_ =	shalt  }
0x5d: {  	_ =	shalt  }
0x5e: {  	_ =	shalt  }
0x5f: {  	_ =	shalt  }
0x60: {  	_ =	shalt  }
0x61: {  	_ =	shalt  }
0x62: {  	_ =	shalt  }
0x63: {  	_ =	shalt  }
0x64: {  	_ =	shalt  }
0x65: {  	_ =	shalt  }
0x66: {  	_ =	shalt  }
0x67: {  	_ =	shalt  }
0x68: {  	_ =	shalt  }
0x69: {  	_ =	shalt  }
0x6a: {  	_ =	shalt  }
0x6b: {  	_ =	shalt  }
0x6c: {  	_ =	shalt  }
0x6d: {  	_ =	shalt  }
0x6e: {  	_ =	shalt  }
0x6f: {  	_ =	shalt  }
0x70: {  	_ =	shalt  }
0x71: {  	_ =	shalt  }
0x72: {  	_ =	shalt  }
0x73: {  	_ =	shalt  }
0x74: {  	_ =	shalt  }
0x75: {  	_ =	shalt  }
0x76: {  	_ =	shalt  }
0x77: {  	_ =	shalt  }
0x78: {  	_ =	shalt  }
0x79: {  	_ =	shalt  }
0x7a: {  	_ =	shalt  }
0x7b: {  	_ =	shalt  }
0x7c: {  	_ =	shalt  }
0x7d: {  	_ =	shalt  }
0x7e: {  	_ =	shalt  }
0x7f: {  	_ =	shalt  }
0x80: {  	_ =	shalt  }
0x81: {  	_ =	shalt  }
0x82: {  	_ =	shalt  }
0x83: {  	_ =	shalt  }
0x84: {  	_ =	shalt  }
0x85: {  	_ =	shalt  }
0x86: {  	_ =	shalt  }
0x87: {  	_ =	shalt  }
.Lfunc_end0:
.L_simem_size_0:
called_computation_lowered:
.L_overlay_start_0:
0x88: {  	s2 =	sld [smem:$0x3FD9]  }
0x89: {  	s3 =	sld [smem:$0x3FFE];
	_ =	sdelay $0x1  }
0x8a: {  	s1 =	srdreg.scid  }
0x8b: {  	s0 =	sand.u32 $0x1, s1  }
0x8c: {  	s17 =	sshll.u32 s0, $0xA;
	s2 =	sadd.s32 s3, s2  }
0x8d: {  	s2 =	sadd.s32 s2, s17  }
0x8e: {  	[smem:$0x3FC3] =	sst s2  }
0x8f: {  	_ = 	snop  }
0x90: {  	s2 =	sld [smem:$0x3FD0];
	(tm) =	ssettm $0x1  }
0x91: {  	s18 =	sld [smem:$0x3FFB];
	_ =	sdelay $0x3  }
0x92: {  	_ =	strace s18  }
0x93: {  	s3 =	sld [smem:$0x3FFC];
	_ =	sdelay $0x3  }
0x94: {  	_ =	strace s3  }
0x95: {  	s3 =	sld [smem:$0x3FFD];
	_ =	sdelay $0x3  }
0x96: {  	_ =	strace s3  }
0x97: {  	_ =	strace $0x8FFFFFFF  }
0x98: {  	s19 =	sld [smem:$0x3FDB];
	_ =	sdelay $0x1  }
0x99: {  	s4 =	simm.s32 $_scs_section_size  }
0x9a: {  	s5 =	simm.s32 $_size__tile_overlayer_lowered;
	s6 =	simm.s32 $_tile_overlayer_lowered  }
0x9b: {  	s22 =	simm.s32 $0x1BFF;
	s21 =	sshll.u32 s6, $0x1;
	s3 =	sadd.s32 s4, s19  }
0x9c: {  	s7 =	simm.s32 $0x0;
	s20 =	sshll.u32 s5, $0x1;
	s5 =	sadd.s32 s21, s3  }
0x9d: {  	[timem:s7], [sflag:s22] =	dma.local [hbm:s5], s20  }
0x9e: {  	_ =	swait.ge [sflag:s22], s20  }
0x9f: {  	s4 =	ssub.s32 $0x0, s20;
	[sflag:s22] =	ssyncset.done $0x0  }
0xa0: {  	[sflag:s22] =	ssyncadd.s32 s4;
	_ =	sdelay $0x1  }
0xa1: {  	s23 =	simm.s32 $0x1B8B  }
0xa2: {  	_ =	swait.ge [sflag:s23], $0x1  }
0xa3: {  	[sflag:s23] =	ssyncset.done $0x0  }
0xa4: {  	s25 =	simm.s32 $0x1B8E;
	s24 =	sld [smem:$0x3FFE];
	[sflag:s23] =	ssyncadd.s32 $0xFFFFFFFF  }
0xa5: {  	s26 =	simm.s32 $execute0_lowered;
	[smem:$0x3FD2] =	sst s25  }
0xa6: {  	s5 =	sshll.u32 s26, $0x1;
	_ =	strace $0x80000046;
	[dreg:$0x1] =	wrdreg $0xFFFFFFFF  }
0xa7: {  	s28 =	simm.s32 $_size_execute0_lowered;
	s3 =	sadd.s32 s3, s5;
	[dreg:$0x0] =	wrdreg $0x0  }
0xa8: {  	s5 =	sshll.u32 s28, $0x1;
	[dreg:$0x2] =	wrdreg s3  }
0xa9: {  	[dreg:$0x3] =	wrdreg s5  }
0xaa: {  	[dreg:$0x4] =	wrdreg $0xC0  }
0xab: {  	_ =	task [dreg:s7], $0x5FFFF  }
0xac: {  	[dreg:$0x1] =	wrdreg $0xFFFFFFFF  }
0xad: {  	[dreg:$0x0] =	wrdreg $0x60  }
0xae: {  	[dreg:$0x2] =	wrdreg s2  }
0xaf: {  	[dreg:$0x3] =	wrdreg s24  }
0xb0: {  	[dreg:$0x4] =	wrdreg $0x22800  }
0xb1: {  	[dreg:$0x5] =	wrdreg $0x9  }
0xb2: {  	_ =	task.clear_ibuf [dreg:s7], $0x6FFFF;
	_ =	strace $0x90000046  }
0xb3: {  	s29 =	simm.s32 $0x9;
	_ =	strace $0x80000048  }
0xb4: {  	_ =	swait.ge [sflag:s29], $0x1  }
0xb5: {  	[sflag:s29] =	ssyncadd.s32 $0xFFFFFFFF  }
0xb6: {  	_ =	strace $0x90000048  }
0xb7: {  	_ =	sfence  }
0xb8: {  	s30 =	sld [smem:$0x0];
	_ =	sdelay $0x2  }
0xb9: {  	s31 =	sshll.u32 s1, $0xD;
	s1 =	sshrl.u32 s1, $0x2  }
0xba: {  	s3 =	sand.u32 $0x4000, s31;
	s1 =	sadd.s32 s1, s30  }
0xbb: {  	s0 =	sor.u32 s3, s0;
	s1 =	sshll.u32 s1, $0x11  }
0xbc: {  	s0 =	sor.u32 s1, s0  }
0xbd: {  	s0 =	sadd.s32 $0x8F2B, s0  }
0xbe: {  	[sflag:s0] =	ssyncadd.remote.s32 $0x1  }
0xbf: {  	_ =	sfence.sel $0xFFFF  }
0xc0: {  	[dreg:$0x0] =	wrdreg $0xFFFFFFFF;
	(pc) =	sbr.abs _section_cstart, $3  }
0xc1: {  	[dreg:$0x1] =	wrdreg $0xFFFFFFFF  }
0xc2: {  	_ =	task.clear_ibuf [dreg:s7], $0x2FFFF;
	_ =	strace $0x9FFFFFFF  }
0xc3: {  	(tm) =	ssettm $0x7FFFFFFF  }
tec
execute0_lowered:
.L_overlay_start_1:
0x0: {  	(tag) =	ssettag $0x1  }
0x1: {  	s4 =	rddreg [dreg:$0x0]  }
0x2: {  	s1 =	rddreg [dreg:$0x1]  }
0x3: {  	s2 =	rddreg [dreg:$0x2];
	s3 =	simm.s32 $0x0  }
0x4: {  	s9 =	simm.s32 $0x1100;
	[smem:$0x7FF] =	sst s3  }
0x5: {  	s10 =	simm.s32 $0x180;
	_ =	strace $0x80000047;
	[dreg:$0x8] =	wrdreg s9  }
0x6: {  	s11 =	simm.s32 $0x1180;
	[dreg:$0x9] =	wrdreg s10  }
0x7: {  	s12 =	simm.s32 $0x200;
	[dreg:$0xa] =	wrdreg s11  }
0x8: {  	s13 =	simm.s32 $0x1200;
	[dreg:$0xb] =	wrdreg s12  }
0x9: {  	s14 =	simm.s32 $0x1280;
	[dreg:$0xc] =	wrdreg s13  }
0xa: {  	s16 =	simm.s32 $0x300;
	[dreg:$0xd] =	wrdreg s14  }
0xb: {  	s8 =	stileid.u32;
	s17 =	simm.s32 $0x1300;
	[dreg:$0xe] =	wrdreg s16  }
0xc: {  	s0 =	srdreg.scid;
	s19 =	simm.s32 $0x380;
	[dreg:$0xf] =	wrdreg s17  }
0xd: {  	s20 =	simm.s32 $0x1380;
	s21 =	simm.s32 $0x400;
	[dreg:$0x10] =	wrdreg s19  }
0xe: {  	s23 =	simm.s32 $0x1400;
	s24 =	simm.s32 $0x480;
	[dreg:$0x11] =	wrdreg s20  }
0xf: {  	s25 =	simm.s32 $0x1480;
	s26 =	simm.s32 $0x500;
	[dreg:$0x12] =	wrdreg s21  }
0x10: {  	s28 =	simm.s32 $0x1C80;
	s29 =	simm.s32 $0xD00;
	[dreg:$0x13] =	wrdreg s23  }
0x11: {  	s30 =	simm.s32 $0x1D00;
	s31 =	simm.s32 $0xD80;
	[dreg:$0x14] =	wrdreg s24  }
0x12: {  	s5 =	smul.u32 $0xC00, s8;
	s0 =	sand.u32 $0x1, s0;
	[dreg:$0x15] =	wrdreg s25  }
0x13: {  	s15 =	sshrl.u32 s8, $0x1;
	[dreg:$0x16] =	wrdreg s26;
	s9 =	simm.s32 $0x580  }
0x14: {  	s22 =	sand.u32 $0x1, s8;
	s10 =	simm.s32 $0x1580;
	[dreg:$0x18] =	wrdreg s9  }
0x15: {  	s6 =	smul.u32 $0x600, s0;
	s11 =	simm.s32 $0x600;
	[dreg:$0x19] =	wrdreg s10  }
0x16: {  	s18 =	smul.u32 $0x500, s0;
	s12 =	simm.s32 $0x1600;
	[dreg:$0x1a] =	wrdreg s11  }
0x17: {  	p0 =	seq.s32 s22, $0x1;
	s14 =	simm.s32 $0x680;
	[dreg:$0x1b] =	wrdreg s12  }
0x18: {  	s21 =	simm.s32 $0x280;
	s16 =	simm.s32 $0x1680;
	[dreg:$0x1c] =	wrdreg s14  }
0x19: {  	s0 =	ssub.s32 $0x2, s0;
	s17 =	simm.s32 $0x700;
	[dreg:$0x1d] =	wrdreg s16  }
0x1a: {  	s19 =	simm.s32 $0x1700;
	s20 =	simm.s32 $0x780;
	[dreg:$0x1e] =	wrdreg s17  }
0x1b: {  	s22 =	simm.s32 $0x1780;
	s23 =	simm.s32 $0x800;
	[dreg:$0x1f] =	wrdreg s19  }
0x1c: {  	s24 =	simm.s32 $0x1800;
	s25 =	simm.s32 $0x880;
	[smem:$0x7F6] =	sst s20  }
0x1d: {  	s26 =	simm.s32 $0x1880;
	s7 =	sadd.s32 s5, s1;
	[smem:$0x7F8] =	sst s22  }
0x1e: {  	s4 =	sadd.s32 s5, s4;
	s5 =	smul.u32 $0xA00, s15;
	[smem:$0x7F9] =	sst s23  }
0x1f: {  	s13 =	sshrl.u32 s0, $0x1;
	s15 =	smul.u32 $0xA00, s8;
	[smem:$0x7FA] =	sst s24  }
0x20: {  	s9 =	simm.s32 $0x2;
	s10 =	simm.s32 $0x1000;
	[smem:$0x7FB] =	sst s25  }
0x21: {  	s11 =	simm.s32 $0x80;
	[smem:$0x7FC] =	sst s26;
	s8 =	simm.s32 $0x900  }
0x22: {  	s12 =	simm.s32 $0x1900;
	s14 =	simm.s32 $0x1980;
	s16 =	simm.s32 $0x1A00  }
0x23: {  	s17 =	simm.s32 $0xA80;
	s19 =	simm.s32 $0xB00;
	s20 =	simm.s32 $0x1B00  }
0x24: {  	s22 =	simm.s32 $0xB80;
	s23 =	simm.s32 $0x1B80;
	s24 =	simm.s32 $0xC00  }
0x25: {  	s25 =	simm.s32 $0x1C00;
	s26 =	simm.s32 $0xC80;
	s7 =	sadd.s32 s6, s7  }
0x26: {  	s4 =	sadd.s32 s6, s4;
	s6 =	simm.s32 $0x1080;
	s0 =	ssub.s32 s0, s13  }
0x27: {  	s13 =	simm.s32 $0x980;
	s7 =	sadd.s32 $0x1400, s7;
	[dreg:$0x5] =	wrdreg s4  }
0x28: {  	[dreg:$0x6] =	wrdreg s6;
	s5 =	sadd.s32 s18, s5;
	s6 =	simm.s32 $0x280  }
0x29: {  	s18 =	sshrl.u32 s15, $0x2;
	s0 =	smax.u32 s0, $0x1;
	s15 =	simm.s32 $0xA00  }
0x2a: {  	[dreg:$0x4] =	wrdreg s7;
	s7 =	simm.s32 $0x100;
	s6 =	simm.s32 @!p0 $0x0  }
0x2b: {  	[smem:$0x7F7] =	sst s0;
	s0 =	simm.s32 $0x1;
	s5 =	sadd.s32 s6, s5  }
0x2c: {  	[dreg:$0x7] =	wrdreg s7;
	s7 =	simm.s32 $0x1500;
	s5 =	sshrl.u32 s5, $0x3  }
0x2d: {  	s6 =	sadd.s32 s18, s2;
	[dreg:$0x17] =	wrdreg s7;
	s1 =	sadd.s32 s5, s1  }
0x2e: {  	s18 =	simm.s32 $0x1A80;
	[smem:$0x7FD] =	sst s6;
	s1 =	sadd.s32 $0xD400, s1  }
0x2f: {  	v0 =	vimm.f32 $0.0e+00;
	s5 =	simm.s32 $0x0;
	[smem:$0x7F5] =	sst s1;
	s1 =	simm.s32 $0x1D80  }
.LBB2_1:
0x30: {  	[tilespmem:$0x2000] =	vst v0  }
0x31: {  	[tilespmem:$0x2010] =	vst v0  }
0x32: {  	[tilespmem:$0x2020] =	vst v0  }
0x33: {  	[tilespmem:$0x2030] =	vst v0  }
0x34: {  	[tilespmem:$0x2040] =	vst v0  }
0x35: {  	[tilespmem:$0x2050] =	vst v0  }
0x36: {  	[tilespmem:$0x2060] =	vst v0  }
0x37: {  	[tilespmem:$0x2070] =	vst v0  }
0x38: {  	[tilespmem:$0x2080] =	vst v0  }
0x39: {  	[tilespmem:$0x2090] =	vst v0  }
0x3a: {  	[tilespmem:$0x20A0] =	vst v0  }
0x3b: {  	[tilespmem:$0x20B0] =	vst v0  }
0x3c: {  	[tilespmem:$0x20C0] =	vst v0  }
0x3d: {  	[tilespmem:$0x20D0] =	vst v0  }
0x3e: {  	[tilespmem:$0x20E0] =	vst v0  }
0x3f: {  	[tilespmem:$0x20F0] =	vst v0  }
0x40: {  	[tilespmem:$0x2100] =	vst v0  }
0x41: {  	[tilespmem:$0x2110] =	vst v0  }
0x42: {  	[tilespmem:$0x2120] =	vst v0  }
0x43: {  	[tilespmem:$0x2130] =	vst v0  }
0x44: {  	[tilespmem:$0x2140] =	vst v0  }
0x45: {  	[tilespmem:$0x2150] =	vst v0  }
0x46: {  	[tilespmem:$0x2160] =	vst v0  }
0x47: {  	[tilespmem:$0x2170] =	vst v0  }
0x48: {  	[tilespmem:$0x2180] =	vst v0  }
0x49: {  	[tilespmem:$0x2190] =	vst v0  }
0x4a: {  	[tilespmem:$0x21A0] =	vst v0  }
0x4b: {  	[tilespmem:$0x21B0] =	vst v0  }
0x4c: {  	[tilespmem:$0x21C0] =	vst v0  }
0x4d: {  	[tilespmem:$0x21D0] =	vst v0  }
0x4e: {  	[tilespmem:$0x21E0] =	vst v0  }
0x4f: {  	[tilespmem:$0x21F0] =	vst v0  }
0x50: {  	[tilespmem:$0x2200] =	vst v0  }
0x51: {  	[tilespmem:$0x2210] =	vst v0  }
0x52: {  	[tilespmem:$0x2220] =	vst v0  }
0x53: {  	[tilespmem:$0x2230] =	vst v0  }
0x54: {  	[tilespmem:$0x2240] =	vst v0  }
0x55: {  	[tilespmem:$0x2250] =	vst v0  }
0x56: {  	[tilespmem:$0x2260] =	vst v0  }
0x57: {  	[smem:$0x7F4] =	sst s5;
	[tilespmem:$0x2270] =	vst v0;
	s4 =	simm.s32 $0x2000  }
0x58: {  	[spmem:s6] =	stream.linear.scatter [tilespmem:s4], [sflag:$0x2], $0x280, $0x38;
	[tilespmem:$0x2500] =	vst v63  }
0x59: {  	_ =	swait.ge [sflag:s9], $0x280  }
0x5a: {  	[sflag:s9] =	ssyncset.done $0x0  }
0x5b: {  	[sflag:s9] =	ssyncadd.s32 $0xFFFFFD80  }
0x5c: {  	[bflag:$0x0] =	sbarrier.arrive $0xFFFF  }
0x5d: {  	s6 =	rddreg [dreg:$0x5]  }
0x5e: {  	s4 =	sadd.s32 $0x0, s6  }
0x5f: {  	[tilespmem:s3], [sflag:$0x2] =	stream.linear.gather [hbm4b:s4+s3], $0xE00, $0x38;
	[tilespmem:$0x2500] =	vst v63  }
0x60: {  	_ =	swait.ge [sflag:s9], $0xE00  }
0x61: {  	s7 =	rddreg [dreg:$0x4];
	[sflag:s9] =	ssyncset.done $0x0  }
0x62: {  	[sflag:s9] =	ssyncadd.s32 $0xFFFFF200;
	s4 =	sadd.s32 $0x0, s7  }
0x63: {  	[tilespmem:s10], [sflag:$0x2] =	stream.linear.gather [hbm4b:s4+s3], $0xE00, $0x38;
	[tilespmem:$0x2500] =	vst v63  }
0x64: {  	_ =	swait.ge [sflag:s9], $0xE00  }
0x65: {  	s4 =	rddreg [dreg:$0x7]  }
0x66: {  	[sflag:s9] =	ssyncset.done $0x0;
	s5 =	rddreg [dreg:$0x6]  }
0x67: {  	s6 =	rddreg [dreg:$0x8];
	[sflag:s9] =	ssyncadd.s32 $0xFFFFF200  }
0x68: {  	[spmem:s2] =	stream.indirect.scatter.add.f32 [tilespmem:s10], [sflag:$0x1], $0x1, s3, s11, $0xb8;
	[tilespmem:$0x2500] =	vst v63  }
0x69: {  	s7 =	rddreg [dreg:$0xa]  }
0x6a: {  	[spmem:s2] =	stream.indirect.scatter.add.f32 [tilespmem:s5], [sflag:$0x1], $0x1, s11, s11, $0xb8;
	[tilespmem:$0x2500] =	vst v63  }
0x6b: {  	s5 =	rddreg [dreg:$0x9]  }
0x6c: {  	[spmem:s2] =	stream.indirect.scatter.add.f32 [tilespmem:s6], [sflag:$0x1], $0x1, s4, s11, $0xb8;
	[tilespmem:$0x2500] =	vst v63  }
0x6d: {  	s4 =	rddreg [dreg:$0xc]  }
0x6e: {  	s6 =	rddreg [dreg:$0xb]  }
0x6f: {  	[spmem:s2] =	stream.indirect.scatter.add.f32 [tilespmem:s7], [sflag:$0x1], $0x1, s5, s11, $0xb8;
	[tilespmem:$0x2500] =	vst v63  }
0x70: {  	s5 =	rddreg [dreg:$0x11]  }
0x71: {  	s7 =	rddreg [dreg:$0xd]  }
0x72: {  	[spmem:s2] =	stream.indirect.scatter.add.f32 [tilespmem:s4], [sflag:$0x1], $0x1, s6, s11, $0xb8;
	[tilespmem:$0x2500] =	vst v63  }
0x73: {  	s4 =	rddreg [dreg:$0xf]  }
0x74: {  	s6 =	rddreg [dreg:$0xe]  }
0x75: {  	[spmem:s2] =	stream.indirect.scatter.add.f32 [tilespmem:s7], [sflag:$0x1], $0x1, s21, s11, $0xb8;
	[tilespmem:$0x2500] =	vst v63  }
0x76: {  	s21 =	rddreg [dreg:$0x10]  }
0x77: {  	s7 =	rddreg [dreg:$0x15]  }
0x78: {  	[spmem:s2] =	stream.indirect.scatter.add.f32 [tilespmem:s4], [sflag:$0x1], $0x1, s6, s11, $0xb8;
	[tilespmem:$0x2500] =	vst v63  }
0x79: {  	s4 =	rddreg [dreg:$0x13]  }
0x7a: {  	s6 =	rddreg [dreg:$0x12]  }
0x7b: {  	[spmem:s2] =	stream.indirect.scatter.add.f32 [tilespmem:s5], [sflag:$0x1], $0x1, s21, s11, $0xb8;
	[tilespmem:$0x2500] =	vst v63  }
0x7c: {  	s21 =	rddreg [dreg:$0x14]  }
0x7d: {  	[spmem:s2] =	stream.indirect.scatter.add.f32 [tilespmem:s4], [sflag:$0x1], $0x1, s6, s11, $0xb8;
	[tilespmem:$0x2500] =	vst v63  }
0x7e: {  	s4 =	rddreg [dreg:$0x17]  }
0x7f: {  	s6 =	rddreg [dreg:$0x16]  }
0x80: {  	[spmem:s2] =	stream.indirect.scatter.add.f32 [tilespmem:s7], [sflag:$0x1], $0x1, s21, s11, $0xb8;
	[tilespmem:$0x2500] =	vst v63  }
0x81: {  	s7 =	rddreg [dreg:$0x19]  }
0x82: {  	s21 =	rddreg [dreg:$0x18]  }
0x83: {  	[spmem:s2] =	stream.indirect.scatter.add.f32 [tilespmem:s4], [sflag:$0x1], $0x1, s6, s11, $0xb8;
	[tilespmem:$0x2500] =	vst v63  }
0x84: {  	s4 =	rddreg [dreg:$0x1b]  }
0x85: {  	s6 =	rddreg [dreg:$0x1a]  }
0x86: {  	[spmem:s2] =	stream.indirect.scatter.add.f32 [tilespmem:s7], [sflag:$0x1], $0x1, s21, s11, $0xb8;
	[tilespmem:$0x2500] =	vst v63  }
0x87: {  	s7 =	rddreg [dreg:$0x1d]  }
0x88: {  	s21 =	rddreg [dreg:$0x1c]  }
0x89: {  	[spmem:s2] =	stream.indirect.scatter.add.f32 [tilespmem:s4], [sflag:$0x1], $0x1, s6, s11, $0xb8;
	[tilespmem:$0x2500] =	vst v63  }
0x8a: {  	s4 =	rddreg [dreg:$0x1f]  }
0x8b: {  	s6 =	rddreg [dreg:$0x1e]  }
0x8c: {  	[spmem:s2] =	stream.indirect.scatter.add.f32 [tilespmem:s7], [sflag:$0x1], $0x1, s21, s11, $0xb8;
	[tilespmem:$0x2500] =	vst v63  }
0x8d: {  	s7 =	sld [smem:$0x7F8]  }
0x8e: {  	s21 =	sld [smem:$0x7F6]  }
0x8f: {  	[spmem:s2] =	stream.indirect.scatter.add.f32 [tilespmem:s4], [sflag:$0x1], $0x1, s6, s11, $0xb8;
	[tilespmem:$0x2500] =	vst v63  }
0x90: {  	s4 =	sld [smem:$0x7FA]  }
0x91: {  	s6 =	sld [smem:$0x7F9]  }
0x92: {  	[spmem:s2] =	stream.indirect.scatter.add.f32 [tilespmem:s7], [sflag:$0x1], $0x1, s21, s11, $0xb8;
	[tilespmem:$0x2500] =	vst v63  }
0x93: {  	s7 =	sld [smem:$0x7FC]  }
0x94: {  	s21 =	sld [smem:$0x7FB]  }
0x95: {  	[spmem:s2] =	stream.indirect.scatter.add.f32 [tilespmem:s4], [sflag:$0x1], $0x1, s6, s11, $0xb8;
	[tilespmem:$0x2500] =	vst v63  }
0x96: {  	_ = 	snop  }
0x97: {  	[spmem:s2] =	stream.indirect.scatter.add.f32 [tilespmem:s7], [sflag:$0x1], $0x1, s21, s11, $0xb8;
	[tilespmem:$0x2500] =	vst v63  }
0x98: {  	_ = 	snop  }
0x99: {  	[spmem:s2] =	stream.indirect.scatter.add.f32 [tilespmem:s12], [sflag:$0x1], $0x1, s8, s11, $0xb8;
	[tilespmem:$0x2500] =	vst v63  }
0x9a: {  	_ = 	snop  }
0x9b: {  	[spmem:s2] =	stream.indirect.scatter.add.f32 [tilespmem:s14], [sflag:$0x1], $0x1, s13, s11, $0xb8;
	[tilespmem:$0x2500] =	vst v63  }
0x9c: {  	_ = 	snop  }
0x9d: {  	[spmem:s2] =	stream.indirect.scatter.add.f32 [tilespmem:s16], [sflag:$0x1], $0x1, s15, s11, $0xb8;
	[tilespmem:$0x2500] =	vst v63  }
0x9e: {  	_ = 	snop  }
0x9f: {  	[spmem:s2] =	stream.indirect.scatter.add.f32 [tilespmem:s18], [sflag:$0x1], $0x1, s17, s11, $0xb8;
	[tilespmem:$0x2500] =	vst v63  }
0xa0: {  	_ = 	snop  }
0xa1: {  	[spmem:s2] =	stream.indirect.scatter.add.f32 [tilespmem:s20], [sflag:$0x1], $0x1, s19, s11, $0xb8;
	[tilespmem:$0x2500] =	vst v63  }
0xa2: {  	_ = 	snop  }
0xa3: {  	[spmem:s2] =	stream.indirect.scatter.add.f32 [tilespmem:s23], [sflag:$0x1], $0x1, s22, s11, $0xb8;
	[tilespmem:$0x2500] =	vst v63  }
0xa4: {  	_ = 	snop  }
0xa5: {  	[spmem:s2] =	stream.indirect.scatter.add.f32 [tilespmem:s25], [sflag:$0x1], $0x1, s24, s11, $0xb8;
	[tilespmem:$0x2500] =	vst v63  }
0xa6: {  	_ = 	snop  }
0xa7: {  	[spmem:s2] =	stream.indirect.scatter.add.f32 [tilespmem:s28], [sflag:$0x1], $0x1, s26, s11, $0xb8;
	[tilespmem:$0x2500] =	vst v63  }
0xa8: {  	_ = 	snop  }
0xa9: {  	[spmem:s2] =	stream.indirect.scatter.add.f32 [tilespmem:s30], [sflag:$0x1], $0x1, s29, s11, $0xb8;
	[tilespmem:$0x2500] =	vst v63  }
0xaa: {  	_ = 	snop  }
0xab: {  	[spmem:s2] =	stream.indirect.scatter.add.f32 [tilespmem:s1], [sflag:$0x1], $0x1, s31, s11, $0xb8;
	[tilespmem:$0x2500] =	vst v63  }
0xac: {  	_ =	swait.ge [sflag:s0], $0x80  }
0xad: {  	[sflag:s0] =	ssyncset.done $0x0  }
0xae: {  	[sflag:s0] =	ssyncadd.s32 $0xFFFFFF80  }
0xaf: {  	_ =	swait.ge [sflag:s0], $0x80  }
0xb0: {  	[sflag:s0] =	ssyncset.done $0x0  }
0xb1: {  	[sflag:s0] =	ssyncadd.s32 $0xFFFFFF80  }
0xb2: {  	_ =	swait.ge [sflag:s0], $0x80  }
0xb3: {  	[sflag:s0] =	ssyncset.done $0x0  }
0xb4: {  	[sflag:s0] =	ssyncadd.s32 $0xFFFFFF80  }
0xb5: {  	_ =	swait.ge [sflag:s0], $0x80  }
0xb6: {  	[sflag:s0] =	ssyncset.done $0x0  }
0xb7: {  	[sflag:s0] =	ssyncadd.s32 $0xFFFFFF80  }
0xb8: {  	_ =	swait.ge [sflag:s0], $0x80  }
0xb9: {  	[sflag:s0] =	ssyncset.done $0x0  }
0xba: {  	[sflag:s0] =	ssyncadd.s32 $0xFFFFFF80  }
0xbb: {  	_ =	swait.ge [sflag:s0], $0x80  }
0xbc: {  	[sflag:s0] =	ssyncset.done $0x0  }
0xbd: {  	[sflag:s0] =	ssyncadd.s32 $0xFFFFFF80  }
0xbe: {  	_ =	swait.ge [sflag:s0], $0x80  }
0xbf: {  	[sflag:s0] =	ssyncset.done $0x0  }
0xc0: {  	[sflag:s0] =	ssyncadd.s32 $0xFFFFFF80  }
0xc1: {  	_ =	swait.ge [sflag:s0], $0x80  }
0xc2: {  	[sflag:s0] =	ssyncset.done $0x0  }
0xc3: {  	[sflag:s0] =	ssyncadd.s32 $0xFFFFFF80  }
0xc4: {  	_ =	swait.ge [sflag:s0], $0x80  }
0xc5: {  	[sflag:s0] =	ssyncset.done $0x0  }
0xc6: {  	[sflag:s0] =	ssyncadd.s32 $0xFFFFFF80  }
0xc7: {  	_ =	swait.ge [sflag:s0], $0x80  }
0xc8: {  	[sflag:s0] =	ssyncset.done $0x0  }
0xc9: {  	[sflag:s0] =	ssyncadd.s32 $0xFFFFFF80  }
0xca: {  	_ =	swait.ge [sflag:s0], $0x80  }
0xcb: {  	[sflag:s0] =	ssyncset.done $0x0  }
0xcc: {  	[sflag:s0] =	ssyncadd.s32 $0xFFFFFF80  }
0xcd: {  	_ =	swait.ge [sflag:s0], $0x80  }
0xce: {  	[sflag:s0] =	ssyncset.done $0x0  }
0xcf: {  	[sflag:s0] =	ssyncadd.s32 $0xFFFFFF80  }
0xd0: {  	_ =	swait.ge [sflag:s0], $0x80  }
0xd1: {  	[sflag:s0] =	ssyncset.done $0x0  }
0xd2: {  	[sflag:s0] =	ssyncadd.s32 $0xFFFFFF80  }
0xd3: {  	_ =	swait.ge [sflag:s0], $0x80  }
0xd4: {  	[sflag:s0] =	ssyncset.done $0x0  }
0xd5: {  	[sflag:s0] =	ssyncadd.s32 $0xFFFFFF80  }
0xd6: {  	_ =	swait.ge [sflag:s0], $0x80  }
0xd7: {  	[sflag:s0] =	ssyncset.done $0x0  }
0xd8: {  	[sflag:s0] =	ssyncadd.s32 $0xFFFFFF80  }
0xd9: {  	_ =	swait.ge [sflag:s0], $0x80  }
0xda: {  	[sflag:s0] =	ssyncset.done $0x0  }
0xdb: {  	[sflag:s0] =	ssyncadd.s32 $0xFFFFFF80  }
0xdc: {  	_ =	swait.ge [sflag:s0], $0x80  }
0xdd: {  	[sflag:s0] =	ssyncset.done $0x0  }
0xde: {  	[sflag:s0] =	ssyncadd.s32 $0xFFFFFF80  }
0xdf: {  	_ =	swait.ge [sflag:s0], $0x80  }
0xe0: {  	[sflag:s0] =	ssyncset.done $0x0  }
0xe1: {  	[sflag:s0] =	ssyncadd.s32 $0xFFFFFF80  }
0xe2: {  	_ =	swait.ge [sflag:s0], $0x80  }
0xe3: {  	[sflag:s0] =	ssyncset.done $0x0  }
0xe4: {  	[sflag:s0] =	ssyncadd.s32 $0xFFFFFF80  }
0xe5: {  	_ =	swait.ge [sflag:s0], $0x80  }
0xe6: {  	[sflag:s0] =	ssyncset.done $0x0  }
0xe7: {  	[sflag:s0] =	ssyncadd.s32 $0xFFFFFF80  }
0xe8: {  	_ =	swait.ge [sflag:s0], $0x80  }
0xe9: {  	[sflag:s0] =	ssyncset.done $0x0  }
0xea: {  	[sflag:s0] =	ssyncadd.s32 $0xFFFFFF80  }
0xeb: {  	_ =	swait.ge [sflag:s0], $0x80  }
0xec: {  	[sflag:s0] =	ssyncset.done $0x0  }
0xed: {  	[sflag:s0] =	ssyncadd.s32 $0xFFFFFF80  }
0xee: {  	_ =	swait.ge [sflag:s0], $0x80  }
0xef: {  	s6 =	simm.s32 $0x200;
	[sflag:s0] =	ssyncset.done $0x0  }
.LBB2_2:
0xf0: {  	[sflag:s0] =	ssyncadd.s32 $0xFFFFFF80  }
0xf1: {  	_ =	swait.ge [sflag:s0], $0x80  }
0xf2: {  	[sflag:s0] =	ssyncset.done $0x0  }
0xf3: {  	[sflag:s0] =	ssyncadd.s32 $0xFFFFFF80  }
0xf4: {  	_ =	swait.ge [sflag:s0], $0x80  }
0xf5: {  	[sflag:s0] =	ssyncset.done $0x0  }
0xf6: {  	[sflag:s0] =	ssyncadd.s32 $0xFFFFFF80  }
0xf7: {  	_ =	swait.ge [sflag:s0], $0x80  }
0xf8: {  	[sflag:s0] =	ssyncset.done $0x0  }
0xf9: {  	[sflag:s0] =	ssyncadd.s32 $0xFFFFFF80  }
0xfa: {  	_ =	swait.ge [sflag:s0], $0x80  }
0xfb: {  	[sflag:s0] =	ssyncset.done $0x0  }
0xfc: {  	[sflag:s0] =	ssyncadd.s32 $0xFFFFFF80  }
0xfd: {  	_ =	swait.ge [sflag:s0], $0x80  }
0xfe: {  	s4 =	smov.u32 s6;
	s5 =	rddreg [dreg:$0x5];
	[sflag:s0] =	ssyncset.done $0x0  }
0xff: {  	[sflag:s0] =	ssyncadd.s32 $0xFFFFFF80;
	s5 =	sadd.s32 s4, s5  }
0x100: {  	[tilespmem:s3], [sflag:$0x2] =	stream.linear.gather [hbm4b:s5+s3], $0xE00, $0x38;
	[tilespmem:$0x2500] =	vst v63  }
0x101: {  	_ =	swait.ge [sflag:s9], $0xE00  }
0x102: {  	s24 =	rddreg [dreg:$0x4];
	[sflag:s9] =	ssyncset.done $0x0  }
0x103: {  	[sflag:s9] =	ssyncadd.s32 $0xFFFFF200;
	s4 =	sadd.s32 s4, s24  }
0x104: {  	[tilespmem:s10], [sflag:$0x2] =	stream.linear.gather [hbm4b:s4+s3], $0xE00, $0x38;
	[tilespmem:$0x2500] =	vst v63  }
0x105: {  	_ =	swait.ge [sflag:s9], $0xE00  }
0x106: {  	s7 =	sld [smem:$0x7FA]  }
0x107: {  	s5 =	sld [smem:$0x7F8]  }
0x108: {  	s8 =	rddreg [dreg:$0x1f]  }
0x109: {  	s4 =	rddreg [dreg:$0x1d]  }
0x10a: {  	s12 =	rddreg [dreg:$0x1b]  }
0x10b: {  	s13 =	rddreg [dreg:$0x19]  }
0x10c: {  	s14 =	rddreg [dreg:$0x17]  }
0x10d: {  	s15 =	rddreg [dreg:$0x15]  }
0x10e: {  	s16 =	rddreg [dreg:$0x13]  }
0x10f: {  	s17 =	rddreg [dreg:$0x11]  }
0x110: {  	s18 =	rddreg [dreg:$0xf]  }
0x111: {  	s19 =	rddreg [dreg:$0xd]  }
0x112: {  	s20 =	rddreg [dreg:$0xc]  }
0x113: {  	s21 =	rddreg [dreg:$0x7]  }
0x114: {  	[sflag:s9] =	ssyncset.done $0x0;
	s22 =	rddreg [dreg:$0x6]  }
0x115: {  	s23 =	rddreg [dreg:$0x8];
	[sflag:s9] =	ssyncadd.s32 $0xFFFFF200  }
0x116: {  	[spmem:s2] =	stream.indirect.scatter.add.f32 [tilespmem:s10], [sflag:$0x1], $0x1, s3, s11, $0xb8;
	[tilespmem:$0x2500] =	vst v63  }
0x117: {  	s24 =	rddreg [dreg:$0xa]  }
0x118: {  	[spmem:s2] =	stream.indirect.scatter.add.f32 [tilespmem:s22], [sflag:$0x1], $0x1, s11, s11, $0xb8;
	[tilespmem:$0x2500] =	vst v63  }
0x119: {  	s22 =	rddreg [dreg:$0x9]  }
0x11a: {  	[spmem:s2] =	stream.indirect.scatter.add.f32 [tilespmem:s23], [sflag:$0x1], $0x1, s21, s11, $0xb8;
	[tilespmem:$0x2500] =	vst v63  }
0x11b: {  	s21 =	rddreg [dreg:$0xb]  }
0x11c: {  	[spmem:s2] =	stream.indirect.scatter.add.f32 [tilespmem:s24], [sflag:$0x1], $0x1, s22, s11, $0xb8;
	[tilespmem:$0x2500] =	vst v63  }
0x11d: {  	s22 =	sld [smem:$0x7FC]  }
0x11e: {  	[spmem:s2] =	stream.indirect.scatter.add.f32 [tilespmem:s20], [sflag:$0x1], $0x1, s21, s11, $0xb8;
	[tilespmem:$0x2500] =	vst v63  }
0x11f: {  	s21 =	simm.s32 $0x280;
	s20 =	rddreg [dreg:$0xe]  }
0x120: {  	[spmem:s2] =	stream.indirect.scatter.add.f32 [tilespmem:s19], [sflag:$0x1], $0x1, s21, s11, $0xb8;
	[tilespmem:$0x2500] =	vst v63  }
0x121: {  	s19 =	rddreg [dreg:$0x10]  }
0x122: {  	[spmem:s2] =	stream.indirect.scatter.add.f32 [tilespmem:s18], [sflag:$0x1], $0x1, s20, s11, $0xb8;
	[tilespmem:$0x2500] =	vst v63  }
0x123: {  	s18 =	rddreg [dreg:$0x12]  }
0x124: {  	[spmem:s2] =	stream.indirect.scatter.add.f32 [tilespmem:s17], [sflag:$0x1], $0x1, s19, s11, $0xb8;
	[tilespmem:$0x2500] =	vst v63  }
0x125: {  	s17 =	rddreg [dreg:$0x14]  }
0x126: {  	[spmem:s2] =	stream.indirect.scatter.add.f32 [tilespmem:s16], [sflag:$0x1], $0x1, s18, s11, $0xb8;
	[tilespmem:$0x2500] =	vst v63  }
0x127: {  	s16 =	rddreg [dreg:$0x16]  }
0x128: {  	[spmem:s2] =	stream.indirect.scatter.add.f32 [tilespmem:s15], [sflag:$0x1], $0x1, s17, s11, $0xb8;
	[tilespmem:$0x2500] =	vst v63  }
0x129: {  	s15 =	rddreg [dreg:$0x18]  }
0x12a: {  	[spmem:s2] =	stream.indirect.scatter.add.f32 [tilespmem:s14], [sflag:$0x1], $0x1, s16, s11, $0xb8;
	[tilespmem:$0x2500] =	vst v63  }
0x12b: {  	s14 =	rddreg [dreg:$0x1a]  }
0x12c: {  	[spmem:s2] =	stream.indirect.scatter.add.f32 [tilespmem:s13], [sflag:$0x1], $0x1, s15, s11, $0xb8;
	[tilespmem:$0x2500] =	vst v63  }
0x12d: {  	s13 =	rddreg [dreg:$0x1c]  }
0x12e: {  	[spmem:s2] =	stream.indirect.scatter.add.f32 [tilespmem:s12], [sflag:$0x1], $0x1, s14, s11, $0xb8;
	[tilespmem:$0x2500] =	vst v63  }
0x12f: {  	s12 =	rddreg [dreg:$0x1e]  }
0x130: {  	[spmem:s2] =	stream.indirect.scatter.add.f32 [tilespmem:s4], [sflag:$0x1], $0x1, s13, s11, $0xb8;
	[tilespmem:$0x2500] =	vst v63  }
0x131: {  	s4 =	sld [smem:$0x7F6]  }
0x132: {  	[spmem:s2] =	stream.indirect.scatter.add.f32 [tilespmem:s8], [sflag:$0x1], $0x1, s12, s11, $0xb8;
	[tilespmem:$0x2500] =	vst v63  }
0x133: {  	s8 =	sld [smem:$0x7F9]  }
0x134: {  	[spmem:s2] =	stream.indirect.scatter.add.f32 [tilespmem:s5], [sflag:$0x1], $0x1, s4, s11, $0xb8;
	[tilespmem:$0x2500] =	vst v63  }
0x135: {  	s5 =	sld [smem:$0x7FB]  }
0x136: {  	[spmem:s2] =	stream.indirect.scatter.add.f32 [tilespmem:s7], [sflag:$0x1], $0x1, s8, s11, $0xb8;
	[tilespmem:$0x2500] =	vst v63  }
0x137: {  	_ = 	snop  }
0x138: {  	[spmem:s2] =	stream.indirect.scatter.add.f32 [tilespmem:s22], [sflag:$0x1], $0x1, s5, s11, $0xb8;
	[tilespmem:$0x2500] =	vst v63  }
0x139: {  	s12 =	simm.s32 $0x1900;
	s8 =	simm.s32 $0x900  }
0x13a: {  	[spmem:s2] =	stream.indirect.scatter.add.f32 [tilespmem:s12], [sflag:$0x1], $0x1, s8, s11, $0xb8;
	[tilespmem:$0x2500] =	vst v63  }
0x13b: {  	s14 =	simm.s32 $0x1980;
	s13 =	simm.s32 $0x980  }
0x13c: {  	[spmem:s2] =	stream.indirect.scatter.add.f32 [tilespmem:s14], [sflag:$0x1], $0x1, s13, s11, $0xb8;
	[tilespmem:$0x2500] =	vst v63  }
0x13d: {  	s16 =	simm.s32 $0x1A00;
	s15 =	simm.s32 $0xA00  }
0x13e: {  	[spmem:s2] =	stream.indirect.scatter.add.f32 [tilespmem:s16], [sflag:$0x1], $0x1, s15, s11, $0xb8;
	[tilespmem:$0x2500] =	vst v63  }
0x13f: {  	s18 =	simm.s32 $0x1A80;
	s17 =	simm.s32 $0xA80  }
0x140: {  	[spmem:s2] =	stream.indirect.scatter.add.f32 [tilespmem:s18], [sflag:$0x1], $0x1, s17, s11, $0xb8;
	[tilespmem:$0x2500] =	vst v63  }
0x141: {  	s20 =	simm.s32 $0x1B00;
	s19 =	simm.s32 $0xB00  }
0x142: {  	[spmem:s2] =	stream.indirect.scatter.add.f32 [tilespmem:s20], [sflag:$0x1], $0x1, s19, s11, $0xb8;
	[tilespmem:$0x2500] =	vst v63  }
0x143: {  	s23 =	simm.s32 $0x1B80;
	s22 =	simm.s32 $0xB80  }
0x144: {  	[spmem:s2] =	stream.indirect.scatter.add.f32 [tilespmem:s23], [sflag:$0x1], $0x1, s22, s11, $0xb8;
	[tilespmem:$0x2500] =	vst v63  }
0x145: {  	s24 =	simm.s32 $0xC00  }
0x146: {  	[spmem:s2] =	stream.indirect.scatter.add.f32 [tilespmem:s25], [sflag:$0x1], $0x1, s24, s11, $0xb8;
	[tilespmem:$0x2500] =	vst v63  }
0x147: {  	_ = 	snop  }
0x148: {  	[spmem:s2] =	stream.indirect.scatter.add.f32 [tilespmem:s28], [sflag:$0x1], $0x1, s26, s11, $0xb8;
	[tilespmem:$0x2500] =	vst v63  }
0x149: {  	_ = 	snop  }
0x14a: {  	[spmem:s2] =	stream.indirect.scatter.add.f32 [tilespmem:s30], [sflag:$0x1], $0x1, s29, s11, $0xb8;
	[tilespmem:$0x2500] =	vst v63  }
0x14b: {  	_ = 	snop  }
0x14c: {  	[spmem:s2] =	stream.indirect.scatter.add.f32 [tilespmem:s1], [sflag:$0x1], $0x1, s31, s11, $0xb8;
	[tilespmem:$0x2500] =	vst v63  }
0x14d: {  	_ =	swait.ge [sflag:s0], $0x80  }
0x14e: {  	[sflag:s0] =	ssyncset.done $0x0  }
0x14f: {  	[sflag:s0] =	ssyncadd.s32 $0xFFFFFF80  }
0x150: {  	_ =	swait.ge [sflag:s0], $0x80  }
0x151: {  	[sflag:s0] =	ssyncset.done $0x0  }
0x152: {  	[sflag:s0] =	ssyncadd.s32 $0xFFFFFF80  }
0x153: {  	_ =	swait.ge [sflag:s0], $0x80  }
0x154: {  	[sflag:s0] =	ssyncset.done $0x0  }
0x155: {  	[sflag:s0] =	ssyncadd.s32 $0xFFFFFF80  }
0x156: {  	_ =	swait.ge [sflag:s0], $0x80  }
0x157: {  	[sflag:s0] =	ssyncset.done $0x0  }
0x158: {  	[sflag:s0] =	ssyncadd.s32 $0xFFFFFF80  }
0x159: {  	_ =	swait.ge [sflag:s0], $0x80  }
0x15a: {  	[sflag:s0] =	ssyncset.done $0x0  }
0x15b: {  	[sflag:s0] =	ssyncadd.s32 $0xFFFFFF80  }
0x15c: {  	_ =	swait.ge [sflag:s0], $0x80  }
0x15d: {  	[sflag:s0] =	ssyncset.done $0x0  }
0x15e: {  	[sflag:s0] =	ssyncadd.s32 $0xFFFFFF80  }
0x15f: {  	_ =	swait.ge [sflag:s0], $0x80  }
0x160: {  	[sflag:s0] =	ssyncset.done $0x0  }
0x161: {  	[sflag:s0] =	ssyncadd.s32 $0xFFFFFF80  }
0x162: {  	_ =	swait.ge [sflag:s0], $0x80  }
0x163: {  	[sflag:s0] =	ssyncset.done $0x0  }
0x164: {  	[sflag:s0] =	ssyncadd.s32 $0xFFFFFF80  }
0x165: {  	_ =	swait.ge [sflag:s0], $0x80  }
0x166: {  	[sflag:s0] =	ssyncset.done $0x0  }
0x167: {  	[sflag:s0] =	ssyncadd.s32 $0xFFFFFF80  }
0x168: {  	_ =	swait.ge [sflag:s0], $0x80  }
0x169: {  	[sflag:s0] =	ssyncset.done $0x0  }
0x16a: {  	[sflag:s0] =	ssyncadd.s32 $0xFFFFFF80  }
0x16b: {  	_ =	swait.ge [sflag:s0], $0x80  }
0x16c: {  	[sflag:s0] =	ssyncset.done $0x0  }
0x16d: {  	[sflag:s0] =	ssyncadd.s32 $0xFFFFFF80  }
0x16e: {  	_ =	swait.ge [sflag:s0], $0x80  }
0x16f: {  	[sflag:s0] =	ssyncset.done $0x0  }
0x170: {  	[sflag:s0] =	ssyncadd.s32 $0xFFFFFF80  }
0x171: {  	_ =	swait.ge [sflag:s0], $0x80  }
0x172: {  	[sflag:s0] =	ssyncset.done $0x0  }
0x173: {  	[sflag:s0] =	ssyncadd.s32 $0xFFFFFF80  }
0x174: {  	_ =	swait.ge [sflag:s0], $0x80  }
0x175: {  	[sflag:s0] =	ssyncset.done $0x0  }
0x176: {  	[sflag:s0] =	ssyncadd.s32 $0xFFFFFF80  }
0x177: {  	_ =	swait.ge [sflag:s0], $0x80  }
0x178: {  	[sflag:s0] =	ssyncset.done $0x0  }
0x179: {  	[sflag:s0] =	ssyncadd.s32 $0xFFFFFF80  }
0x17a: {  	_ =	swait.ge [sflag:s0], $0x80  }
0x17b: {  	[sflag:s0] =	ssyncset.done $0x0  }
0x17c: {  	[sflag:s0] =	ssyncadd.s32 $0xFFFFFF80  }
0x17d: {  	_ =	swait.ge [sflag:s0], $0x80  }
0x17e: {  	[sflag:s0] =	ssyncset.done $0x0  }
0x17f: {  	[sflag:s0] =	ssyncadd.s32 $0xFFFFFF80  }
0x180: {  	_ =	swait.ge [sflag:s0], $0x80  }
0x181: {  	[sflag:s0] =	ssyncset.done $0x0  }
0x182: {  	[sflag:s0] =	ssyncadd.s32 $0xFFFFFF80  }
0x183: {  	_ =	swait.ge [sflag:s0], $0x80  }
0x184: {  	[sflag:s0] =	ssyncset.done $0x0  }
0x185: {  	[sflag:s0] =	ssyncadd.s32 $0xFFFFFF80  }
0x186: {  	_ =	swait.ge [sflag:s0], $0x80  }
0x187: {  	[sflag:s0] =	ssyncset.done $0x0  }
0x188: {  	[sflag:s0] =	ssyncadd.s32 $0xFFFFFF80  }
0x189: {  	_ =	swait.ge [sflag:s0], $0x80  }
0x18a: {  	[sflag:s0] =	ssyncset.done $0x0  }
0x18b: {  	p0 =	sne.s32 s6, $0x400;
	[sflag:s0] =	ssyncadd.s32 $0xFFFFFF80  }
.Ltmp0:
0x18c: {  	_ =	swait.ge [sflag:s0], $0x80;
	(pc) =	sbr.rel @p0 .LBB2_2-.Ltmp0, $4  }
0x18d: {  	[sflag:s0] =	ssyncset.done $0x0  }
0x18e: {  	[sflag:s0] =	ssyncadd.s32 $0xFFFFFF80  }
0x18f: {  	_ =	swait.ge [sflag:s0], $0x80  }
0x190: {  	s6 =	sadd.s32 $0x200, s6;
	[sflag:s0] =	ssyncset.done $0x0  }
0x191: {  	[sflag:s0] =	ssyncadd.s32 $0xFFFFFF80  }
0x192: {  	_ =	swait.ge [sflag:s0], $0x80  }
0x193: {  	[sflag:s0] =	ssyncset.done $0x0  }
0x194: {  	[sflag:s0] =	ssyncadd.s32 $0xFFFFFF80  }
0x195: {  	_ =	swait.ge [sflag:s0], $0x80  }
0x196: {  	[sflag:s0] =	ssyncset.done $0x0  }
0x197: {  	[sflag:s0] =	ssyncadd.s32 $0xFFFFFF80  }
0x198: {  	_ =	swait.ge [sflag:s0], $0x80  }
0x199: {  	[sflag:s0] =	ssyncset.done $0x0  }
0x19a: {  	[sflag:s0] =	ssyncadd.s32 $0xFFFFFF80  }
0x19b: {  	_ =	swait.ge [sflag:s0], $0x80  }
0x19c: {  	[sflag:s0] =	ssyncset.done $0x0  }
0x19d: {  	[sflag:s0] =	ssyncadd.s32 $0xFFFFFF80  }
0x19e: {  	_ =	swait.ge [sflag:s0], $0x80  }
0x19f: {  	[sflag:s0] =	ssyncset.done $0x0  }
0x1a0: {  	[sflag:s0] =	ssyncadd.s32 $0xFFFFFF80  }
0x1a1: {  	[bflag:$0x0] =	sbarrier.arrive $0xFFFF  }
0x1a2: {  	s6 =	sld [smem:$0x7FD]  }
0x1a3: {  	s4 =	stileid.u32;
	s7 =	sld [smem:$0x7F5]  }
0x1a4: {  	s4 =	sshll.u32 s4, $0x6  }
0x1a5: {  	s4 =	sor.u32 $0x1C02, s4;
	s5 =	sshrl.u32 s6, $0x3  }
0x1a6: {  	[hbm:s7], [sflag:s4] =	dma.local [spmem:s5], $0x50  }
0x1a7: {  	_ =	swait.ge [sflag:s9], $0x50  }
0x1a8: {  	s4 =	sld [smem:$0x7F4]  }
0x1a9: {  	s7 =	sld [smem:$0x7F7];
	_ =	sdelay $0x1  }
0x1aa: {  	s5 =	sadd.s32 $0x1, s4  }
0x1ab: {  	p0 =	sne.s32 s5, s7  }
.Ltmp1:
0x1ac: {  	_ = 	snop;
	(pc) =	sbr.rel @p0 .LBB2_1-.Ltmp1, $3  }
0x1ad: {  	_ =	sdelay $0x1  }
0x1ae: {  	[sflag:s9] =	ssyncset.done $0x0  }
0x1af: {  	[sflag:s9] =	ssyncadd.s32 $0xFFFFFFB0  }
0x1b0: {  	_ =	sfence.sel $0x180000  }
0x1b1: {  	[bflag:$0x0] =	sbarrier.arrive $0xFFFF  }
0x1b2: {  	_ =	strace $0x90000047  }
0x1b3: {  	s0 =	stileid.u32;
	[bflag:$0x2] =	sbarrier.arrive $0xFFFF  }
0x1b4: {  	p0 =	sne.s32 s0, $0x0;
	s0 =	rddreg [dreg:$0x3]  }
0x1b5: {  	s0 =	sadd.s32 @!p0 $0x100000, s0  }
0x1b6: {  	[sflag:s0] =	ssyncadd.tile.s32 @!p0 $0x1;
	_ =	shalt  }
.Lfunc_end2:
_tile_overlayer_lowered:
.L_overlay_start_2:
0x1b7: {  	(tag) =	ssettag $0x2  }
0x1b8: {  	s0 =	rddreg [dreg:$0x0];
	s2 =	stileid.u32  }
0x1b9: {  	s1 =	rddreg [dreg:$0x1];
	p0 =	sne.s32 s2, $0x0  }
0x1ba: {  	s3 =	rddreg [dreg:$0x2];
	[bflag:$0x3] =	sbarrier.arrive $0xFFFF;
	s2 =	simm.s32 @!p0 $0x1C02  }
0x1bb: {  	[timem:s3], [sflag:s2] =	dma.local @!p0 [hbm:s0], s1  }
0x1bc: {  	s0 =	simm.s32 @!p0 $0x2  }
0x1bd: {  	_ =	swait.ge @!p0 [sflag:s0], s1  }
0x1be: {  	s1 =	ssub.s32 @!p0 $0x0, s1;
	[sflag:s0] =	ssyncset.done @!p0 $0x0  }
0x1bf: {  	[sflag:s0] =	ssyncadd.s32 @!p0 s1  }
0x1c0: {  	[bflag:$0x3] =	sbarrier.arrive $0xFFFF  }
0x1c1: {  	_ =	shalt  }

</sc_bundles>
